<compile_context>
chip_gen: v7x
topology: tpu7x:2x2x1
jax: 0.10.2.dev20260603
libtpu: 0.0.44.dev20260713+nightly
codegen_flags: <defaults>
</compile_context>

<pallas_src>
import functools

import jax
import jax.numpy as jnp
from jax import lax
from jax.experimental import pallas as pl
from jax.experimental.pallas import tpu as pltpu
from jax.experimental.pallas import tpu_sc as plsc

EMBED = 64
FACTOR = 8.0

NUM_CORES = 2
NUM_SUBCORES = 16
NUM_WORKERS = NUM_CORES * NUM_SUBCORES
LANES = 16
VB = 128

LINEAR = pltpu.CompilerParams(
    use_tc_tiling_on_sc=False, needs_layout_passes=False
)


@jax.jit
def _gather_out(srcT, table):
    row_len, n_rows = srcT.shape
    assert n_rows == NUM_WORKERS * VB and row_len % 2 == 0
    mesh = plsc.VectorSubcoreMesh(core_axis_name="c", subcore_axis_name="s")

    @functools.partial(
        pl.kernel,
        out_type=jax.ShapeDtypeStruct(
            (row_len, EMBED // 8, n_rows // VB, 8, VB), jnp.float32),
        mesh=mesh,
        scratch_types=[
            pltpu.VMEM((row_len, VB), jnp.int32),
            pltpu.VMEM((VB, EMBED), jnp.float32),
            pltpu.VMEM((VB, EMBED), jnp.float32),
            pltpu.VMEM((EMBED // 8, 8, VB + 1), jnp.float32),
            pltpu.VMEM((EMBED // 8, 8, VB + 1), jnp.float32),
            pltpu.SemaphoreType.DMA,
            pltpu.SemaphoreType.DMA,
            pltpu.SemaphoreType.DMA,
            pltpu.SemaphoreType.DMA,
            pltpu.SemaphoreType.DMA,
        ],
        compiler_params=LINEAR,
    )
    def body(table_hbm, srcT_hbm, out4_hbm, idxT, g0, g1, w0, w1,
             isem, gs0, gs1, ws0, ws1):
        wid = lax.axis_index("s") * NUM_CORES + lax.axis_index("c")
        col0 = wid * VB
        iota = lax.iota(jnp.int32, LANES)

        pltpu.async_copy(srcT_hbm.at[:, pl.ds(col0, VB)], idxT, isem)
        pltpu.make_async_copy(
            srcT_hbm.at[:, pl.ds(0, VB)], idxT, isem
        ).wait()

        r1 = [lax.shift_right_logical(iota + 16 * k, 3) for k in range(4)]
        r2 = [lax.bitwise_and(iota + 16 * k, 7) for k in range(4)]

        def fire_gather(c, gbuf, gsem):
            pltpu.async_copy(table_hbm.at[idxT.at[c]], gbuf, gsem)

        def drain_gather(gbuf, gsem):
            pltpu.make_async_copy(
                table_hbm.at[pl.ds(0, VB)], gbuf, gsem
            ).wait()

        def build(c, gbuf, wbuf):
            def step_t(t, c2):
                colt = jnp.full((LANES,), 16 * t, jnp.int32)
                for j in range(LANES):
                    b = 16 * t + j
                    vs = [
                        gbuf[b, pl.ds(16 * k, 16)]
                        for k in range(EMBED // LANES)
                    ]
                    colv = colt + j
                    for k in range(EMBED // LANES):
                        plsc.store_scatter(
                            wbuf, (r1[k], r2[k], colv), vs[k] * FACTOR
                        )
                return c2

            lax.fori_loop(0, 8, step_t, 0)

        def fire_write(c, wbuf, wsem):
            pltpu.async_copy(
                wbuf.at[:, :, pl.ds(0, VB)], out4_hbm.at[c, :, wid], wsem
            )

        def drain_write(wbuf, wsem):
            pltpu.make_async_copy(
                wbuf.at[:, :, pl.ds(0, VB)], out4_hbm.at[0, :, 0], wsem
            ).wait()

        fire_gather(0, g0, gs0)

        def step(j, carry):
            c0 = 2 * j
            c1 = c0 + 1

            drain_gather(g0, gs0)
            fire_gather(c1, g1, gs1)

            @pl.when(j > 0)
            def _():
                drain_write(w0, ws0)

            build(c0, g0, w0)
            fire_write(c0, w0, ws0)

            drain_gather(g1, gs1)

            @pl.when(c1 + 1 < row_len)
            def _():
                fire_gather(c1 + 1, g0, gs0)

            @pl.when(j > 0)
            def _():
                drain_write(w1, ws1)

            build(c1, g1, w1)
            fire_write(c1, w1, ws1)
            return carry

        lax.fori_loop(0, row_len // 2, step, 0)
        drain_write(w0, ws0)
        drain_write(w1, ws1)

    return body(table, srcT)


def kernel(src, table):
    n_rows, row_len = src.shape
    vocab, embed = table.shape
    assert embed == EMBED and n_rows == NUM_WORKERS * VB
    out4 = _gather_out(src.T, table)
    return jnp.reshape(
        jnp.transpose(out4, (2, 4, 0, 1, 3)), (n_rows, row_len, embed)
    )

# --- scband reference (transcript-rebuilt; emitter-appended) ---
"""Pipeline reference for scband-norm-embedding-20495583936839 (READ-ONLY COPY).

The authoritative reference and input builder live on the scoring server;
editing this copy changes nothing except your own understanding.
"""

import jax, jax.numpy as jnp
import numpy as np
import math

VOCAB = 1000000
EMBED = 64

def setup_inputs(seed: int = 0) -> dict:
    key = jax.random.key(seed)
    k1, k2 = jax.random.split(key)
    src = jax.random.randint(k1, (4096, 200), 0, VOCAB, dtype=jnp.int64 if jax.config.jax_enable_x64 else jnp.int32).astype(jnp.int32)
    table = jax.random.normal(k2, (VOCAB, EMBED), dtype=jnp.float32)
    return {"src": src, "table": table}

def reference(src, table):
    factor = math.sqrt(EMBED)
    emb = jnp.take(table, src, axis=0)
    return emb * factor

if __name__ == "__main__":
    import jax
    _d = setup_inputs()
    print(jax.jit(kernel)(*tuple(_d.values())))

</pallas_src>

<mosaic_0001>
#map = affine_map<(d0, d1) -> (0, 0)>
#map1 = affine_map<(d0, d1) -> (0, 0, 0, 0, 0)>
module attributes {stable_mosaic.version = 14 : i64} {
  func.func @body(%arg0: i32, %arg1: i32, %arg2: memref<1000000x64xf32, #tpu.memory_space<hbm>>, %arg3: memref<200x4096xi32, #tpu.memory_space<hbm>>, %arg4: memref<200x8x32x8x128xf32, #tpu.memory_space<hbm>>, %arg5: memref<200x128xi32, #tpu.memory_space<vmem>>, %arg6: memref<128x64xf32, #tpu.memory_space<vmem>>, %arg7: memref<128x64xf32, #tpu.memory_space<vmem>>, %arg8: memref<8x8x129xf32, #tpu.memory_space<vmem>>, %arg9: memref<8x8x129xf32, #tpu.memory_space<vmem>>, %arg10: memref<!tpu.dma_semaphore, #tpu.memory_space<semaphore_mem>>, %arg11: memref<!tpu.dma_semaphore, #tpu.memory_space<semaphore_mem>>, %arg12: memref<!tpu.dma_semaphore, #tpu.memory_space<semaphore_mem>>, %arg13: memref<!tpu.dma_semaphore, #tpu.memory_space<semaphore_mem>>, %arg14: memref<!tpu.dma_semaphore, #tpu.memory_space<semaphore_mem>>) attributes {dimension_semantics = [#tpu.dimension_semantics<core_parallel>, #tpu.dimension_semantics<subcore_parallel>], iteration_bounds = array<i64: 2, 16>, scalar_prefetch = 0 : i64, scratch_operands = 10 : i64, tpu.core_type = #tpu.core_type<sc_vector_subcore>, window_params = [{transform_indices = #map}, {transform_indices = #map}, {transform_indices = #map1}]} {
    %mul3A = arith.constant 2 : i32
    %mul3A_0 = arith.muli %arg1, %mul3A : i32
    %add3A = arith.addi %mul3A_0, %arg0 : i32
    %mul3A_1 = arith.constant 128 : i32
    %mul3A_2 = arith.muli %add3A, %mul3A_1 : i32
    %iota3A = tpu.iota {dimensions = array<i32: 0>} : vector<16xi32>
    %dma_start3A = arith.constant 0 : i32
    %dma_start3A_3 = tpu.memref_slice %arg3[%dma_start3A, %mul3A_2] : memref<200x4096xi32, #tpu.memory_space<hbm>> -> memref<200x128xi32, #tpu.memory_space<hbm>>
    %dma_start3A_4 = arith.constant 0 : i32
    %dma_start3A_5 = tpu.memref_slice %arg3[%dma_start3A_4, %mul3A_2] : memref<200x4096xi32, #tpu.memory_space<hbm>> -> memref<200x128xi32, #tpu.memory_space<hbm>>
    tpu.enqueue_dma source(%dma_start3A_5 : memref<200x128xi32, #tpu.memory_space<hbm>>) target(%arg5 : memref<200x128xi32, #tpu.memory_space<vmem>>) target_semaphore(%arg10 : memref<!tpu.dma_semaphore, #tpu.memory_space<semaphore_mem>>)
    %dma_wait3A = arith.constant 0 : i32
    %dma_wait3A_6 = arith.constant 0 : i32
    %dma_wait3A_7 = tpu.memref_slice %arg3[%dma_wait3A, %dma_wait3A_6] : memref<200x4096xi32, #tpu.memory_space<hbm>> -> memref<200x128xi32, #tpu.memory_space<hbm>>
    %dma_wait3A_8 = arith.constant 0 : i32
    %dma_wait3A_9 = arith.constant 0 : i32
    %dma_wait3A_10 = tpu.memref_slice %arg3[%dma_wait3A_8, %dma_wait3A_9] : memref<200x4096xi32, #tpu.memory_space<hbm>> -> memref<200x128xi32, #tpu.memory_space<hbm>>
    tpu.wait_dma2 semaphore(%arg10 : memref<!tpu.dma_semaphore, #tpu.memory_space<semaphore_mem>>) src(%dma_wait3A_10 : memref<200x128xi32, #tpu.memory_space<hbm>>) dst(%arg5 : memref<200x128xi32, #tpu.memory_space<vmem>>)
    %add3A_11 = arith.constant 0 : i32
    %add3A_12 = vector.broadcast %add3A_11 : i32 to vector<16xi32>
    %add3A_13 = arith.addi %iota3A, %add3A_12 : vector<16xi32>
    %shift_right_logical3A = arith.constant 3 : i32
    %shift_right_logical3A_14 = vector.broadcast %shift_right_logical3A : i32 to vector<16xi32>
    %shift_right_logical3A_15 = arith.shrui %add3A_13, %shift_right_logical3A_14 : vector<16xi32>
    %add3A_16 = arith.constant 16 : i32
    %add3A_17 = vector.broadcast %add3A_16 : i32 to vector<16xi32>
    %add3A_18 = arith.addi %iota3A, %add3A_17 : vector<16xi32>
    %shift_right_logical3A_19 = arith.constant 3 : i32
    %shift_right_logical3A_20 = vector.broadcast %shift_right_logical3A_19 : i32 to vector<16xi32>
    %shift_right_logical3A_21 = arith.shrui %add3A_18, %shift_right_logical3A_20 : vector<16xi32>
    %add3A_22 = arith.constant 32 : i32
    %add3A_23 = vector.broadcast %add3A_22 : i32 to vector<16xi32>
    %add3A_24 = arith.addi %iota3A, %add3A_23 : vector<16xi32>
    %shift_right_logical3A_25 = arith.constant 3 : i32
    %shift_right_logical3A_26 = vector.broadcast %shift_right_logical3A_25 : i32 to vector<16xi32>
    %shift_right_logical3A_27 = arith.shrui %add3A_24, %shift_right_logical3A_26 : vector<16xi32>
    %add3A_28 = arith.constant 48 : i32
    %add3A_29 = vector.broadcast %add3A_28 : i32 to vector<16xi32>
    %add3A_30 = arith.addi %iota3A, %add3A_29 : vector<16xi32>
    %shift_right_logical3A_31 = arith.constant 3 : i32
    %shift_right_logical3A_32 = vector.broadcast %shift_right_logical3A_31 : i32 to vector<16xi32>
    %shift_right_logical3A_33 = arith.shrui %add3A_30, %shift_right_logical3A_32 : vector<16xi32>
    %add3A_34 = arith.constant 0 : i32
    %add3A_35 = vector.broadcast %add3A_34 : i32 to vector<16xi32>
    %add3A_36 = arith.addi %iota3A, %add3A_35 : vector<16xi32>
    %and3A = arith.constant 7 : i32
    %and3A_37 = vector.broadcast %and3A : i32 to vector<16xi32>
    %and3A_38 = arith.andi %add3A_36, %and3A_37 : vector<16xi32>
    %add3A_39 = arith.constant 16 : i32
    %add3A_40 = vector.broadcast %add3A_39 : i32 to vector<16xi32>
    %add3A_41 = arith.addi %iota3A, %add3A_40 : vector<16xi32>
    %and3A_42 = arith.constant 7 : i32
    %and3A_43 = vector.broadcast %and3A_42 : i32 to vector<16xi32>
    %and3A_44 = arith.andi %add3A_41, %and3A_43 : vector<16xi32>
    %add3A_45 = arith.constant 32 : i32
    %add3A_46 = vector.broadcast %add3A_45 : i32 to vector<16xi32>
    %add3A_47 = arith.addi %iota3A, %add3A_46 : vector<16xi32>
    %and3A_48 = arith.constant 7 : i32
    %and3A_49 = vector.broadcast %and3A_48 : i32 to vector<16xi32>
    %and3A_50 = arith.andi %add3A_47, %and3A_49 : vector<16xi32>
    %add3A_51 = arith.constant 48 : i32
    %add3A_52 = vector.broadcast %add3A_51 : i32 to vector<16xi32>
    %add3A_53 = arith.addi %iota3A, %add3A_52 : vector<16xi32>
    %and3A_54 = arith.constant 7 : i32
    %and3A_55 = vector.broadcast %and3A_54 : i32 to vector<16xi32>
    %and3A_56 = arith.andi %add3A_53, %and3A_55 : vector<16xi32>
    %dma_start3A_57 = arith.constant 0 : i32
    %dma_start3A_58 = arith.constant 0 : i32
    %dma_start3A_59 = tpu.memref_slice %arg5[%dma_start3A_57, %dma_start3A_58] : memref<200x128xi32, #tpu.memory_space<vmem>> -> memref<1x128xi32, #tpu.memory_space<vmem>>
    %dma_start3A_60 = tpu.memref_squeeze %dma_start3A_59 : memref<1x128xi32, #tpu.memory_space<vmem>> -> memref<128xi32, #tpu.memory_space<vmem>>
    %dma_start3A_61 = arith.constant 0 : i32
    %dma_start3A_62 = arith.constant 0 : i32
    %dma_start3A_63 = tpu.memref_slice %arg2[%dma_start3A_61, %dma_start3A_62] : memref<1000000x64xf32, #tpu.memory_space<hbm>> -> memref<1000000x64xf32, #tpu.memory_space<hbm>>
    tpu.enqueue_indirect_dma source(%dma_start3A_63 : memref<1000000x64xf32, #tpu.memory_space<hbm>>) target(%arg6 : memref<128x64xf32, #tpu.memory_space<vmem>>) offsets(%dma_start3A_60 : memref<128xi32, #tpu.memory_space<vmem>>) semaphore(%arg11 : memref<!tpu.dma_semaphore, #tpu.memory_space<semaphore_mem>>)
    %scan3A = arith.constant 0 : i32
    %scan3A_64 = arith.constant 0 : i32
    %scan3A_65 = arith.constant 100 : i32
    %scan3A_66 = arith.addi %scan3A_64, %scan3A_65 : i32
    %scan3A_67 = arith.constant 1 : i32
    scf.for %scan3A_109 = %scan3A_64 to %scan3A_66 step %scan3A_67  : i32 {
      %mul3A_110 = arith.constant 2 : i32
      %mul3A_111 = arith.muli %mul3A_110, %scan3A_109 : i32
      %add3A_112 = arith.constant 1 : i32
      %add3A_113 = arith.addi %mul3A_111, %add3A_112 : i32
      %dma_wait3A_114 = arith.constant 0 : i32
      %dma_wait3A_115 = arith.constant 0 : i32
      %dma_wait3A_116 = tpu.memref_slice %arg2[%dma_wait3A_114, %dma_wait3A_115] : memref<1000000x64xf32, #tpu.memory_space<hbm>> -> memref<128x64xf32, #tpu.memory_space<hbm>>
      %dma_wait3A_117 = arith.constant 0 : i32
      %dma_wait3A_118 = arith.constant 0 : i32
      %dma_wait3A_119 = tpu.memref_slice %arg2[%dma_wait3A_117, %dma_wait3A_118] : memref<1000000x64xf32, #tpu.memory_space<hbm>> -> memref<128x64xf32, #tpu.memory_space<hbm>>
      tpu.wait_dma2 semaphore(%arg11 : memref<!tpu.dma_semaphore, #tpu.memory_space<semaphore_mem>>) src(%dma_wait3A_119 : memref<128x64xf32, #tpu.memory_space<hbm>>) dst(%arg6 : memref<128x64xf32, #tpu.memory_space<vmem>>)
      %dma_start3A_120 = arith.constant 0 : i32
      %dma_start3A_121 = tpu.memref_slice %arg5[%add3A_113, %dma_start3A_120] : memref<200x128xi32, #tpu.memory_space<vmem>> -> memref<1x128xi32, #tpu.memory_space<vmem>>
      %dma_start3A_122 = tpu.memref_squeeze %dma_start3A_121 : memref<1x128xi32, #tpu.memory_space<vmem>> -> memref<128xi32, #tpu.memory_space<vmem>>
      %dma_start3A_123 = arith.constant 0 : i32
      %dma_start3A_124 = arith.constant 0 : i32
      %dma_start3A_125 = tpu.memref_slice %arg2[%dma_start3A_123, %dma_start3A_124] : memref<1000000x64xf32, #tpu.memory_space<hbm>> -> memref<1000000x64xf32, #tpu.memory_space<hbm>>
      tpu.enqueue_indirect_dma source(%dma_start3A_125 : memref<1000000x64xf32, #tpu.memory_space<hbm>>) target(%arg7 : memref<128x64xf32, #tpu.memory_space<vmem>>) offsets(%dma_start3A_122 : memref<128xi32, #tpu.memory_space<vmem>>) semaphore(%arg12 : memref<!tpu.dma_semaphore, #tpu.memory_space<semaphore_mem>>)
      %gt3A = arith.constant 0 : i32
      %gt3A_126 = arith.cmpi sgt, %scan3A_109, %gt3A : i32
      %convert_element_type3A = arith.extui %gt3A_126 : i1 to i32
      %cond3A = arith.constant 0 : i32
      %cond3A_127 = arith.cmpi ne, %convert_element_type3A, %cond3A : i32
      scf.if %cond3A_127 {
        %dma_wait3A_193 = arith.constant 0 : i32
        %dma_wait3A_194 = arith.constant 0 : i32
        %dma_wait3A_195 = arith.constant 0 : i32
        %dma_wait3A_196 = arith.constant 0 : i32
        %dma_wait3A_197 = arith.constant 0 : i32
        %dma_wait3A_198 = tpu.memref_slice %arg8[%dma_wait3A_195, %dma_wait3A_196, %dma_wait3A_197] : memref<8x8x129xf32, #tpu.memory_space<vmem>> -> memref<8x8x128xf32, #tpu.memory_space<vmem>>
        %dma_wait3A_199 = arith.constant 0 : i32
        %dma_wait3A_200 = arith.constant 0 : i32
        %dma_wait3A_201 = arith.constant 0 : i32
        %dma_wait3A_202 = tpu.memref_slice %arg4[%dma_wait3A_193, %dma_wait3A_199, %dma_wait3A_194, %dma_wait3A_200, %dma_wait3A_201] : memref<200x8x32x8x128xf32, #tpu.memory_space<hbm>> -> memref<1x8x1x8x128xf32, #tpu.memory_space<hbm>>
        %dma_wait3A_203 = tpu.memref_squeeze %dma_wait3A_202 : memref<1x8x1x8x128xf32, #tpu.memory_space<hbm>> -> memref<8x8x128xf32, #tpu.memory_space<hbm>>
        %dma_wait3A_204 = arith.constant 0 : i32
        %dma_wait3A_205 = arith.constant 0 : i32
        %dma_wait3A_206 = arith.constant 0 : i32
        %dma_wait3A_207 = tpu.memref_slice %arg4[%dma_wait3A_193, %dma_wait3A_204, %dma_wait3A_194, %dma_wait3A_205, %dma_wait3A_206] : memref<200x8x32x8x128xf32, #tpu.memory_space<hbm>> -> memref<1x8x1x8x128xf32, #tpu.memory_space<hbm>>
        %dma_wait3A_208 = tpu.memref_squeeze %dma_wait3A_207 : memref<1x8x1x8x128xf32, #tpu.memory_space<hbm>> -> memref<8x8x128xf32, #tpu.memory_space<hbm>>
        %dma_wait3A_209 = arith.constant 0 : i32
        %dma_wait3A_210 = arith.constant 0 : i32
        %dma_wait3A_211 = arith.constant 0 : i32
        %dma_wait3A_212 = tpu.memref_slice %arg8[%dma_wait3A_209, %dma_wait3A_210, %dma_wait3A_211] : memref<8x8x129xf32, #tpu.memory_space<vmem>> -> memref<8x8x128xf32, #tpu.memory_space<vmem>>
        tpu.wait_dma2 semaphore(%arg13 : memref<!tpu.dma_semaphore, #tpu.memory_space<semaphore_mem>>) src(%dma_wait3A_212 : memref<8x8x128xf32, #tpu.memory_space<vmem>>) dst(%dma_wait3A_208 : memref<8x8x128xf32, #tpu.memory_space<hbm>>)
      } else {
      }
      %scan3A_128 = arith.constant 0 : i32
      %scan3A_129 = arith.constant 0 : i32
      %scan3A_130 = arith.constant 8 : i32
      %scan3A_131 = arith.addi %scan3A_129, %scan3A_130 : i32
      %scan3A_132 = arith.constant 1 : i32
      scf.for %scan3A_193 = %scan3A_129 to %scan3A_131 step %scan3A_132  : i32 {
        %mul3A_194 = arith.constant 16 : i32
        %mul3A_195 = arith.muli %mul3A_194, %scan3A_193 : i32
        %broadcast_in_dim3A = vector.broadcast %mul3A_195 : i32 to vector<16xi32>
        %mul3A_196 = arith.constant 16 : i32
        %mul3A_197 = arith.muli %mul3A_196, %scan3A_193 : i32
        %add3A_198 = arith.constant 0 : i32
        %add3A_199 = arith.addi %mul3A_197, %add3A_198 : i32
        %get3A = arith.index_cast %add3A_199 : i32 to index
        %get3A_200 = arith.constant 0 : index
        %get3A_201 = tpu.vector_load %arg6[%get3A, %get3A_200] {strides = array<i32>} : memref<128x64xf32, #tpu.memory_space<vmem>>, vector<16xf32>,
        %get3A_202 = arith.index_cast %add3A_199 : i32 to index
        %get3A_203 = arith.constant 16 : index
        %get3A_204 = tpu.vector_load %arg6[%get3A_202, %get3A_203] {strides = array<i32>} : memref<128x64xf32, #tpu.memory_space<vmem>>, vector<16xf32>,
        %get3A_205 = arith.index_cast %add3A_199 : i32 to index
        %get3A_206 = arith.constant 32 : index
        %get3A_207 = tpu.vector_load %arg6[%get3A_205, %get3A_206] {strides = array<i32>} : memref<128x64xf32, #tpu.memory_space<vmem>>, vector<16xf32>,
        %get3A_208 = arith.index_cast %add3A_199 : i32 to index
        %get3A_209 = arith.constant 48 : index
        %get3A_210 = tpu.vector_load %arg6[%get3A_208, %get3A_209] {strides = array<i32>} : memref<128x64xf32, #tpu.memory_space<vmem>>, vector<16xf32>,
        %add3A_211 = arith.constant 0 : i32
        %add3A_212 = vector.broadcast %add3A_211 : i32 to vector<16xi32>
        %add3A_213 = arith.addi %broadcast_in_dim3A, %add3A_212 : vector<16xi32>
        %mul3A_214 = arith.constant 8.000000e+00 : f32
        %mul3A_215 = vector.broadcast %mul3A_214 : f32 to vector<16xf32>
        %mul3A_216 = arith.mulf %get3A_201, %mul3A_215 : vector<16xf32>
        tpu.vector_store_idx %arg8[%shift_right_logical3A_15, %and3A_38, %add3A_213], %mul3A_216 : memref<8x8x129xf32, #tpu.memory_space<vmem>>[vector<16xi32>, vector<16xi32>, vector<16xi32>], vector<16xf32>,
        %mul3A_217 = arith.constant 8.000000e+00 : f32
        %mul3A_218 = vector.broadcast %mul3A_217 : f32 to vector<16xf32>
        %mul3A_219 = arith.mulf %get3A_204, %mul3A_218 : vector<16xf32>
        tpu.vector_store_idx %arg8[%shift_right_logical3A_21, %and3A_44, %add3A_213], %mul3A_219 : memref<8x8x129xf32, #tpu.memory_space<vmem>>[vector<16xi32>, vector<16xi32>, vector<16xi32>], vector<16xf32>,
        %mul3A_220 = arith.constant 8.000000e+00 : f32
        %mul3A_221 = vector.broadcast %mul3A_220 : f32 to vector<16xf32>
        %mul3A_222 = arith.mulf %get3A_207, %mul3A_221 : vector<16xf32>
        tpu.vector_store_idx %arg8[%shift_right_logical3A_27, %and3A_50, %add3A_213], %mul3A_222 : memref<8x8x129xf32, #tpu.memory_space<vmem>>[vector<16xi32>, vector<16xi32>, vector<16xi32>], vector<16xf32>,
        %mul3A_223 = arith.constant 8.000000e+00 : f32
        %mul3A_224 = vector.broadcast %mul3A_223 : f32 to vector<16xf32>
        %mul3A_225 = arith.mulf %get3A_210, %mul3A_224 : vector<16xf32>
        tpu.vector_store_idx %arg8[%shift_right_logical3A_33, %and3A_56, %add3A_213], %mul3A_225 : memref<8x8x129xf32, #tpu.memory_space<vmem>>[vector<16xi32>, vector<16xi32>, vector<16xi32>], vector<16xf32>,
        %mul3A_226 = arith.constant 16 : i32
        %mul3A_227 = arith.muli %mul3A_226, %scan3A_193 : i32
        %add3A_228 = arith.constant 1 : i32
        %add3A_229 = arith.addi %mul3A_227, %add3A_228 : i32
        %get3A_230 = arith.index_cast %add3A_229 : i32 to index
        %get3A_231 = arith.constant 0 : index
        %get3A_232 = tpu.vector_load %arg6[%get3A_230, %get3A_231] {strides = array<i32>} : memref<128x64xf32, #tpu.memory_space<vmem>>, vector<16xf32>,
        %get3A_233 = arith.index_cast %add3A_229 : i32 to index
        %get3A_234 = arith.constant 16 : index
        %get3A_235 = tpu.vector_load %arg6[%get3A_233, %get3A_234] {strides = array<i32>} : memref<128x64xf32, #tpu.memory_space<vmem>>, vector<16xf32>,
        %get3A_236 = arith.index_cast %add3A_229 : i32 to index
        %get3A_237 = arith.constant 32 : index
        %get3A_238 = tpu.vector_load %arg6[%get3A_236, %get3A_237] {strides = array<i32>} : memref<128x64xf32, #tpu.memory_space<vmem>>, vector<16xf32>,
        %get3A_239 = arith.index_cast %add3A_229 : i32 to index
        %get3A_240 = arith.constant 48 : index
        %get3A_241 = tpu.vector_load %arg6[%get3A_239, %get3A_240] {strides = array<i32>} : memref<128x64xf32, #tpu.memory_space<vmem>>, vector<16xf32>,
        %add3A_242 = arith.constant 1 : i32
        %add3A_243 = vector.broadcast %add3A_242 : i32 to vector<16xi32>
        %add3A_244 = arith.addi %broadcast_in_dim3A, %add3A_243 : vector<16xi32>
        %mul3A_245 = arith.constant 8.000000e+00 : f32
        %mul3A_246 = vector.broadcast %mul3A_245 : f32 to vector<16xf32>
        %mul3A_247 = arith.mulf %get3A_232, %mul3A_246 : vector<16xf32>
        tpu.vector_store_idx %arg8[%shift_right_logical3A_15, %and3A_38, %add3A_244], %mul3A_247 : memref<8x8x129xf32, #tpu.memory_space<vmem>>[vector<16xi32>, vector<16xi32>, vector<16xi32>], vector<16xf32>,
        %mul3A_248 = arith.constant 8.000000e+00 : f32
        %mul3A_249 = vector.broadcast %mul3A_248 : f32 to vector<16xf32>
        %mul3A_250 = arith.mulf %get3A_235, %mul3A_249 : vector<16xf32>
        tpu.vector_store_idx %arg8[%shift_right_logical3A_21, %and3A_44, %add3A_244], %mul3A_250 : memref<8x8x129xf32, #tpu.memory_space<vmem>>[vector<16xi32>, vector<16xi32>, vector<16xi32>], vector<16xf32>,
        %mul3A_251 = arith.constant 8.000000e+00 : f32
        %mul3A_252 = vector.broadcast %mul3A_251 : f32 to vector<16xf32>
        %mul3A_253 = arith.mulf %get3A_238, %mul3A_252 : vector<16xf32>
        tpu.vector_store_idx %arg8[%shift_right_logical3A_27, %and3A_50, %add3A_244], %mul3A_253 : memref<8x8x129xf32, #tpu.memory_space<vmem>>[vector<16xi32>, vector<16xi32>, vector<16xi32>], vector<16xf32>,
        %mul3A_254 = arith.constant 8.000000e+00 : f32
        %mul3A_255 = vector.broadcast %mul3A_254 : f32 to vector<16xf32>
        %mul3A_256 = arith.mulf %get3A_241, %mul3A_255 : vector<16xf32>
        tpu.vector_store_idx %arg8[%shift_right_logical3A_33, %and3A_56, %add3A_244], %mul3A_256 : memref<8x8x129xf32, #tpu.memory_space<vmem>>[vector<16xi32>, vector<16xi32>, vector<16xi32>], vector<16xf32>,
        %mul3A_257 = arith.constant 16 : i32
        %mul3A_258 = arith.muli %mul3A_257, %scan3A_193 : i32
        %add3A_259 = arith.constant 2 : i32
        %add3A_260 = arith.addi %mul3A_258, %add3A_259 : i32
        %get3A_261 = arith.index_cast %add3A_260 : i32 to index
        %get3A_262 = arith.constant 0 : index
        %get3A_263 = tpu.vector_load %arg6[%get3A_261, %get3A_262] {strides = array<i32>} : memref<128x64xf32, #tpu.memory_space<vmem>>, vector<16xf32>,
        %get3A_264 = arith.index_cast %add3A_260 : i32 to index
        %get3A_265 = arith.constant 16 : index
        %get3A_266 = tpu.vector_load %arg6[%get3A_264, %get3A_265] {strides = array<i32>} : memref<128x64xf32, #tpu.memory_space<vmem>>, vector<16xf32>,
        %get3A_267 = arith.index_cast %add3A_260 : i32 to index
        %get3A_268 = arith.constant 32 : index
        %get3A_269 = tpu.vector_load %arg6[%get3A_267, %get3A_268] {strides = array<i32>} : memref<128x64xf32, #tpu.memory_space<vmem>>, vector<16xf32>,
        %get3A_270 = arith.index_cast %add3A_260 : i32 to index
        %get3A_271 = arith.constant 48 : index
        %get3A_272 = tpu.vector_load %arg6[%get3A_270, %get3A_271] {strides = array<i32>} : memref<128x64xf32, #tpu.memory_space<vmem>>, vector<16xf32>,
        %add3A_273 = arith.constant 2 : i32
        %add3A_274 = vector.broadcast %add3A_273 : i32 to vector<16xi32>
        %add3A_275 = arith.addi %broadcast_in_dim3A, %add3A_274 : vector<16xi32>
        %mul3A_276 = arith.constant 8.000000e+00 : f32
        %mul3A_277 = vector.broadcast %mul3A_276 : f32 to vector<16xf32>
        %mul3A_278 = arith.mulf %get3A_263, %mul3A_277 : vector<16xf32>
        tpu.vector_store_idx %arg8[%shift_right_logical3A_15, %and3A_38, %add3A_275], %mul3A_278 : memref<8x8x129xf32, #tpu.memory_space<vmem>>[vector<16xi32>, vector<16xi32>, vector<16xi32>], vector<16xf32>,
        %mul3A_279 = arith.constant 8.000000e+00 : f32
        %mul3A_280 = vector.broadcast %mul3A_279 : f32 to vector<16xf32>
        %mul3A_281 = arith.mulf %get3A_266, %mul3A_280 : vector<16xf32>
        tpu.vector_store_idx %arg8[%shift_right_logical3A_21, %and3A_44, %add3A_275], %mul3A_281 : memref<8x8x129xf32, #tpu.memory_space<vmem>>[vector<16xi32>, vector<16xi32>, vector<16xi32>], vector<16xf32>,
        %mul3A_282 = arith.constant 8.000000e+00 : f32
        %mul3A_283 = vector.broadcast %mul3A_282 : f32 to vector<16xf32>
        %mul3A_284 = arith.mulf %get3A_269, %mul3A_283 : vector<16xf32>
        tpu.vector_store_idx %arg8[%shift_right_logical3A_27, %and3A_50, %add3A_275], %mul3A_284 : memref<8x8x129xf32, #tpu.memory_space<vmem>>[vector<16xi32>, vector<16xi32>, vector<16xi32>], vector<16xf32>,
        %mul3A_285 = arith.constant 8.000000e+00 : f32
        %mul3A_286 = vector.broadcast %mul3A_285 : f32 to vector<16xf32>
        %mul3A_287 = arith.mulf %get3A_272, %mul3A_286 : vector<16xf32>
        tpu.vector_store_idx %arg8[%shift_right_logical3A_33, %and3A_56, %add3A_275], %mul3A_287 : memref<8x8x129xf32, #tpu.memory_space<vmem>>[vector<16xi32>, vector<16xi32>, vector<16xi32>], vector<16xf32>,
        %mul3A_288 = arith.constant 16 : i32
        %mul3A_289 = arith.muli %mul3A_288, %scan3A_193 : i32
        %add3A_290 = arith.constant 3 : i32
        %add3A_291 = arith.addi %mul3A_289, %add3A_290 : i32
        %get3A_292 = arith.index_cast %add3A_291 : i32 to index
        %get3A_293 = arith.constant 0 : index
        %get3A_294 = tpu.vector_load %arg6[%get3A_292, %get3A_293] {strides = array<i32>} : memref<128x64xf32, #tpu.memory_space<vmem>>, vector<16xf32>,
        %get3A_295 = arith.index_cast %add3A_291 : i32 to index
        %get3A_296 = arith.constant 16 : index
        %get3A_297 = tpu.vector_load %arg6[%get3A_295, %get3A_296] {strides = array<i32>} : memref<128x64xf32, #tpu.memory_space<vmem>>, vector<16xf32>,
        %get3A_298 = arith.index_cast %add3A_291 : i32 to index
        %get3A_299 = arith.constant 32 : index
        %get3A_300 = tpu.vector_load %arg6[%get3A_298, %get3A_299] {strides = array<i32>} : memref<128x64xf32, #tpu.memory_space<vmem>>, vector<16xf32>,
        %get3A_301 = arith.index_cast %add3A_291 : i32 to index
        %get3A_302 = arith.constant 48 : index
        %get3A_303 = tpu.vector_load %arg6[%get3A_301, %get3A_302] {strides = array<i32>} : memref<128x64xf32, #tpu.memory_space<vmem>>, vector<16xf32>,
        %add3A_304 = arith.constant 3 : i32
        %add3A_305 = vector.broadcast %add3A_304 : i32 to vector<16xi32>
        %add3A_306 = arith.addi %broadcast_in_dim3A, %add3A_305 : vector<16xi32>
        %mul3A_307 = arith.constant 8.000000e+00 : f32
        %mul3A_308 = vector.broadcast %mul3A_307 : f32 to vector<16xf32>
        %mul3A_309 = arith.mulf %get3A_294, %mul3A_308 : vector<16xf32>
        tpu.vector_store_idx %arg8[%shift_right_logical3A_15, %and3A_38, %add3A_306], %mul3A_309 : memref<8x8x129xf32, #tpu.memory_space<vmem>>[vector<16xi32>, vector<16xi32>, vector<16xi32>], vector<16xf32>,
        %mul3A_310 = arith.constant 8.000000e+00 : f32
        %mul3A_311 = vector.broadcast %mul3A_310 : f32 to vector<16xf32>
        %mul3A_312 = arith.mulf %get3A_297, %mul3A_311 : vector<16xf32>
        tpu.vector_store_idx %arg8[%shift_right_logical3A_21, %and3A_44, %add3A_306], %mul3A_312 : memref<8x8x129xf32, #tpu.memory_space<vmem>>[vector<16xi32>, vector<16xi32>, vector<16xi32>], vector<16xf32>,
        %mul3A_313 = arith.constant 8.000000e+00 : f32
        %mul3A_314 = vector.broadcast %mul3A_313 : f32 to vector<16xf32>
        %mul3A_315 = arith.mulf %get3A_300, %mul3A_314 : vector<16xf32>
        tpu.vector_store_idx %arg8[%shift_right_logical3A_27, %and3A_50, %add3A_306], %mul3A_315 : memref<8x8x129xf32, #tpu.memory_space<vmem>>[vector<16xi32>, vector<16xi32>, vector<16xi32>], vector<16xf32>,
        %mul3A_316 = arith.constant 8.000000e+00 : f32
        %mul3A_317 = vector.broadcast %mul3A_316 : f32 to vector<16xf32>
        %mul3A_318 = arith.mulf %get3A_303, %mul3A_317 : vector<16xf32>
        tpu.vector_store_idx %arg8[%shift_right_logical3A_33, %and3A_56, %add3A_306], %mul3A_318 : memref<8x8x129xf32, #tpu.memory_space<vmem>>[vector<16xi32>, vector<16xi32>, vector<16xi32>], vector<16xf32>,
        %mul3A_319 = arith.constant 16 : i32
        %mul3A_320 = arith.muli %mul3A_319, %scan3A_193 : i32
        %add3A_321 = arith.constant 4 : i32
        %add3A_322 = arith.addi %mul3A_320, %add3A_321 : i32
        %get3A_323 = arith.index_cast %add3A_322 : i32 to index
        %get3A_324 = arith.constant 0 : index
        %get3A_325 = tpu.vector_load %arg6[%get3A_323, %get3A_324] {strides = array<i32>} : memref<128x64xf32, #tpu.memory_space<vmem>>, vector<16xf32>,
        %get3A_326 = arith.index_cast %add3A_322 : i32 to index
        %get3A_327 = arith.constant 16 : index
        %get3A_328 = tpu.vector_load %arg6[%get3A_326, %get3A_327] {strides = array<i32>} : memref<128x64xf32, #tpu.memory_space<vmem>>, vector<16xf32>,
        %get3A_329 = arith.index_cast %add3A_322 : i32 to index
        %get3A_330 = arith.constant 32 : index
        %get3A_331 = tpu.vector_load %arg6[%get3A_329, %get3A_330] {strides = array<i32>} : memref<128x64xf32, #tpu.memory_space<vmem>>, vector<16xf32>,
        %get3A_332 = arith.index_cast %add3A_322 : i32 to index
        %get3A_333 = arith.constant 48 : index
        %get3A_334 = tpu.vector_load %arg6[%get3A_332, %get3A_333] {strides = array<i32>} : memref<128x64xf32, #tpu.memory_space<vmem>>, vector<16xf32>,
        %add3A_335 = arith.constant 4 : i32
        %add3A_336 = vector.broadcast %add3A_335 : i32 to vector<16xi32>
        %add3A_337 = arith.addi %broadcast_in_dim3A, %add3A_336 : vector<16xi32>
        %mul3A_338 = arith.constant 8.000000e+00 : f32
        %mul3A_339 = vector.broadcast %mul3A_338 : f32 to vector<16xf32>
        %mul3A_340 = arith.mulf %get3A_325, %mul3A_339 : vector<16xf32>
        tpu.vector_store_idx %arg8[%shift_right_logical3A_15, %and3A_38, %add3A_337], %mul3A_340 : memref<8x8x129xf32, #tpu.memory_space<vmem>>[vector<16xi32>, vector<16xi32>, vector<16xi32>], vector<16xf32>,
        %mul3A_341 = arith.constant 8.000000e+00 : f32
        %mul3A_342 = vector.broadcast %mul3A_341 : f32 to vector<16xf32>
        %mul3A_343 = arith.mulf %get3A_328, %mul3A_342 : vector<16xf32>
        tpu.vector_store_idx %arg8[%shift_right_logical3A_21, %and3A_44, %add3A_337], %mul3A_343 : memref<8x8x129xf32, #tpu.memory_space<vmem>>[vector<16xi32>, vector<16xi32>, vector<16xi32>], vector<16xf32>,
        %mul3A_344 = arith.constant 8.000000e+00 : f32
        %mul3A_345 = vector.broadcast %mul3A_344 : f32 to vector<16xf32>
        %mul3A_346 = arith.mulf %get3A_331, %mul3A_345 : vector<16xf32>
        tpu.vector_store_idx %arg8[%shift_right_logical3A_27, %and3A_50, %add3A_337], %mul3A_346 : memref<8x8x129xf32, #tpu.memory_space<vmem>>[vector<16xi32>, vector<16xi32>, vector<16xi32>], vector<16xf32>,
        %mul3A_347 = arith.constant 8.000000e+00 : f32
        %mul3A_348 = vector.broadcast %mul3A_347 : f32 to vector<16xf32>
        %mul3A_349 = arith.mulf %get3A_334, %mul3A_348 : vector<16xf32>
        tpu.vector_store_idx %arg8[%shift_right_logical3A_33, %and3A_56, %add3A_337], %mul3A_349 : memref<8x8x129xf32, #tpu.memory_space<vmem>>[vector<16xi32>, vector<16xi32>, vector<16xi32>], vector<16xf32>,
        %mul3A_350 = arith.constant 16 : i32
        %mul3A_351 = arith.muli %mul3A_350, %scan3A_193 : i32
        %add3A_352 = arith.constant 5 : i32
        %add3A_353 = arith.addi %mul3A_351, %add3A_352 : i32
        %get3A_354 = arith.index_cast %add3A_353 : i32 to index
        %get3A_355 = arith.constant 0 : index
        %get3A_356 = tpu.vector_load %arg6[%get3A_354, %get3A_355] {strides = array<i32>} : memref<128x64xf32, #tpu.memory_space<vmem>>, vector<16xf32>,
        %get3A_357 = arith.index_cast %add3A_353 : i32 to index
        %get3A_358 = arith.constant 16 : index
        %get3A_359 = tpu.vector_load %arg6[%get3A_357, %get3A_358] {strides = array<i32>} : memref<128x64xf32, #tpu.memory_space<vmem>>, vector<16xf32>,
        %get3A_360 = arith.index_cast %add3A_353 : i32 to index
        %get3A_361 = arith.constant 32 : index
        %get3A_362 = tpu.vector_load %arg6[%get3A_360, %get3A_361] {strides = array<i32>} : memref<128x64xf32, #tpu.memory_space<vmem>>, vector<16xf32>,
        %get3A_363 = arith.index_cast %add3A_353 : i32 to index
        %get3A_364 = arith.constant 48 : index
        %get3A_365 = tpu.vector_load %arg6[%get3A_363, %get3A_364] {strides = array<i32>} : memref<128x64xf32, #tpu.memory_space<vmem>>, vector<16xf32>,
        %add3A_366 = arith.constant 5 : i32
        %add3A_367 = vector.broadcast %add3A_366 : i32 to vector<16xi32>
        %add3A_368 = arith.addi %broadcast_in_dim3A, %add3A_367 : vector<16xi32>
        %mul3A_369 = arith.constant 8.000000e+00 : f32
        %mul3A_370 = vector.broadcast %mul3A_369 : f32 to vector<16xf32>
        %mul3A_371 = arith.mulf %get3A_356, %mul3A_370 : vector<16xf32>
        tpu.vector_store_idx %arg8[%shift_right_logical3A_15, %and3A_38, %add3A_368], %mul3A_371 : memref<8x8x129xf32, #tpu.memory_space<vmem>>[vector<16xi32>, vector<16xi32>, vector<16xi32>], vector<16xf32>,
        %mul3A_372 = arith.constant 8.000000e+00 : f32
        %mul3A_373 = vector.broadcast %mul3A_372 : f32 to vector<16xf32>
        %mul3A_374 = arith.mulf %get3A_359, %mul3A_373 : vector<16xf32>
        tpu.vector_store_idx %arg8[%shift_right_logical3A_21, %and3A_44, %add3A_368], %mul3A_374 : memref<8x8x129xf32, #tpu.memory_space<vmem>>[vector<16xi32>, vector<16xi32>, vector<16xi32>], vector<16xf32>,
        %mul3A_375 = arith.constant 8.000000e+00 : f32
        %mul3A_376 = vector.broadcast %mul3A_375 : f32 to vector<16xf32>
        %mul3A_377 = arith.mulf %get3A_362, %mul3A_376 : vector<16xf32>
        tpu.vector_store_idx %arg8[%shift_right_logical3A_27, %and3A_50, %add3A_368], %mul3A_377 : memref<8x8x129xf32, #tpu.memory_space<vmem>>[vector<16xi32>, vector<16xi32>, vector<16xi32>], vector<16xf32>,
        %mul3A_378 = arith.constant 8.000000e+00 : f32
        %mul3A_379 = vector.broadcast %mul3A_378 : f32 to vector<16xf32>
        %mul3A_380 = arith.mulf %get3A_365, %mul3A_379 : vector<16xf32>
        tpu.vector_store_idx %arg8[%shift_right_logical3A_33, %and3A_56, %add3A_368], %mul3A_380 : memref<8x8x129xf32, #tpu.memory_space<vmem>>[vector<16xi32>, vector<16xi32>, vector<16xi32>], vector<16xf32>,
        %mul3A_381 = arith.constant 16 : i32
        %mul3A_382 = arith.muli %mul3A_381, %scan3A_193 : i32
        %add3A_383 = arith.constant 6 : i32
        %add3A_384 = arith.addi %mul3A_382, %add3A_383 : i32
        %get3A_385 = arith.index_cast %add3A_384 : i32 to index
        %get3A_386 = arith.constant 0 : index
        %get3A_387 = tpu.vector_load %arg6[%get3A_385, %get3A_386] {strides = array<i32>} : memref<128x64xf32, #tpu.memory_space<vmem>>, vector<16xf32>,
        %get3A_388 = arith.index_cast %add3A_384 : i32 to index
        %get3A_389 = arith.constant 16 : index
        %get3A_390 = tpu.vector_load %arg6[%get3A_388, %get3A_389] {strides = array<i32>} : memref<128x64xf32, #tpu.memory_space<vmem>>, vector<16xf32>,
        %get3A_391 = arith.index_cast %add3A_384 : i32 to index
        %get3A_392 = arith.constant 32 : index
        %get3A_393 = tpu.vector_load %arg6[%get3A_391, %get3A_392] {strides = array<i32>} : memref<128x64xf32, #tpu.memory_space<vmem>>, vector<16xf32>,
        %get3A_394 = arith.index_cast %add3A_384 : i32 to index
        %get3A_395 = arith.constant 48 : index
        %get3A_396 = tpu.vector_load %arg6[%get3A_394, %get3A_395] {strides = array<i32>} : memref<128x64xf32, #tpu.memory_space<vmem>>, vector<16xf32>,
        %add3A_397 = arith.constant 6 : i32
        %add3A_398 = vector.broadcast %add3A_397 : i32 to vector<16xi32>
        %add3A_399 = arith.addi %broadcast_in_dim3A, %add3A_398 : vector<16xi32>
        %mul3A_400 = arith.constant 8.000000e+00 : f32
        %mul3A_401 = vector.broadcast %mul3A_400 : f32 to vector<16xf32>
        %mul3A_402 = arith.mulf %get3A_387, %mul3A_401 : vector<16xf32>
        tpu.vector_store_idx %arg8[%shift_right_logical3A_15, %and3A_38, %add3A_399], %mul3A_402 : memref<8x8x129xf32, #tpu.memory_space<vmem>>[vector<16xi32>, vector<16xi32>, vector<16xi32>], vector<16xf32>,
        %mul3A_403 = arith.constant 8.000000e+00 : f32
        %mul3A_404 = vector.broadcast %mul3A_403 : f32 to vector<16xf32>
        %mul3A_405 = arith.mulf %get3A_390, %mul3A_404 : vector<16xf32>
        tpu.vector_store_idx %arg8[%shift_right_logical3A_21, %and3A_44, %add3A_399], %mul3A_405 : memref<8x8x129xf32, #tpu.memory_space<vmem>>[vector<16xi32>, vector<16xi32>, vector<16xi32>], vector<16xf32>,
        %mul3A_406 = arith.constant 8.000000e+00 : f32
        %mul3A_407 = vector.broadcast %mul3A_406 : f32 to vector<16xf32>
        %mul3A_408 = arith.mulf %get3A_393, %mul3A_407 : vector<16xf32>
        tpu.vector_store_idx %arg8[%shift_right_logical3A_27, %and3A_50, %add3A_399], %mul3A_408 : memref<8x8x129xf32, #tpu.memory_space<vmem>>[vector<16xi32>, vector<16xi32>, vector<16xi32>], vector<16xf32>,
        %mul3A_409 = arith.constant 8.000000e+00 : f32
        %mul3A_410 = vector.broadcast %mul3A_409 : f32 to vector<16xf32>
        %mul3A_411 = arith.mulf %get3A_396, %mul3A_410 : vector<16xf32>
        tpu.vector_store_idx %arg8[%shift_right_logical3A_33, %and3A_56, %add3A_399], %mul3A_411 : memref<8x8x129xf32, #tpu.memory_space<vmem>>[vector<16xi32>, vector<16xi32>, vector<16xi32>], vector<16xf32>,
        %mul3A_412 = arith.constant 16 : i32
        %mul3A_413 = arith.muli %mul3A_412, %scan3A_193 : i32
        %add3A_414 = arith.constant 7 : i32
        %add3A_415 = arith.addi %mul3A_413, %add3A_414 : i32
        %get3A_416 = arith.index_cast %add3A_415 : i32 to index
        %get3A_417 = arith.constant 0 : index
        %get3A_418 = tpu.vector_load %arg6[%get3A_416, %get3A_417] {strides = array<i32>} : memref<128x64xf32, #tpu.memory_space<vmem>>, vector<16xf32>,
        %get3A_419 = arith.index_cast %add3A_415 : i32 to index
        %get3A_420 = arith.constant 16 : index
        %get3A_421 = tpu.vector_load %arg6[%get3A_419, %get3A_420] {strides = array<i32>} : memref<128x64xf32, #tpu.memory_space<vmem>>, vector<16xf32>,
        %get3A_422 = arith.index_cast %add3A_415 : i32 to index
        %get3A_423 = arith.constant 32 : index
        %get3A_424 = tpu.vector_load %arg6[%get3A_422, %get3A_423] {strides = array<i32>} : memref<128x64xf32, #tpu.memory_space<vmem>>, vector<16xf32>,
        %get3A_425 = arith.index_cast %add3A_415 : i32 to index
        %get3A_426 = arith.constant 48 : index
        %get3A_427 = tpu.vector_load %arg6[%get3A_425, %get3A_426] {strides = array<i32>} : memref<128x64xf32, #tpu.memory_space<vmem>>, vector<16xf32>,
        %add3A_428 = arith.constant 7 : i32
        %add3A_429 = vector.broadcast %add3A_428 : i32 to vector<16xi32>
        %add3A_430 = arith.addi %broadcast_in_dim3A, %add3A_429 : vector<16xi32>
        %mul3A_431 = arith.constant 8.000000e+00 : f32
        %mul3A_432 = vector.broadcast %mul3A_431 : f32 to vector<16xf32>
        %mul3A_433 = arith.mulf %get3A_418, %mul3A_432 : vector<16xf32>
        tpu.vector_store_idx %arg8[%shift_right_logical3A_15, %and3A_38, %add3A_430], %mul3A_433 : memref<8x8x129xf32, #tpu.memory_space<vmem>>[vector<16xi32>, vector<16xi32>, vector<16xi32>], vector<16xf32>,
        %mul3A_434 = arith.constant 8.000000e+00 : f32
        %mul3A_435 = vector.broadcast %mul3A_434 : f32 to vector<16xf32>
        %mul3A_436 = arith.mulf %get3A_421, %mul3A_435 : vector<16xf32>
        tpu.vector_store_idx %arg8[%shift_right_logical3A_21, %and3A_44, %add3A_430], %mul3A_436 : memref<8x8x129xf32, #tpu.memory_space<vmem>>[vector<16xi32>, vector<16xi32>, vector<16xi32>], vector<16xf32>,
        %mul3A_437 = arith.constant 8.000000e+00 : f32
        %mul3A_438 = vector.broadcast %mul3A_437 : f32 to vector<16xf32>
        %mul3A_439 = arith.mulf %get3A_424, %mul3A_438 : vector<16xf32>
        tpu.vector_store_idx %arg8[%shift_right_logical3A_27, %and3A_50, %add3A_430], %mul3A_439 : memref<8x8x129xf32, #tpu.memory_space<vmem>>[vector<16xi32>, vector<16xi32>, vector<16xi32>], vector<16xf32>,
        %mul3A_440 = arith.constant 8.000000e+00 : f32
        %mul3A_441 = vector.broadcast %mul3A_440 : f32 to vector<16xf32>
        %mul3A_442 = arith.mulf %get3A_427, %mul3A_441 : vector<16xf32>
        tpu.vector_store_idx %arg8[%shift_right_logical3A_33, %and3A_56, %add3A_430], %mul3A_442 : memref<8x8x129xf32, #tpu.memory_space<vmem>>[vector<16xi32>, vector<16xi32>, vector<16xi32>], vector<16xf32>,
        %mul3A_443 = arith.constant 16 : i32
        %mul3A_444 = arith.muli %mul3A_443, %scan3A_193 : i32
        %add3A_445 = arith.constant 8 : i32
        %add3A_446 = arith.addi %mul3A_444, %add3A_445 : i32
        %get3A_447 = arith.index_cast %add3A_446 : i32 to index
        %get3A_448 = arith.constant 0 : index
        %get3A_449 = tpu.vector_load %arg6[%get3A_447, %get3A_448] {strides = array<i32>} : memref<128x64xf32, #tpu.memory_space<vmem>>, vector<16xf32>,
        %get3A_450 = arith.index_cast %add3A_446 : i32 to index
        %get3A_451 = arith.constant 16 : index
        %get3A_452 = tpu.vector_load %arg6[%get3A_450, %get3A_451] {strides = array<i32>} : memref<128x64xf32, #tpu.memory_space<vmem>>, vector<16xf32>,
        %get3A_453 = arith.index_cast %add3A_446 : i32 to index
        %get3A_454 = arith.constant 32 : index
        %get3A_455 = tpu.vector_load %arg6[%get3A_453, %get3A_454] {strides = array<i32>} : memref<128x64xf32, #tpu.memory_space<vmem>>, vector<16xf32>,
        %get3A_456 = arith.index_cast %add3A_446 : i32 to index
        %get3A_457 = arith.constant 48 : index
        %get3A_458 = tpu.vector_load %arg6[%get3A_456, %get3A_457] {strides = array<i32>} : memref<128x64xf32, #tpu.memory_space<vmem>>, vector<16xf32>,
        %add3A_459 = arith.constant 8 : i32
        %add3A_460 = vector.broadcast %add3A_459 : i32 to vector<16xi32>
        %add3A_461 = arith.addi %broadcast_in_dim3A, %add3A_460 : vector<16xi32>
        %mul3A_462 = arith.constant 8.000000e+00 : f32
        %mul3A_463 = vector.broadcast %mul3A_462 : f32 to vector<16xf32>
        %mul3A_464 = arith.mulf %get3A_449, %mul3A_463 : vector<16xf32>
        tpu.vector_store_idx %arg8[%shift_right_logical3A_15, %and3A_38, %add3A_461], %mul3A_464 : memref<8x8x129xf32, #tpu.memory_space<vmem>>[vector<16xi32>, vector<16xi32>, vector<16xi32>], vector<16xf32>,
        %mul3A_465 = arith.constant 8.000000e+00 : f32
        %mul3A_466 = vector.broadcast %mul3A_465 : f32 to vector<16xf32>
        %mul3A_467 = arith.mulf %get3A_452, %mul3A_466 : vector<16xf32>
        tpu.vector_store_idx %arg8[%shift_right_logical3A_21, %and3A_44, %add3A_461], %mul3A_467 : memref<8x8x129xf32, #tpu.memory_space<vmem>>[vector<16xi32>, vector<16xi32>, vector<16xi32>], vector<16xf32>,
        %mul3A_468 = arith.constant 8.000000e+00 : f32
        %mul3A_469 = vector.broadcast %mul3A_468 : f32 to vector<16xf32>
        %mul3A_470 = arith.mulf %get3A_455, %mul3A_469 : vector<16xf32>
        tpu.vector_store_idx %arg8[%shift_right_logical3A_27, %and3A_50, %add3A_461], %mul3A_470 : memref<8x8x129xf32, #tpu.memory_space<vmem>>[vector<16xi32>, vector<16xi32>, vector<16xi32>], vector<16xf32>,
        %mul3A_471 = arith.constant 8.000000e+00 : f32
        %mul3A_472 = vector.broadcast %mul3A_471 : f32 to vector<16xf32>
        %mul3A_473 = arith.mulf %get3A_458, %mul3A_472 : vector<16xf32>
        tpu.vector_store_idx %arg8[%shift_right_logical3A_33, %and3A_56, %add3A_461], %mul3A_473 : memref<8x8x129xf32, #tpu.memory_space<vmem>>[vector<16xi32>, vector<16xi32>, vector<16xi32>], vector<16xf32>,
        %mul3A_474 = arith.constant 16 : i32
        %mul3A_475 = arith.muli %mul3A_474, %scan3A_193 : i32
        %add3A_476 = arith.constant 9 : i32
        %add3A_477 = arith.addi %mul3A_475, %add3A_476 : i32
        %get3A_478 = arith.index_cast %add3A_477 : i32 to index
        %get3A_479 = arith.constant 0 : index
        %get3A_480 = tpu.vector_load %arg6[%get3A_478, %get3A_479] {strides = array<i32>} : memref<128x64xf32, #tpu.memory_space<vmem>>, vector<16xf32>,
        %get3A_481 = arith.index_cast %add3A_477 : i32 to index
        %get3A_482 = arith.constant 16 : index
        %get3A_483 = tpu.vector_load %arg6[%get3A_481, %get3A_482] {strides = array<i32>} : memref<128x64xf32, #tpu.memory_space<vmem>>, vector<16xf32>,
        %get3A_484 = arith.index_cast %add3A_477 : i32 to index
        %get3A_485 = arith.constant 32 : index
        %get3A_486 = tpu.vector_load %arg6[%get3A_484, %get3A_485] {strides = array<i32>} : memref<128x64xf32, #tpu.memory_space<vmem>>, vector<16xf32>,
        %get3A_487 = arith.index_cast %add3A_477 : i32 to index
        %get3A_488 = arith.constant 48 : index
        %get3A_489 = tpu.vector_load %arg6[%get3A_487, %get3A_488] {strides = array<i32>} : memref<128x64xf32, #tpu.memory_space<vmem>>, vector<16xf32>,
        %add3A_490 = arith.constant 9 : i32
        %add3A_491 = vector.broadcast %add3A_490 : i32 to vector<16xi32>
        %add3A_492 = arith.addi %broadcast_in_dim3A, %add3A_491 : vector<16xi32>
        %mul3A_493 = arith.constant 8.000000e+00 : f32
        %mul3A_494 = vector.broadcast %mul3A_493 : f32 to vector<16xf32>
        %mul3A_495 = arith.mulf %get3A_480, %mul3A_494 : vector<16xf32>
        tpu.vector_store_idx %arg8[%shift_right_logical3A_15, %and3A_38, %add3A_492], %mul3A_495 : memref<8x8x129xf32, #tpu.memory_space<vmem>>[vector<16xi32>, vector<16xi32>, vector<16xi32>], vector<16xf32>,
        %mul3A_496 = arith.constant 8.000000e+00 : f32
        %mul3A_497 = vector.broadcast %mul3A_496 : f32 to vector<16xf32>
        %mul3A_498 = arith.mulf %get3A_483, %mul3A_497 : vector<16xf32>
        tpu.vector_store_idx %arg8[%shift_right_logical3A_21, %and3A_44, %add3A_492], %mul3A_498 : memref<8x8x129xf32, #tpu.memory_space<vmem>>[vector<16xi32>, vector<16xi32>, vector<16xi32>], vector<16xf32>,
        %mul3A_499 = arith.constant 8.000000e+00 : f32
        %mul3A_500 = vector.broadcast %mul3A_499 : f32 to vector<16xf32>
        %mul3A_501 = arith.mulf %get3A_486, %mul3A_500 : vector<16xf32>
        tpu.vector_store_idx %arg8[%shift_right_logical3A_27, %and3A_50, %add3A_492], %mul3A_501 : memref<8x8x129xf32, #tpu.memory_space<vmem>>[vector<16xi32>, vector<16xi32>, vector<16xi32>], vector<16xf32>,
        %mul3A_502 = arith.constant 8.000000e+00 : f32
        %mul3A_503 = vector.broadcast %mul3A_502 : f32 to vector<16xf32>
        %mul3A_504 = arith.mulf %get3A_489, %mul3A_503 : vector<16xf32>
        tpu.vector_store_idx %arg8[%shift_right_logical3A_33, %and3A_56, %add3A_492], %mul3A_504 : memref<8x8x129xf32, #tpu.memory_space<vmem>>[vector<16xi32>, vector<16xi32>, vector<16xi32>], vector<16xf32>,
        %mul3A_505 = arith.constant 16 : i32
        %mul3A_506 = arith.muli %mul3A_505, %scan3A_193 : i32
        %add3A_507 = arith.constant 10 : i32
        %add3A_508 = arith.addi %mul3A_506, %add3A_507 : i32
        %get3A_509 = arith.index_cast %add3A_508 : i32 to index
        %get3A_510 = arith.constant 0 : index
        %get3A_511 = tpu.vector_load %arg6[%get3A_509, %get3A_510] {strides = array<i32>} : memref<128x64xf32, #tpu.memory_space<vmem>>, vector<16xf32>,
        %get3A_512 = arith.index_cast %add3A_508 : i32 to index
        %get3A_513 = arith.constant 16 : index
        %get3A_514 = tpu.vector_load %arg6[%get3A_512, %get3A_513] {strides = array<i32>} : memref<128x64xf32, #tpu.memory_space<vmem>>, vector<16xf32>,
        %get3A_515 = arith.index_cast %add3A_508 : i32 to index
        %get3A_516 = arith.constant 32 : index
        %get3A_517 = tpu.vector_load %arg6[%get3A_515, %get3A_516] {strides = array<i32>} : memref<128x64xf32, #tpu.memory_space<vmem>>, vector<16xf32>,
        %get3A_518 = arith.index_cast %add3A_508 : i32 to index
        %get3A_519 = arith.constant 48 : index
        %get3A_520 = tpu.vector_load %arg6[%get3A_518, %get3A_519] {strides = array<i32>} : memref<128x64xf32, #tpu.memory_space<vmem>>, vector<16xf32>,
        %add3A_521 = arith.constant 10 : i32
        %add3A_522 = vector.broadcast %add3A_521 : i32 to vector<16xi32>
        %add3A_523 = arith.addi %broadcast_in_dim3A, %add3A_522 : vector<16xi32>
        %mul3A_524 = arith.constant 8.000000e+00 : f32
        %mul3A_525 = vector.broadcast %mul3A_524 : f32 to vector<16xf32>
        %mul3A_526 = arith.mulf %get3A_511, %mul3A_525 : vector<16xf32>
        tpu.vector_store_idx %arg8[%shift_right_logical3A_15, %and3A_38, %add3A_523], %mul3A_526 : memref<8x8x129xf32, #tpu.memory_space<vmem>>[vector<16xi32>, vector<16xi32>, vector<16xi32>], vector<16xf32>,
        %mul3A_527 = arith.constant 8.000000e+00 : f32
        %mul3A_528 = vector.broadcast %mul3A_527 : f32 to vector<16xf32>
        %mul3A_529 = arith.mulf %get3A_514, %mul3A_528 : vector<16xf32>
        tpu.vector_store_idx %arg8[%shift_right_logical3A_21, %and3A_44, %add3A_523], %mul3A_529 : memref<8x8x129xf32, #tpu.memory_space<vmem>>[vector<16xi32>, vector<16xi32>, vector<16xi32>], vector<16xf32>,
        %mul3A_530 = arith.constant 8.000000e+00 : f32
        %mul3A_531 = vector.broadcast %mul3A_530 : f32 to vector<16xf32>
        %mul3A_532 = arith.mulf %get3A_517, %mul3A_531 : vector<16xf32>
        tpu.vector_store_idx %arg8[%shift_right_logical3A_27, %and3A_50, %add3A_523], %mul3A_532 : memref<8x8x129xf32, #tpu.memory_space<vmem>>[vector<16xi32>, vector<16xi32>, vector<16xi32>], vector<16xf32>,
        %mul3A_533 = arith.constant 8.000000e+00 : f32
        %mul3A_534 = vector.broadcast %mul3A_533 : f32 to vector<16xf32>
        %mul3A_535 = arith.mulf %get3A_520, %mul3A_534 : vector<16xf32>
        tpu.vector_store_idx %arg8[%shift_right_logical3A_33, %and3A_56, %add3A_523], %mul3A_535 : memref<8x8x129xf32, #tpu.memory_space<vmem>>[vector<16xi32>, vector<16xi32>, vector<16xi32>], vector<16xf32>,
        %mul3A_536 = arith.constant 16 : i32
        %mul3A_537 = arith.muli %mul3A_536, %scan3A_193 : i32
        %add3A_538 = arith.constant 11 : i32
        %add3A_539 = arith.addi %mul3A_537, %add3A_538 : i32
        %get3A_540 = arith.index_cast %add3A_539 : i32 to index
        %get3A_541 = arith.constant 0 : index
        %get3A_542 = tpu.vector_load %arg6[%get3A_540, %get3A_541] {strides = array<i32>} : memref<128x64xf32, #tpu.memory_space<vmem>>, vector<16xf32>,
        %get3A_543 = arith.index_cast %add3A_539 : i32 to index
        %get3A_544 = arith.constant 16 : index
        %get3A_545 = tpu.vector_load %arg6[%get3A_543, %get3A_544] {strides = array<i32>} : memref<128x64xf32, #tpu.memory_space<vmem>>, vector<16xf32>,
        %get3A_546 = arith.index_cast %add3A_539 : i32 to index
        %get3A_547 = arith.constant 32 : index
        %get3A_548 = tpu.vector_load %arg6[%get3A_546, %get3A_547] {strides = array<i32>} : memref<128x64xf32, #tpu.memory_space<vmem>>, vector<16xf32>,
        %get3A_549 = arith.index_cast %add3A_539 : i32 to index
        %get3A_550 = arith.constant 48 : index
        %get3A_551 = tpu.vector_load %arg6[%get3A_549, %get3A_550] {strides = array<i32>} : memref<128x64xf32, #tpu.memory_space<vmem>>, vector<16xf32>,
        %add3A_552 = arith.constant 11 : i32
        %add3A_553 = vector.broadcast %add3A_552 : i32 to vector<16xi32>
        %add3A_554 = arith.addi %broadcast_in_dim3A, %add3A_553 : vector<16xi32>
        %mul3A_555 = arith.constant 8.000000e+00 : f32
        %mul3A_556 = vector.broadcast %mul3A_555 : f32 to vector<16xf32>
        %mul3A_557 = arith.mulf %get3A_542, %mul3A_556 : vector<16xf32>
        tpu.vector_store_idx %arg8[%shift_right_logical3A_15, %and3A_38, %add3A_554], %mul3A_557 : memref<8x8x129xf32, #tpu.memory_space<vmem>>[vector<16xi32>, vector<16xi32>, vector<16xi32>], vector<16xf32>,
        %mul3A_558 = arith.constant 8.000000e+00 : f32
        %mul3A_559 = vector.broadcast %mul3A_558 : f32 to vector<16xf32>
        %mul3A_560 = arith.mulf %get3A_545, %mul3A_559 : vector<16xf32>
        tpu.vector_store_idx %arg8[%shift_right_logical3A_21, %and3A_44, %add3A_554], %mul3A_560 : memref<8x8x129xf32, #tpu.memory_space<vmem>>[vector<16xi32>, vector<16xi32>, vector<16xi32>], vector<16xf32>,
        %mul3A_561 = arith.constant 8.000000e+00 : f32
        %mul3A_562 = vector.broadcast %mul3A_561 : f32 to vector<16xf32>
        %mul3A_563 = arith.mulf %get3A_548, %mul3A_562 : vector<16xf32>
        tpu.vector_store_idx %arg8[%shift_right_logical3A_27, %and3A_50, %add3A_554], %mul3A_563 : memref<8x8x129xf32, #tpu.memory_space<vmem>>[vector<16xi32>, vector<16xi32>, vector<16xi32>], vector<16xf32>,
        %mul3A_564 = arith.constant 8.000000e+00 : f32
        %mul3A_565 = vector.broadcast %mul3A_564 : f32 to vector<16xf32>
        %mul3A_566 = arith.mulf %get3A_551, %mul3A_565 : vector<16xf32>
        tpu.vector_store_idx %arg8[%shift_right_logical3A_33, %and3A_56, %add3A_554], %mul3A_566 : memref<8x8x129xf32, #tpu.memory_space<vmem>>[vector<16xi32>, vector<16xi32>, vector<16xi32>], vector<16xf32>,
        %mul3A_567 = arith.constant 16 : i32
        %mul3A_568 = arith.muli %mul3A_567, %scan3A_193 : i32
        %add3A_569 = arith.constant 12 : i32
        %add3A_570 = arith.addi %mul3A_568, %add3A_569 : i32
        %get3A_571 = arith.index_cast %add3A_570 : i32 to index
        %get3A_572 = arith.constant 0 : index
        %get3A_573 = tpu.vector_load %arg6[%get3A_571, %get3A_572] {strides = array<i32>} : memref<128x64xf32, #tpu.memory_space<vmem>>, vector<16xf32>,
        %get3A_574 = arith.index_cast %add3A_570 : i32 to index
        %get3A_575 = arith.constant 16 : index
        %get3A_576 = tpu.vector_load %arg6[%get3A_574, %get3A_575] {strides = array<i32>} : memref<128x64xf32, #tpu.memory_space<vmem>>, vector<16xf32>,
        %get3A_577 = arith.index_cast %add3A_570 : i32 to index
        %get3A_578 = arith.constant 32 : index
        %get3A_579 = tpu.vector_load %arg6[%get3A_577, %get3A_578] {strides = array<i32>} : memref<128x64xf32, #tpu.memory_space<vmem>>, vector<16xf32>,
        %get3A_580 = arith.index_cast %add3A_570 : i32 to index
        %get3A_581 = arith.constant 48 : index
        %get3A_582 = tpu.vector_load %arg6[%get3A_580, %get3A_581] {strides = array<i32>} : memref<128x64xf32, #tpu.memory_space<vmem>>, vector<16xf32>,
        %add3A_583 = arith.constant 12 : i32
        %add3A_584 = vector.broadcast %add3A_583 : i32 to vector<16xi32>
        %add3A_585 = arith.addi %broadcast_in_dim3A, %add3A_584 : vector<16xi32>
        %mul3A_586 = arith.constant 8.000000e+00 : f32
        %mul3A_587 = vector.broadcast %mul3A_586 : f32 to vector<16xf32>
        %mul3A_588 = arith.mulf %get3A_573, %mul3A_587 : vector<16xf32>
        tpu.vector_store_idx %arg8[%shift_right_logical3A_15, %and3A_38, %add3A_585], %mul3A_588 : memref<8x8x129xf32, #tpu.memory_space<vmem>>[vector<16xi32>, vector<16xi32>, vector<16xi32>], vector<16xf32>,
        %mul3A_589 = arith.constant 8.000000e+00 : f32
        %mul3A_590 = vector.broadcast %mul3A_589 : f32 to vector<16xf32>
        %mul3A_591 = arith.mulf %get3A_576, %mul3A_590 : vector<16xf32>
        tpu.vector_store_idx %arg8[%shift_right_logical3A_21, %and3A_44, %add3A_585], %mul3A_591 : memref<8x8x129xf32, #tpu.memory_space<vmem>>[vector<16xi32>, vector<16xi32>, vector<16xi32>], vector<16xf32>,
        %mul3A_592 = arith.constant 8.000000e+00 : f32
        %mul3A_593 = vector.broadcast %mul3A_592 : f32 to vector<16xf32>
        %mul3A_594 = arith.mulf %get3A_579, %mul3A_593 : vector<16xf32>
        tpu.vector_store_idx %arg8[%shift_right_logical3A_27, %and3A_50, %add3A_585], %mul3A_594 : memref<8x8x129xf32, #tpu.memory_space<vmem>>[vector<16xi32>, vector<16xi32>, vector<16xi32>], vector<16xf32>,
        %mul3A_595 = arith.constant 8.000000e+00 : f32
        %mul3A_596 = vector.broadcast %mul3A_595 : f32 to vector<16xf32>
        %mul3A_597 = arith.mulf %get3A_582, %mul3A_596 : vector<16xf32>
        tpu.vector_store_idx %arg8[%shift_right_logical3A_33, %and3A_56, %add3A_585], %mul3A_597 : memref<8x8x129xf32, #tpu.memory_space<vmem>>[vector<16xi32>, vector<16xi32>, vector<16xi32>], vector<16xf32>,
        %mul3A_598 = arith.constant 16 : i32
        %mul3A_599 = arith.muli %mul3A_598, %scan3A_193 : i32
        %add3A_600 = arith.constant 13 : i32
        %add3A_601 = arith.addi %mul3A_599, %add3A_600 : i32
        %get3A_602 = arith.index_cast %add3A_601 : i32 to index
        %get3A_603 = arith.constant 0 : index
        %get3A_604 = tpu.vector_load %arg6[%get3A_602, %get3A_603] {strides = array<i32>} : memref<128x64xf32, #tpu.memory_space<vmem>>, vector<16xf32>,
        %get3A_605 = arith.index_cast %add3A_601 : i32 to index
        %get3A_606 = arith.constant 16 : index
        %get3A_607 = tpu.vector_load %arg6[%get3A_605, %get3A_606] {strides = array<i32>} : memref<128x64xf32, #tpu.memory_space<vmem>>, vector<16xf32>,
        %get3A_608 = arith.index_cast %add3A_601 : i32 to index
        %get3A_609 = arith.constant 32 : index
        %get3A_610 = tpu.vector_load %arg6[%get3A_608, %get3A_609] {strides = array<i32>} : memref<128x64xf32, #tpu.memory_space<vmem>>, vector<16xf32>,
        %get3A_611 = arith.index_cast %add3A_601 : i32 to index
        %get3A_612 = arith.constant 48 : index
        %get3A_613 = tpu.vector_load %arg6[%get3A_611, %get3A_612] {strides = array<i32>} : memref<128x64xf32, #tpu.memory_space<vmem>>, vector<16xf32>,
        %add3A_614 = arith.constant 13 : i32
        %add3A_615 = vector.broadcast %add3A_614 : i32 to vector<16xi32>
        %add3A_616 = arith.addi %broadcast_in_dim3A, %add3A_615 : vector<16xi32>
        %mul3A_617 = arith.constant 8.000000e+00 : f32
        %mul3A_618 = vector.broadcast %mul3A_617 : f32 to vector<16xf32>
        %mul3A_619 = arith.mulf %get3A_604, %mul3A_618 : vector<16xf32>
        tpu.vector_store_idx %arg8[%shift_right_logical3A_15, %and3A_38, %add3A_616], %mul3A_619 : memref<8x8x129xf32, #tpu.memory_space<vmem>>[vector<16xi32>, vector<16xi32>, vector<16xi32>], vector<16xf32>,
        %mul3A_620 = arith.constant 8.000000e+00 : f32
        %mul3A_621 = vector.broadcast %mul3A_620 : f32 to vector<16xf32>
        %mul3A_622 = arith.mulf %get3A_607, %mul3A_621 : vector<16xf32>
        tpu.vector_store_idx %arg8[%shift_right_logical3A_21, %and3A_44, %add3A_616], %mul3A_622 : memref<8x8x129xf32, #tpu.memory_space<vmem>>[vector<16xi32>, vector<16xi32>, vector<16xi32>], vector<16xf32>,
        %mul3A_623 = arith.constant 8.000000e+00 : f32
        %mul3A_624 = vector.broadcast %mul3A_623 : f32 to vector<16xf32>
        %mul3A_625 = arith.mulf %get3A_610, %mul3A_624 : vector<16xf32>
        tpu.vector_store_idx %arg8[%shift_right_logical3A_27, %and3A_50, %add3A_616], %mul3A_625 : memref<8x8x129xf32, #tpu.memory_space<vmem>>[vector<16xi32>, vector<16xi32>, vector<16xi32>], vector<16xf32>,
        %mul3A_626 = arith.constant 8.000000e+00 : f32
        %mul3A_627 = vector.broadcast %mul3A_626 : f32 to vector<16xf32>
        %mul3A_628 = arith.mulf %get3A_613, %mul3A_627 : vector<16xf32>
        tpu.vector_store_idx %arg8[%shift_right_logical3A_33, %and3A_56, %add3A_616], %mul3A_628 : memref<8x8x129xf32, #tpu.memory_space<vmem>>[vector<16xi32>, vector<16xi32>, vector<16xi32>], vector<16xf32>,
        %mul3A_629 = arith.constant 16 : i32
        %mul3A_630 = arith.muli %mul3A_629, %scan3A_193 : i32
        %add3A_631 = arith.constant 14 : i32
        %add3A_632 = arith.addi %mul3A_630, %add3A_631 : i32
        %get3A_633 = arith.index_cast %add3A_632 : i32 to index
        %get3A_634 = arith.constant 0 : index
        %get3A_635 = tpu.vector_load %arg6[%get3A_633, %get3A_634] {strides = array<i32>} : memref<128x64xf32, #tpu.memory_space<vmem>>, vector<16xf32>,
        %get3A_636 = arith.index_cast %add3A_632 : i32 to index
        %get3A_637 = arith.constant 16 : index
        %get3A_638 = tpu.vector_load %arg6[%get3A_636, %get3A_637] {strides = array<i32>} : memref<128x64xf32, #tpu.memory_space<vmem>>, vector<16xf32>,
        %get3A_639 = arith.index_cast %add3A_632 : i32 to index
        %get3A_640 = arith.constant 32 : index
        %get3A_641 = tpu.vector_load %arg6[%get3A_639, %get3A_640] {strides = array<i32>} : memref<128x64xf32, #tpu.memory_space<vmem>>, vector<16xf32>,
        %get3A_642 = arith.index_cast %add3A_632 : i32 to index
        %get3A_643 = arith.constant 48 : index
        %get3A_644 = tpu.vector_load %arg6[%get3A_642, %get3A_643] {strides = array<i32>} : memref<128x64xf32, #tpu.memory_space<vmem>>, vector<16xf32>,
        %add3A_645 = arith.constant 14 : i32
        %add3A_646 = vector.broadcast %add3A_645 : i32 to vector<16xi32>
        %add3A_647 = arith.addi %broadcast_in_dim3A, %add3A_646 : vector<16xi32>
        %mul3A_648 = arith.constant 8.000000e+00 : f32
        %mul3A_649 = vector.broadcast %mul3A_648 : f32 to vector<16xf32>
        %mul3A_650 = arith.mulf %get3A_635, %mul3A_649 : vector<16xf32>
        tpu.vector_store_idx %arg8[%shift_right_logical3A_15, %and3A_38, %add3A_647], %mul3A_650 : memref<8x8x129xf32, #tpu.memory_space<vmem>>[vector<16xi32>, vector<16xi32>, vector<16xi32>], vector<16xf32>,
        %mul3A_651 = arith.constant 8.000000e+00 : f32
        %mul3A_652 = vector.broadcast %mul3A_651 : f32 to vector<16xf32>
        %mul3A_653 = arith.mulf %get3A_638, %mul3A_652 : vector<16xf32>
        tpu.vector_store_idx %arg8[%shift_right_logical3A_21, %and3A_44, %add3A_647], %mul3A_653 : memref<8x8x129xf32, #tpu.memory_space<vmem>>[vector<16xi32>, vector<16xi32>, vector<16xi32>], vector<16xf32>,
        %mul3A_654 = arith.constant 8.000000e+00 : f32
        %mul3A_655 = vector.broadcast %mul3A_654 : f32 to vector<16xf32>
        %mul3A_656 = arith.mulf %get3A_641, %mul3A_655 : vector<16xf32>
        tpu.vector_store_idx %arg8[%shift_right_logical3A_27, %and3A_50, %add3A_647], %mul3A_656 : memref<8x8x129xf32, #tpu.memory_space<vmem>>[vector<16xi32>, vector<16xi32>, vector<16xi32>], vector<16xf32>,
        %mul3A_657 = arith.constant 8.000000e+00 : f32
        %mul3A_658 = vector.broadcast %mul3A_657 : f32 to vector<16xf32>
        %mul3A_659 = arith.mulf %get3A_644, %mul3A_658 : vector<16xf32>
        tpu.vector_store_idx %arg8[%shift_right_logical3A_33, %and3A_56, %add3A_647], %mul3A_659 : memref<8x8x129xf32, #tpu.memory_space<vmem>>[vector<16xi32>, vector<16xi32>, vector<16xi32>], vector<16xf32>,
        %mul3A_660 = arith.constant 16 : i32
        %mul3A_661 = arith.muli %mul3A_660, %scan3A_193 : i32
        %add3A_662 = arith.constant 15 : i32
        %add3A_663 = arith.addi %mul3A_661, %add3A_662 : i32
        %get3A_664 = arith.index_cast %add3A_663 : i32 to index
        %get3A_665 = arith.constant 0 : index
        %get3A_666 = tpu.vector_load %arg6[%get3A_664, %get3A_665] {strides = array<i32>} : memref<128x64xf32, #tpu.memory_space<vmem>>, vector<16xf32>,
        %get3A_667 = arith.index_cast %add3A_663 : i32 to index
        %get3A_668 = arith.constant 16 : index
        %get3A_669 = tpu.vector_load %arg6[%get3A_667, %get3A_668] {strides = array<i32>} : memref<128x64xf32, #tpu.memory_space<vmem>>, vector<16xf32>,
        %get3A_670 = arith.index_cast %add3A_663 : i32 to index
        %get3A_671 = arith.constant 32 : index
        %get3A_672 = tpu.vector_load %arg6[%get3A_670, %get3A_671] {strides = array<i32>} : memref<128x64xf32, #tpu.memory_space<vmem>>, vector<16xf32>,
        %get3A_673 = arith.index_cast %add3A_663 : i32 to index
        %get3A_674 = arith.constant 48 : index
        %get3A_675 = tpu.vector_load %arg6[%get3A_673, %get3A_674] {strides = array<i32>} : memref<128x64xf32, #tpu.memory_space<vmem>>, vector<16xf32>,
        %add3A_676 = arith.constant 15 : i32
        %add3A_677 = vector.broadcast %add3A_676 : i32 to vector<16xi32>
        %add3A_678 = arith.addi %broadcast_in_dim3A, %add3A_677 : vector<16xi32>
        %mul3A_679 = arith.constant 8.000000e+00 : f32
        %mul3A_680 = vector.broadcast %mul3A_679 : f32 to vector<16xf32>
        %mul3A_681 = arith.mulf %get3A_666, %mul3A_680 : vector<16xf32>
        tpu.vector_store_idx %arg8[%shift_right_logical3A_15, %and3A_38, %add3A_678], %mul3A_681 : memref<8x8x129xf32, #tpu.memory_space<vmem>>[vector<16xi32>, vector<16xi32>, vector<16xi32>], vector<16xf32>,
        %mul3A_682 = arith.constant 8.000000e+00 : f32
        %mul3A_683 = vector.broadcast %mul3A_682 : f32 to vector<16xf32>
        %mul3A_684 = arith.mulf %get3A_669, %mul3A_683 : vector<16xf32>
        tpu.vector_store_idx %arg8[%shift_right_logical3A_21, %and3A_44, %add3A_678], %mul3A_684 : memref<8x8x129xf32, #tpu.memory_space<vmem>>[vector<16xi32>, vector<16xi32>, vector<16xi32>], vector<16xf32>,
        %mul3A_685 = arith.constant 8.000000e+00 : f32
        %mul3A_686 = vector.broadcast %mul3A_685 : f32 to vector<16xf32>
        %mul3A_687 = arith.mulf %get3A_672, %mul3A_686 : vector<16xf32>
        tpu.vector_store_idx %arg8[%shift_right_logical3A_27, %and3A_50, %add3A_678], %mul3A_687 : memref<8x8x129xf32, #tpu.memory_space<vmem>>[vector<16xi32>, vector<16xi32>, vector<16xi32>], vector<16xf32>,
        %mul3A_688 = arith.constant 8.000000e+00 : f32
        %mul3A_689 = vector.broadcast %mul3A_688 : f32 to vector<16xf32>
        %mul3A_690 = arith.mulf %get3A_675, %mul3A_689 : vector<16xf32>
        tpu.vector_store_idx %arg8[%shift_right_logical3A_33, %and3A_56, %add3A_678], %mul3A_690 : memref<8x8x129xf32, #tpu.memory_space<vmem>>[vector<16xi32>, vector<16xi32>, vector<16xi32>], vector<16xf32>,
      }
      %scan3A_133 = arith.constant 8 : i32
      %dma_start3A_134 = arith.constant 0 : i32
      %dma_start3A_135 = arith.constant 0 : i32
      %dma_start3A_136 = arith.constant 0 : i32
      %dma_start3A_137 = tpu.memref_slice %arg8[%dma_start3A_134, %dma_start3A_135, %dma_start3A_136] : memref<8x8x129xf32, #tpu.memory_space<vmem>> -> memref<8x8x128xf32, #tpu.memory_space<vmem>>
      %dma_start3A_138 = arith.constant 0 : i32
      %dma_start3A_139 = arith.constant 0 : i32
      %dma_start3A_140 = arith.constant 0 : i32
      %dma_start3A_141 = tpu.memref_slice %arg4[%mul3A_111, %dma_start3A_138, %add3A, %dma_start3A_139, %dma_start3A_140] : memref<200x8x32x8x128xf32, #tpu.memory_space<hbm>> -> memref<1x8x1x8x128xf32, #tpu.memory_space<hbm>>
      %dma_start3A_142 = tpu.memref_squeeze %dma_start3A_141 : memref<1x8x1x8x128xf32, #tpu.memory_space<hbm>> -> memref<8x8x128xf32, #tpu.memory_space<hbm>>
      %dma_start3A_143 = arith.constant 0 : i32
      %dma_start3A_144 = arith.constant 0 : i32
      %dma_start3A_145 = arith.constant 0 : i32
      %dma_start3A_146 = tpu.memref_slice %arg4[%mul3A_111, %dma_start3A_143, %add3A, %dma_start3A_144, %dma_start3A_145] : memref<200x8x32x8x128xf32, #tpu.memory_space<hbm>> -> memref<1x8x1x8x128xf32, #tpu.memory_space<hbm>>
      %dma_start3A_147 = tpu.memref_squeeze %dma_start3A_146 : memref<1x8x1x8x128xf32, #tpu.memory_space<hbm>> -> memref<8x8x128xf32, #tpu.memory_space<hbm>>
      %dma_start3A_148 = arith.constant 0 : i32
      %dma_start3A_149 = arith.constant 0 : i32
      %dma_start3A_150 = arith.constant 0 : i32
      %dma_start3A_151 = tpu.memref_slice %arg8[%dma_start3A_148, %dma_start3A_149, %dma_start3A_150] : memref<8x8x129xf32, #tpu.memory_space<vmem>> -> memref<8x8x128xf32, #tpu.memory_space<vmem>>
      tpu.enqueue_dma source(%dma_start3A_151 : memref<8x8x128xf32, #tpu.memory_space<vmem>>) target(%dma_start3A_147 : memref<8x8x128xf32, #tpu.memory_space<hbm>>) target_semaphore(%arg13 : memref<!tpu.dma_semaphore, #tpu.memory_space<semaphore_mem>>)
      %dma_wait3A_152 = arith.constant 0 : i32
      %dma_wait3A_153 = arith.constant 0 : i32
      %dma_wait3A_154 = tpu.memref_slice %arg2[%dma_wait3A_152, %dma_wait3A_153] : memref<1000000x64xf32, #tpu.memory_space<hbm>> -> memref<128x64xf32, #tpu.memory_space<hbm>>
      %dma_wait3A_155 = arith.constant 0 : i32
      %dma_wait3A_156 = arith.constant 0 : i32
      %dma_wait3A_157 = tpu.memref_slice %arg2[%dma_wait3A_155, %dma_wait3A_156] : memref<1000000x64xf32, #tpu.memory_space<hbm>> -> memref<128x64xf32, #tpu.memory_space<hbm>>
      tpu.wait_dma2 semaphore(%arg12 : memref<!tpu.dma_semaphore, #tpu.memory_space<semaphore_mem>>) src(%dma_wait3A_157 : memref<128x64xf32, #tpu.memory_space<hbm>>) dst(%arg7 : memref<128x64xf32, #tpu.memory_space<vmem>>)
      %add3A_158 = arith.constant 1 : i32
      %add3A_159 = arith.addi %add3A_113, %add3A_158 : i32
      %lt3A = arith.constant 200 : i32
      %lt3A_160 = arith.cmpi slt, %add3A_159, %lt3A : i32
      %convert_element_type3A_161 = arith.extui %lt3A_160 : i1 to i32
      %cond3A_162 = arith.constant 0 : i32
      %cond3A_163 = arith.cmpi ne, %convert_element_type3A_161, %cond3A_162 : i32
      scf.if %cond3A_163 {
        %add3A_193 = arith.constant 1 : i32
        %add3A_194 = arith.addi %add3A_113, %add3A_193 : i32
        %dma_start3A_195 = arith.constant 0 : i32
        %dma_start3A_196 = tpu.memref_slice %arg5[%add3A_194, %dma_start3A_195] : memref<200x128xi32, #tpu.memory_space<vmem>> -> memref<1x128xi32, #tpu.memory_space<vmem>>
        %dma_start3A_197 = tpu.memref_squeeze %dma_start3A_196 : memref<1x128xi32, #tpu.memory_space<vmem>> -> memref<128xi32, #tpu.memory_space<vmem>>
        %dma_start3A_198 = arith.constant 0 : i32
        %dma_start3A_199 = arith.constant 0 : i32
        %dma_start3A_200 = tpu.memref_slice %arg2[%dma_start3A_198, %dma_start3A_199] : memref<1000000x64xf32, #tpu.memory_space<hbm>> -> memref<1000000x64xf32, #tpu.memory_space<hbm>>
        tpu.enqueue_indirect_dma source(%dma_start3A_200 : memref<1000000x64xf32, #tpu.memory_space<hbm>>) target(%arg6 : memref<128x64xf32, #tpu.memory_space<vmem>>) offsets(%dma_start3A_197 : memref<128xi32, #tpu.memory_space<vmem>>) semaphore(%arg11 : memref<!tpu.dma_semaphore, #tpu.memory_space<semaphore_mem>>)
      } else {
      }
      %gt3A_164 = arith.constant 0 : i32
      %gt3A_165 = arith.cmpi sgt, %scan3A_109, %gt3A_164 : i32
      %convert_element_type3A_166 = arith.extui %gt3A_165 : i1 to i32
      %cond3A_167 = arith.constant 0 : i32
      %cond3A_168 = arith.cmpi ne, %convert_element_type3A_166, %cond3A_167 : i32
      scf.if %cond3A_168 {
        %dma_wait3A_193 = arith.constant 0 : i32
        %dma_wait3A_194 = arith.constant 0 : i32
        %dma_wait3A_195 = arith.constant 0 : i32
        %dma_wait3A_196 = arith.constant 0 : i32
        %dma_wait3A_197 = arith.constant 0 : i32
        %dma_wait3A_198 = tpu.memref_slice %arg9[%dma_wait3A_195, %dma_wait3A_196, %dma_wait3A_197] : memref<8x8x129xf32, #tpu.memory_space<vmem>> -> memref<8x8x128xf32, #tpu.memory_space<vmem>>
        %dma_wait3A_199 = arith.constant 0 : i32
        %dma_wait3A_200 = arith.constant 0 : i32
        %dma_wait3A_201 = arith.constant 0 : i32
        %dma_wait3A_202 = tpu.memref_slice %arg4[%dma_wait3A_193, %dma_wait3A_199, %dma_wait3A_194, %dma_wait3A_200, %dma_wait3A_201] : memref<200x8x32x8x128xf32, #tpu.memory_space<hbm>> -> memref<1x8x1x8x128xf32, #tpu.memory_space<hbm>>
        %dma_wait3A_203 = tpu.memref_squeeze %dma_wait3A_202 : memref<1x8x1x8x128xf32, #tpu.memory_space<hbm>> -> memref<8x8x128xf32, #tpu.memory_space<hbm>>
        %dma_wait3A_204 = arith.constant 0 : i32
        %dma_wait3A_205 = arith.constant 0 : i32
        %dma_wait3A_206 = arith.constant 0 : i32
        %dma_wait3A_207 = tpu.memref_slice %arg4[%dma_wait3A_193, %dma_wait3A_204, %dma_wait3A_194, %dma_wait3A_205, %dma_wait3A_206] : memref<200x8x32x8x128xf32, #tpu.memory_space<hbm>> -> memref<1x8x1x8x128xf32, #tpu.memory_space<hbm>>
        %dma_wait3A_208 = tpu.memref_squeeze %dma_wait3A_207 : memref<1x8x1x8x128xf32, #tpu.memory_space<hbm>> -> memref<8x8x128xf32, #tpu.memory_space<hbm>>
        %dma_wait3A_209 = arith.constant 0 : i32
        %dma_wait3A_210 = arith.constant 0 : i32
        %dma_wait3A_211 = arith.constant 0 : i32
        %dma_wait3A_212 = tpu.memref_slice %arg9[%dma_wait3A_209, %dma_wait3A_210, %dma_wait3A_211] : memref<8x8x129xf32, #tpu.memory_space<vmem>> -> memref<8x8x128xf32, #tpu.memory_space<vmem>>
        tpu.wait_dma2 semaphore(%arg14 : memref<!tpu.dma_semaphore, #tpu.memory_space<semaphore_mem>>) src(%dma_wait3A_212 : memref<8x8x128xf32, #tpu.memory_space<vmem>>) dst(%dma_wait3A_208 : memref<8x8x128xf32, #tpu.memory_space<hbm>>)
      } else {
      }
      %scan3A_169 = arith.constant 0 : i32
      %scan3A_170 = arith.constant 0 : i32
      %scan3A_171 = arith.constant 8 : i32
      %scan3A_172 = arith.addi %scan3A_170, %scan3A_171 : i32
      %scan3A_173 = arith.constant 1 : i32
      scf.for %scan3A_193 = %scan3A_170 to %scan3A_172 step %scan3A_173  : i32 {
        %mul3A_194 = arith.constant 16 : i32
        %mul3A_195 = arith.muli %mul3A_194, %scan3A_193 : i32
        %broadcast_in_dim3A = vector.broadcast %mul3A_195 : i32 to vector<16xi32>
        %mul3A_196 = arith.constant 16 : i32
        %mul3A_197 = arith.muli %mul3A_196, %scan3A_193 : i32
        %add3A_198 = arith.constant 0 : i32
        %add3A_199 = arith.addi %mul3A_197, %add3A_198 : i32
        %get3A = arith.index_cast %add3A_199 : i32 to index
        %get3A_200 = arith.constant 0 : index
        %get3A_201 = tpu.vector_load %arg7[%get3A, %get3A_200] {strides = array<i32>} : memref<128x64xf32, #tpu.memory_space<vmem>>, vector<16xf32>,
        %get3A_202 = arith.index_cast %add3A_199 : i32 to index
        %get3A_203 = arith.constant 16 : index
        %get3A_204 = tpu.vector_load %arg7[%get3A_202, %get3A_203] {strides = array<i32>} : memref<128x64xf32, #tpu.memory_space<vmem>>, vector<16xf32>,
        %get3A_205 = arith.index_cast %add3A_199 : i32 to index
        %get3A_206 = arith.constant 32 : index
        %get3A_207 = tpu.vector_load %arg7[%get3A_205, %get3A_206] {strides = array<i32>} : memref<128x64xf32, #tpu.memory_space<vmem>>, vector<16xf32>,
        %get3A_208 = arith.index_cast %add3A_199 : i32 to index
        %get3A_209 = arith.constant 48 : index
        %get3A_210 = tpu.vector_load %arg7[%get3A_208, %get3A_209] {strides = array<i32>} : memref<128x64xf32, #tpu.memory_space<vmem>>, vector<16xf32>,
        %add3A_211 = arith.constant 0 : i32
        %add3A_212 = vector.broadcast %add3A_211 : i32 to vector<16xi32>
        %add3A_213 = arith.addi %broadcast_in_dim3A, %add3A_212 : vector<16xi32>
        %mul3A_214 = arith.constant 8.000000e+00 : f32
        %mul3A_215 = vector.broadcast %mul3A_214 : f32 to vector<16xf32>
        %mul3A_216 = arith.mulf %get3A_201, %mul3A_215 : vector<16xf32>
        tpu.vector_store_idx %arg9[%shift_right_logical3A_15, %and3A_38, %add3A_213], %mul3A_216 : memref<8x8x129xf32, #tpu.memory_space<vmem>>[vector<16xi32>, vector<16xi32>, vector<16xi32>], vector<16xf32>,
        %mul3A_217 = arith.constant 8.000000e+00 : f32
        %mul3A_218 = vector.broadcast %mul3A_217 : f32 to vector<16xf32>
        %mul3A_219 = arith.mulf %get3A_204, %mul3A_218 : vector<16xf32>
        tpu.vector_store_idx %arg9[%shift_right_logical3A_21, %and3A_44, %add3A_213], %mul3A_219 : memref<8x8x129xf32, #tpu.memory_space<vmem>>[vector<16xi32>, vector<16xi32>, vector<16xi32>], vector<16xf32>,
        %mul3A_220 = arith.constant 8.000000e+00 : f32
        %mul3A_221 = vector.broadcast %mul3A_220 : f32 to vector<16xf32>
        %mul3A_222 = arith.mulf %get3A_207, %mul3A_221 : vector<16xf32>
        tpu.vector_store_idx %arg9[%shift_right_logical3A_27, %and3A_50, %add3A_213], %mul3A_222 : memref<8x8x129xf32, #tpu.memory_space<vmem>>[vector<16xi32>, vector<16xi32>, vector<16xi32>], vector<16xf32>,
        %mul3A_223 = arith.constant 8.000000e+00 : f32
        %mul3A_224 = vector.broadcast %mul3A_223 : f32 to vector<16xf32>
        %mul3A_225 = arith.mulf %get3A_210, %mul3A_224 : vector<16xf32>
        tpu.vector_store_idx %arg9[%shift_right_logical3A_33, %and3A_56, %add3A_213], %mul3A_225 : memref<8x8x129xf32, #tpu.memory_space<vmem>>[vector<16xi32>, vector<16xi32>, vector<16xi32>], vector<16xf32>,
        %mul3A_226 = arith.constant 16 : i32
        %mul3A_227 = arith.muli %mul3A_226, %scan3A_193 : i32
        %add3A_228 = arith.constant 1 : i32
        %add3A_229 = arith.addi %mul3A_227, %add3A_228 : i32
        %get3A_230 = arith.index_cast %add3A_229 : i32 to index
        %get3A_231 = arith.constant 0 : index
        %get3A_232 = tpu.vector_load %arg7[%get3A_230, %get3A_231] {strides = array<i32>} : memref<128x64xf32, #tpu.memory_space<vmem>>, vector<16xf32>,
        %get3A_233 = arith.index_cast %add3A_229 : i32 to index
        %get3A_234 = arith.constant 16 : index
        %get3A_235 = tpu.vector_load %arg7[%get3A_233, %get3A_234] {strides = array<i32>} : memref<128x64xf32, #tpu.memory_space<vmem>>, vector<16xf32>,
        %get3A_236 = arith.index_cast %add3A_229 : i32 to index
        %get3A_237 = arith.constant 32 : index
        %get3A_238 = tpu.vector_load %arg7[%get3A_236, %get3A_237] {strides = array<i32>} : memref<128x64xf32, #tpu.memory_space<vmem>>, vector<16xf32>,
        %get3A_239 = arith.index_cast %add3A_229 : i32 to index
        %get3A_240 = arith.constant 48 : index
        %get3A_241 = tpu.vector_load %arg7[%get3A_239, %get3A_240] {strides = array<i32>} : memref<128x64xf32, #tpu.memory_space<vmem>>, vector<16xf32>,
        %add3A_242 = arith.constant 1 : i32
        %add3A_243 = vector.broadcast %add3A_242 : i32 to vector<16xi32>
        %add3A_244 = arith.addi %broadcast_in_dim3A, %add3A_243 : vector<16xi32>
        %mul3A_245 = arith.constant 8.000000e+00 : f32
        %mul3A_246 = vector.broadcast %mul3A_245 : f32 to vector<16xf32>
        %mul3A_247 = arith.mulf %get3A_232, %mul3A_246 : vector<16xf32>
        tpu.vector_store_idx %arg9[%shift_right_logical3A_15, %and3A_38, %add3A_244], %mul3A_247 : memref<8x8x129xf32, #tpu.memory_space<vmem>>[vector<16xi32>, vector<16xi32>, vector<16xi32>], vector<16xf32>,
        %mul3A_248 = arith.constant 8.000000e+00 : f32
        %mul3A_249 = vector.broadcast %mul3A_248 : f32 to vector<16xf32>
        %mul3A_250 = arith.mulf %get3A_235, %mul3A_249 : vector<16xf32>
        tpu.vector_store_idx %arg9[%shift_right_logical3A_21, %and3A_44, %add3A_244], %mul3A_250 : memref<8x8x129xf32, #tpu.memory_space<vmem>>[vector<16xi32>, vector<16xi32>, vector<16xi32>], vector<16xf32>,
        %mul3A_251 = arith.constant 8.000000e+00 : f32
        %mul3A_252 = vector.broadcast %mul3A_251 : f32 to vector<16xf32>
        %mul3A_253 = arith.mulf %get3A_238, %mul3A_252 : vector<16xf32>
        tpu.vector_store_idx %arg9[%shift_right_logical3A_27, %and3A_50, %add3A_244], %mul3A_253 : memref<8x8x129xf32, #tpu.memory_space<vmem>>[vector<16xi32>, vector<16xi32>, vector<16xi32>], vector<16xf32>,
        %mul3A_254 = arith.constant 8.000000e+00 : f32
        %mul3A_255 = vector.broadcast %mul3A_254 : f32 to vector<16xf32>
        %mul3A_256 = arith.mulf %get3A_241, %mul3A_255 : vector<16xf32>
        tpu.vector_store_idx %arg9[%shift_right_logical3A_33, %and3A_56, %add3A_244], %mul3A_256 : memref<8x8x129xf32, #tpu.memory_space<vmem>>[vector<16xi32>, vector<16xi32>, vector<16xi32>], vector<16xf32>,
        %mul3A_257 = arith.constant 16 : i32
        %mul3A_258 = arith.muli %mul3A_257, %scan3A_193 : i32
        %add3A_259 = arith.constant 2 : i32
        %add3A_260 = arith.addi %mul3A_258, %add3A_259 : i32
        %get3A_261 = arith.index_cast %add3A_260 : i32 to index
        %get3A_262 = arith.constant 0 : index
        %get3A_263 = tpu.vector_load %arg7[%get3A_261, %get3A_262] {strides = array<i32>} : memref<128x64xf32, #tpu.memory_space<vmem>>, vector<16xf32>,
        %get3A_264 = arith.index_cast %add3A_260 : i32 to index
        %get3A_265 = arith.constant 16 : index
        %get3A_266 = tpu.vector_load %arg7[%get3A_264, %get3A_265] {strides = array<i32>} : memref<128x64xf32, #tpu.memory_space<vmem>>, vector<16xf32>,
        %get3A_267 = arith.index_cast %add3A_260 : i32 to index
        %get3A_268 = arith.constant 32 : index
        %get3A_269 = tpu.vector_load %arg7[%get3A_267, %get3A_268] {strides = array<i32>} : memref<128x64xf32, #tpu.memory_space<vmem>>, vector<16xf32>,
        %get3A_270 = arith.index_cast %add3A_260 : i32 to index
        %get3A_271 = arith.constant 48 : index
        %get3A_272 = tpu.vector_load %arg7[%get3A_270, %get3A_271] {strides = array<i32>} : memref<128x64xf32, #tpu.memory_space<vmem>>, vector<16xf32>,
        %add3A_273 = arith.constant 2 : i32
        %add3A_274 = vector.broadcast %add3A_273 : i32 to vector<16xi32>
        %add3A_275 = arith.addi %broadcast_in_dim3A, %add3A_274 : vector<16xi32>
        %mul3A_276 = arith.constant 8.000000e+00 : f32
        %mul3A_277 = vector.broadcast %mul3A_276 : f32 to vector<16xf32>
        %mul3A_278 = arith.mulf %get3A_263, %mul3A_277 : vector<16xf32>
        tpu.vector_store_idx %arg9[%shift_right_logical3A_15, %and3A_38, %add3A_275], %mul3A_278 : memref<8x8x129xf32, #tpu.memory_space<vmem>>[vector<16xi32>, vector<16xi32>, vector<16xi32>], vector<16xf32>,
        %mul3A_279 = arith.constant 8.000000e+00 : f32
        %mul3A_280 = vector.broadcast %mul3A_279 : f32 to vector<16xf32>
        %mul3A_281 = arith.mulf %get3A_266, %mul3A_280 : vector<16xf32>
        tpu.vector_store_idx %arg9[%shift_right_logical3A_21, %and3A_44, %add3A_275], %mul3A_281 : memref<8x8x129xf32, #tpu.memory_space<vmem>>[vector<16xi32>, vector<16xi32>, vector<16xi32>], vector<16xf32>,
        %mul3A_282 = arith.constant 8.000000e+00 : f32
        %mul3A_283 = vector.broadcast %mul3A_282 : f32 to vector<16xf32>
        %mul3A_284 = arith.mulf %get3A_269, %mul3A_283 : vector<16xf32>
        tpu.vector_store_idx %arg9[%shift_right_logical3A_27, %and3A_50, %add3A_275], %mul3A_284 : memref<8x8x129xf32, #tpu.memory_space<vmem>>[vector<16xi32>, vector<16xi32>, vector<16xi32>], vector<16xf32>,
        %mul3A_285 = arith.constant 8.000000e+00 : f32
        %mul3A_286 = vector.broadcast %mul3A_285 : f32 to vector<16xf32>
        %mul3A_287 = arith.mulf %get3A_272, %mul3A_286 : vector<16xf32>
        tpu.vector_store_idx %arg9[%shift_right_logical3A_33, %and3A_56, %add3A_275], %mul3A_287 : memref<8x8x129xf32, #tpu.memory_space<vmem>>[vector<16xi32>, vector<16xi32>, vector<16xi32>], vector<16xf32>,
        %mul3A_288 = arith.constant 16 : i32
        %mul3A_289 = arith.muli %mul3A_288, %scan3A_193 : i32
        %add3A_290 = arith.constant 3 : i32
        %add3A_291 = arith.addi %mul3A_289, %add3A_290 : i32
        %get3A_292 = arith.index_cast %add3A_291 : i32 to index
        %get3A_293 = arith.constant 0 : index
        %get3A_294 = tpu.vector_load %arg7[%get3A_292, %get3A_293] {strides = array<i32>} : memref<128x64xf32, #tpu.memory_space<vmem>>, vector<16xf32>,
        %get3A_295 = arith.index_cast %add3A_291 : i32 to index
        %get3A_296 = arith.constant 16 : index
        %get3A_297 = tpu.vector_load %arg7[%get3A_295, %get3A_296] {strides = array<i32>} : memref<128x64xf32, #tpu.memory_space<vmem>>, vector<16xf32>,
        %get3A_298 = arith.index_cast %add3A_291 : i32 to index
        %get3A_299 = arith.constant 32 : index
        %get3A_300 = tpu.vector_load %arg7[%get3A_298, %get3A_299] {strides = array<i32>} : memref<128x64xf32, #tpu.memory_space<vmem>>, vector<16xf32>,
        %get3A_301 = arith.index_cast %add3A_291 : i32 to index
        %get3A_302 = arith.constant 48 : index
        %get3A_303 = tpu.vector_load %arg7[%get3A_301, %get3A_302] {strides = array<i32>} : memref<128x64xf32, #tpu.memory_space<vmem>>, vector<16xf32>,
        %add3A_304 = arith.constant 3 : i32
        %add3A_305 = vector.broadcast %add3A_304 : i32 to vector<16xi32>
        %add3A_306 = arith.addi %broadcast_in_dim3A, %add3A_305 : vector<16xi32>
        %mul3A_307 = arith.constant 8.000000e+00 : f32
        %mul3A_308 = vector.broadcast %mul3A_307 : f32 to vector<16xf32>
        %mul3A_309 = arith.mulf %get3A_294, %mul3A_308 : vector<16xf32>
        tpu.vector_store_idx %arg9[%shift_right_logical3A_15, %and3A_38, %add3A_306], %mul3A_309 : memref<8x8x129xf32, #tpu.memory_space<vmem>>[vector<16xi32>, vector<16xi32>, vector<16xi32>], vector<16xf32>,
        %mul3A_310 = arith.constant 8.000000e+00 : f32
        %mul3A_311 = vector.broadcast %mul3A_310 : f32 to vector<16xf32>
        %mul3A_312 = arith.mulf %get3A_297, %mul3A_311 : vector<16xf32>
        tpu.vector_store_idx %arg9[%shift_right_logical3A_21, %and3A_44, %add3A_306], %mul3A_312 : memref<8x8x129xf32, #tpu.memory_space<vmem>>[vector<16xi32>, vector<16xi32>, vector<16xi32>], vector<16xf32>,
        %mul3A_313 = arith.constant 8.000000e+00 : f32
        %mul3A_314 = vector.broadcast %mul3A_313 : f32 to vector<16xf32>
        %mul3A_315 = arith.mulf %get3A_300, %mul3A_314 : vector<16xf32>
        tpu.vector_store_idx %arg9[%shift_right_logical3A_27, %and3A_50, %add3A_306], %mul3A_315 : memref<8x8x129xf32, #tpu.memory_space<vmem>>[vector<16xi32>, vector<16xi32>, vector<16xi32>], vector<16xf32>,
        %mul3A_316 = arith.constant 8.000000e+00 : f32
        %mul3A_317 = vector.broadcast %mul3A_316 : f32 to vector<16xf32>
        %mul3A_318 = arith.mulf %get3A_303, %mul3A_317 : vector<16xf32>
        tpu.vector_store_idx %arg9[%shift_right_logical3A_33, %and3A_56, %add3A_306], %mul3A_318 : memref<8x8x129xf32, #tpu.memory_space<vmem>>[vector<16xi32>, vector<16xi32>, vector<16xi32>], vector<16xf32>,
        %mul3A_319 = arith.constant 16 : i32
        %mul3A_320 = arith.muli %mul3A_319, %scan3A_193 : i32
        %add3A_321 = arith.constant 4 : i32
        %add3A_322 = arith.addi %mul3A_320, %add3A_321 : i32
        %get3A_323 = arith.index_cast %add3A_322 : i32 to index
        %get3A_324 = arith.constant 0 : index
        %get3A_325 = tpu.vector_load %arg7[%get3A_323, %get3A_324] {strides = array<i32>} : memref<128x64xf32, #tpu.memory_space<vmem>>, vector<16xf32>,
        %get3A_326 = arith.index_cast %add3A_322 : i32 to index
        %get3A_327 = arith.constant 16 : index
        %get3A_328 = tpu.vector_load %arg7[%get3A_326, %get3A_327] {strides = array<i32>} : memref<128x64xf32, #tpu.memory_space<vmem>>, vector<16xf32>,
        %get3A_329 = arith.index_cast %add3A_322 : i32 to index
        %get3A_330 = arith.constant 32 : index
        %get3A_331 = tpu.vector_load %arg7[%get3A_329, %get3A_330] {strides = array<i32>} : memref<128x64xf32, #tpu.memory_space<vmem>>, vector<16xf32>,
        %get3A_332 = arith.index_cast %add3A_322 : i32 to index
        %get3A_333 = arith.constant 48 : index
        %get3A_334 = tpu.vector_load %arg7[%get3A_332, %get3A_333] {strides = array<i32>} : memref<128x64xf32, #tpu.memory_space<vmem>>, vector<16xf32>,
        %add3A_335 = arith.constant 4 : i32
        %add3A_336 = vector.broadcast %add3A_335 : i32 to vector<16xi32>
        %add3A_337 = arith.addi %broadcast_in_dim3A, %add3A_336 : vector<16xi32>
        %mul3A_338 = arith.constant 8.000000e+00 : f32
        %mul3A_339 = vector.broadcast %mul3A_338 : f32 to vector<16xf32>
        %mul3A_340 = arith.mulf %get3A_325, %mul3A_339 : vector<16xf32>
        tpu.vector_store_idx %arg9[%shift_right_logical3A_15, %and3A_38, %add3A_337], %mul3A_340 : memref<8x8x129xf32, #tpu.memory_space<vmem>>[vector<16xi32>, vector<16xi32>, vector<16xi32>], vector<16xf32>,
        %mul3A_341 = arith.constant 8.000000e+00 : f32
        %mul3A_342 = vector.broadcast %mul3A_341 : f32 to vector<16xf32>
        %mul3A_343 = arith.mulf %get3A_328, %mul3A_342 : vector<16xf32>
        tpu.vector_store_idx %arg9[%shift_right_logical3A_21, %and3A_44, %add3A_337], %mul3A_343 : memref<8x8x129xf32, #tpu.memory_space<vmem>>[vector<16xi32>, vector<16xi32>, vector<16xi32>], vector<16xf32>,
        %mul3A_344 = arith.constant 8.000000e+00 : f32
        %mul3A_345 = vector.broadcast %mul3A_344 : f32 to vector<16xf32>
        %mul3A_346 = arith.mulf %get3A_331, %mul3A_345 : vector<16xf32>
        tpu.vector_store_idx %arg9[%shift_right_logical3A_27, %and3A_50, %add3A_337], %mul3A_346 : memref<8x8x129xf32, #tpu.memory_space<vmem>>[vector<16xi32>, vector<16xi32>, vector<16xi32>], vector<16xf32>,
        %mul3A_347 = arith.constant 8.000000e+00 : f32
        %mul3A_348 = vector.broadcast %mul3A_347 : f32 to vector<16xf32>
        %mul3A_349 = arith.mulf %get3A_334, %mul3A_348 : vector<16xf32>
        tpu.vector_store_idx %arg9[%shift_right_logical3A_33, %and3A_56, %add3A_337], %mul3A_349 : memref<8x8x129xf32, #tpu.memory_space<vmem>>[vector<16xi32>, vector<16xi32>, vector<16xi32>], vector<16xf32>,
        %mul3A_350 = arith.constant 16 : i32
        %mul3A_351 = arith.muli %mul3A_350, %scan3A_193 : i32
        %add3A_352 = arith.constant 5 : i32
        %add3A_353 = arith.addi %mul3A_351, %add3A_352 : i32
        %get3A_354 = arith.index_cast %add3A_353 : i32 to index
        %get3A_355 = arith.constant 0 : index
        %get3A_356 = tpu.vector_load %arg7[%get3A_354, %get3A_355] {strides = array<i32>} : memref<128x64xf32, #tpu.memory_space<vmem>>, vector<16xf32>,
        %get3A_357 = arith.index_cast %add3A_353 : i32 to index
        %get3A_358 = arith.constant 16 : index
        %get3A_359 = tpu.vector_load %arg7[%get3A_357, %get3A_358] {strides = array<i32>} : memref<128x64xf32, #tpu.memory_space<vmem>>, vector<16xf32>,
        %get3A_360 = arith.index_cast %add3A_353 : i32 to index
        %get3A_361 = arith.constant 32 : index
        %get3A_362 = tpu.vector_load %arg7[%get3A_360, %get3A_361] {strides = array<i32>} : memref<128x64xf32, #tpu.memory_space<vmem>>, vector<16xf32>,
        %get3A_363 = arith.index_cast %add3A_353 : i32 to index
        %get3A_364 = arith.constant 48 : index
        %get3A_365 = tpu.vector_load %arg7[%get3A_363, %get3A_364] {strides = array<i32>} : memref<128x64xf32, #tpu.memory_space<vmem>>, vector<16xf32>,
        %add3A_366 = arith.constant 5 : i32
        %add3A_367 = vector.broadcast %add3A_366 : i32 to vector<16xi32>
        %add3A_368 = arith.addi %broadcast_in_dim3A, %add3A_367 : vector<16xi32>
        %mul3A_369 = arith.constant 8.000000e+00 : f32
        %mul3A_370 = vector.broadcast %mul3A_369 : f32 to vector<16xf32>
        %mul3A_371 = arith.mulf %get3A_356, %mul3A_370 : vector<16xf32>
        tpu.vector_store_idx %arg9[%shift_right_logical3A_15, %and3A_38, %add3A_368], %mul3A_371 : memref<8x8x129xf32, #tpu.memory_space<vmem>>[vector<16xi32>, vector<16xi32>, vector<16xi32>], vector<16xf32>,
        %mul3A_372 = arith.constant 8.000000e+00 : f32
        %mul3A_373 = vector.broadcast %mul3A_372 : f32 to vector<16xf32>
        %mul3A_374 = arith.mulf %get3A_359, %mul3A_373 : vector<16xf32>
        tpu.vector_store_idx %arg9[%shift_right_logical3A_21, %and3A_44, %add3A_368], %mul3A_374 : memref<8x8x129xf32, #tpu.memory_space<vmem>>[vector<16xi32>, vector<16xi32>, vector<16xi32>], vector<16xf32>,
        %mul3A_375 = arith.constant 8.000000e+00 : f32
        %mul3A_376 = vector.broadcast %mul3A_375 : f32 to vector<16xf32>
        %mul3A_377 = arith.mulf %get3A_362, %mul3A_376 : vector<16xf32>
        tpu.vector_store_idx %arg9[%shift_right_logical3A_27, %and3A_50, %add3A_368], %mul3A_377 : memref<8x8x129xf32, #tpu.memory_space<vmem>>[vector<16xi32>, vector<16xi32>, vector<16xi32>], vector<16xf32>,
        %mul3A_378 = arith.constant 8.000000e+00 : f32
        %mul3A_379 = vector.broadcast %mul3A_378 : f32 to vector<16xf32>
        %mul3A_380 = arith.mulf %get3A_365, %mul3A_379 : vector<16xf32>
        tpu.vector_store_idx %arg9[%shift_right_logical3A_33, %and3A_56, %add3A_368], %mul3A_380 : memref<8x8x129xf32, #tpu.memory_space<vmem>>[vector<16xi32>, vector<16xi32>, vector<16xi32>], vector<16xf32>,
        %mul3A_381 = arith.constant 16 : i32
        %mul3A_382 = arith.muli %mul3A_381, %scan3A_193 : i32
        %add3A_383 = arith.constant 6 : i32
        %add3A_384 = arith.addi %mul3A_382, %add3A_383 : i32
        %get3A_385 = arith.index_cast %add3A_384 : i32 to index
        %get3A_386 = arith.constant 0 : index
        %get3A_387 = tpu.vector_load %arg7[%get3A_385, %get3A_386] {strides = array<i32>} : memref<128x64xf32, #tpu.memory_space<vmem>>, vector<16xf32>,
        %get3A_388 = arith.index_cast %add3A_384 : i32 to index
        %get3A_389 = arith.constant 16 : index
        %get3A_390 = tpu.vector_load %arg7[%get3A_388, %get3A_389] {strides = array<i32>} : memref<128x64xf32, #tpu.memory_space<vmem>>, vector<16xf32>,
        %get3A_391 = arith.index_cast %add3A_384 : i32 to index
        %get3A_392 = arith.constant 32 : index
        %get3A_393 = tpu.vector_load %arg7[%get3A_391, %get3A_392] {strides = array<i32>} : memref<128x64xf32, #tpu.memory_space<vmem>>, vector<16xf32>,
        %get3A_394 = arith.index_cast %add3A_384 : i32 to index
        %get3A_395 = arith.constant 48 : index
        %get3A_396 = tpu.vector_load %arg7[%get3A_394, %get3A_395] {strides = array<i32>} : memref<128x64xf32, #tpu.memory_space<vmem>>, vector<16xf32>,
        %add3A_397 = arith.constant 6 : i32
        %add3A_398 = vector.broadcast %add3A_397 : i32 to vector<16xi32>
        %add3A_399 = arith.addi %broadcast_in_dim3A, %add3A_398 : vector<16xi32>
        %mul3A_400 = arith.constant 8.000000e+00 : f32
        %mul3A_401 = vector.broadcast %mul3A_400 : f32 to vector<16xf32>
        %mul3A_402 = arith.mulf %get3A_387, %mul3A_401 : vector<16xf32>
        tpu.vector_store_idx %arg9[%shift_right_logical3A_15, %and3A_38, %add3A_399], %mul3A_402 : memref<8x8x129xf32, #tpu.memory_space<vmem>>[vector<16xi32>, vector<16xi32>, vector<16xi32>], vector<16xf32>,
        %mul3A_403 = arith.constant 8.000000e+00 : f32
        %mul3A_404 = vector.broadcast %mul3A_403 : f32 to vector<16xf32>
        %mul3A_405 = arith.mulf %get3A_390, %mul3A_404 : vector<16xf32>
        tpu.vector_store_idx %arg9[%shift_right_logical3A_21, %and3A_44, %add3A_399], %mul3A_405 : memref<8x8x129xf32, #tpu.memory_space<vmem>>[vector<16xi32>, vector<16xi32>, vector<16xi32>], vector<16xf32>,
        %mul3A_406 = arith.constant 8.000000e+00 : f32
        %mul3A_407 = vector.broadcast %mul3A_406 : f32 to vector<16xf32>
        %mul3A_408 = arith.mulf %get3A_393, %mul3A_407 : vector<16xf32>
        tpu.vector_store_idx %arg9[%shift_right_logical3A_27, %and3A_50, %add3A_399], %mul3A_408 : memref<8x8x129xf32, #tpu.memory_space<vmem>>[vector<16xi32>, vector<16xi32>, vector<16xi32>], vector<16xf32>,
        %mul3A_409 = arith.constant 8.000000e+00 : f32
        %mul3A_410 = vector.broadcast %mul3A_409 : f32 to vector<16xf32>
        %mul3A_411 = arith.mulf %get3A_396, %mul3A_410 : vector<16xf32>
        tpu.vector_store_idx %arg9[%shift_right_logical3A_33, %and3A_56, %add3A_399], %mul3A_411 : memref<8x8x129xf32, #tpu.memory_space<vmem>>[vector<16xi32>, vector<16xi32>, vector<16xi32>], vector<16xf32>,
        %mul3A_412 = arith.constant 16 : i32
        %mul3A_413 = arith.muli %mul3A_412, %scan3A_193 : i32
        %add3A_414 = arith.constant 7 : i32
        %add3A_415 = arith.addi %mul3A_413, %add3A_414 : i32
        %get3A_416 = arith.index_cast %add3A_415 : i32 to index
        %get3A_417 = arith.constant 0 : index
        %get3A_418 = tpu.vector_load %arg7[%get3A_416, %get3A_417] {strides = array<i32>} : memref<128x64xf32, #tpu.memory_space<vmem>>, vector<16xf32>,
        %get3A_419 = arith.index_cast %add3A_415 : i32 to index
        %get3A_420 = arith.constant 16 : index
        %get3A_421 = tpu.vector_load %arg7[%get3A_419, %get3A_420] {strides = array<i32>} : memref<128x64xf32, #tpu.memory_space<vmem>>, vector<16xf32>,
        %get3A_422 = arith.index_cast %add3A_415 : i32 to index
        %get3A_423 = arith.constant 32 : index
        %get3A_424 = tpu.vector_load %arg7[%get3A_422, %get3A_423] {strides = array<i32>} : memref<128x64xf32, #tpu.memory_space<vmem>>, vector<16xf32>,
        %get3A_425 = arith.index_cast %add3A_415 : i32 to index
        %get3A_426 = arith.constant 48 : index
        %get3A_427 = tpu.vector_load %arg7[%get3A_425, %get3A_426] {strides = array<i32>} : memref<128x64xf32, #tpu.memory_space<vmem>>, vector<16xf32>,
        %add3A_428 = arith.constant 7 : i32
        %add3A_429 = vector.broadcast %add3A_428 : i32 to vector<16xi32>
        %add3A_430 = arith.addi %broadcast_in_dim3A, %add3A_429 : vector<16xi32>
        %mul3A_431 = arith.constant 8.000000e+00 : f32
        %mul3A_432 = vector.broadcast %mul3A_431 : f32 to vector<16xf32>
        %mul3A_433 = arith.mulf %get3A_418, %mul3A_432 : vector<16xf32>
        tpu.vector_store_idx %arg9[%shift_right_logical3A_15, %and3A_38, %add3A_430], %mul3A_433 : memref<8x8x129xf32, #tpu.memory_space<vmem>>[vector<16xi32>, vector<16xi32>, vector<16xi32>], vector<16xf32>,
        %mul3A_434 = arith.constant 8.000000e+00 : f32
        %mul3A_435 = vector.broadcast %mul3A_434 : f32 to vector<16xf32>
        %mul3A_436 = arith.mulf %get3A_421, %mul3A_435 : vector<16xf32>
        tpu.vector_store_idx %arg9[%shift_right_logical3A_21, %and3A_44, %add3A_430], %mul3A_436 : memref<8x8x129xf32, #tpu.memory_space<vmem>>[vector<16xi32>, vector<16xi32>, vector<16xi32>], vector<16xf32>,
        %mul3A_437 = arith.constant 8.000000e+00 : f32
        %mul3A_438 = vector.broadcast %mul3A_437 : f32 to vector<16xf32>
        %mul3A_439 = arith.mulf %get3A_424, %mul3A_438 : vector<16xf32>
        tpu.vector_store_idx %arg9[%shift_right_logical3A_27, %and3A_50, %add3A_430], %mul3A_439 : memref<8x8x129xf32, #tpu.memory_space<vmem>>[vector<16xi32>, vector<16xi32>, vector<16xi32>], vector<16xf32>,
        %mul3A_440 = arith.constant 8.000000e+00 : f32
        %mul3A_441 = vector.broadcast %mul3A_440 : f32 to vector<16xf32>
        %mul3A_442 = arith.mulf %get3A_427, %mul3A_441 : vector<16xf32>
        tpu.vector_store_idx %arg9[%shift_right_logical3A_33, %and3A_56, %add3A_430], %mul3A_442 : memref<8x8x129xf32, #tpu.memory_space<vmem>>[vector<16xi32>, vector<16xi32>, vector<16xi32>], vector<16xf32>,
        %mul3A_443 = arith.constant 16 : i32
        %mul3A_444 = arith.muli %mul3A_443, %scan3A_193 : i32
        %add3A_445 = arith.constant 8 : i32
        %add3A_446 = arith.addi %mul3A_444, %add3A_445 : i32
        %get3A_447 = arith.index_cast %add3A_446 : i32 to index
        %get3A_448 = arith.constant 0 : index
        %get3A_449 = tpu.vector_load %arg7[%get3A_447, %get3A_448] {strides = array<i32>} : memref<128x64xf32, #tpu.memory_space<vmem>>, vector<16xf32>,
        %get3A_450 = arith.index_cast %add3A_446 : i32 to index
        %get3A_451 = arith.constant 16 : index
        %get3A_452 = tpu.vector_load %arg7[%get3A_450, %get3A_451] {strides = array<i32>} : memref<128x64xf32, #tpu.memory_space<vmem>>, vector<16xf32>,
        %get3A_453 = arith.index_cast %add3A_446 : i32 to index
        %get3A_454 = arith.constant 32 : index
        %get3A_455 = tpu.vector_load %arg7[%get3A_453, %get3A_454] {strides = array<i32>} : memref<128x64xf32, #tpu.memory_space<vmem>>, vector<16xf32>,
        %get3A_456 = arith.index_cast %add3A_446 : i32 to index
        %get3A_457 = arith.constant 48 : index
        %get3A_458 = tpu.vector_load %arg7[%get3A_456, %get3A_457] {strides = array<i32>} : memref<128x64xf32, #tpu.memory_space<vmem>>, vector<16xf32>,
        %add3A_459 = arith.constant 8 : i32
        %add3A_460 = vector.broadcast %add3A_459 : i32 to vector<16xi32>
        %add3A_461 = arith.addi %broadcast_in_dim3A, %add3A_460 : vector<16xi32>
        %mul3A_462 = arith.constant 8.000000e+00 : f32
        %mul3A_463 = vector.broadcast %mul3A_462 : f32 to vector<16xf32>
        %mul3A_464 = arith.mulf %get3A_449, %mul3A_463 : vector<16xf32>
        tpu.vector_store_idx %arg9[%shift_right_logical3A_15, %and3A_38, %add3A_461], %mul3A_464 : memref<8x8x129xf32, #tpu.memory_space<vmem>>[vector<16xi32>, vector<16xi32>, vector<16xi32>], vector<16xf32>,
        %mul3A_465 = arith.constant 8.000000e+00 : f32
        %mul3A_466 = vector.broadcast %mul3A_465 : f32 to vector<16xf32>
        %mul3A_467 = arith.mulf %get3A_452, %mul3A_466 : vector<16xf32>
        tpu.vector_store_idx %arg9[%shift_right_logical3A_21, %and3A_44, %add3A_461], %mul3A_467 : memref<8x8x129xf32, #tpu.memory_space<vmem>>[vector<16xi32>, vector<16xi32>, vector<16xi32>], vector<16xf32>,
        %mul3A_468 = arith.constant 8.000000e+00 : f32
        %mul3A_469 = vector.broadcast %mul3A_468 : f32 to vector<16xf32>
        %mul3A_470 = arith.mulf %get3A_455, %mul3A_469 : vector<16xf32>
        tpu.vector_store_idx %arg9[%shift_right_logical3A_27, %and3A_50, %add3A_461], %mul3A_470 : memref<8x8x129xf32, #tpu.memory_space<vmem>>[vector<16xi32>, vector<16xi32>, vector<16xi32>], vector<16xf32>,
        %mul3A_471 = arith.constant 8.000000e+00 : f32
        %mul3A_472 = vector.broadcast %mul3A_471 : f32 to vector<16xf32>
        %mul3A_473 = arith.mulf %get3A_458, %mul3A_472 : vector<16xf32>
        tpu.vector_store_idx %arg9[%shift_right_logical3A_33, %and3A_56, %add3A_461], %mul3A_473 : memref<8x8x129xf32, #tpu.memory_space<vmem>>[vector<16xi32>, vector<16xi32>, vector<16xi32>], vector<16xf32>,
        %mul3A_474 = arith.constant 16 : i32
        %mul3A_475 = arith.muli %mul3A_474, %scan3A_193 : i32
        %add3A_476 = arith.constant 9 : i32
        %add3A_477 = arith.addi %mul3A_475, %add3A_476 : i32
        %get3A_478 = arith.index_cast %add3A_477 : i32 to index
        %get3A_479 = arith.constant 0 : index
        %get3A_480 = tpu.vector_load %arg7[%get3A_478, %get3A_479] {strides = array<i32>} : memref<128x64xf32, #tpu.memory_space<vmem>>, vector<16xf32>,
        %get3A_481 = arith.index_cast %add3A_477 : i32 to index
        %get3A_482 = arith.constant 16 : index
        %get3A_483 = tpu.vector_load %arg7[%get3A_481, %get3A_482] {strides = array<i32>} : memref<128x64xf32, #tpu.memory_space<vmem>>, vector<16xf32>,
        %get3A_484 = arith.index_cast %add3A_477 : i32 to index
        %get3A_485 = arith.constant 32 : index
        %get3A_486 = tpu.vector_load %arg7[%get3A_484, %get3A_485] {strides = array<i32>} : memref<128x64xf32, #tpu.memory_space<vmem>>, vector<16xf32>,
        %get3A_487 = arith.index_cast %add3A_477 : i32 to index
        %get3A_488 = arith.constant 48 : index
        %get3A_489 = tpu.vector_load %arg7[%get3A_487, %get3A_488] {strides = array<i32>} : memref<128x64xf32, #tpu.memory_space<vmem>>, vector<16xf32>,
        %add3A_490 = arith.constant 9 : i32
        %add3A_491 = vector.broadcast %add3A_490 : i32 to vector<16xi32>
        %add3A_492 = arith.addi %broadcast_in_dim3A, %add3A_491 : vector<16xi32>
        %mul3A_493 = arith.constant 8.000000e+00 : f32
        %mul3A_494 = vector.broadcast %mul3A_493 : f32 to vector<16xf32>
        %mul3A_495 = arith.mulf %get3A_480, %mul3A_494 : vector<16xf32>
        tpu.vector_store_idx %arg9[%shift_right_logical3A_15, %and3A_38, %add3A_492], %mul3A_495 : memref<8x8x129xf32, #tpu.memory_space<vmem>>[vector<16xi32>, vector<16xi32>, vector<16xi32>], vector<16xf32>,
        %mul3A_496 = arith.constant 8.000000e+00 : f32
        %mul3A_497 = vector.broadcast %mul3A_496 : f32 to vector<16xf32>
        %mul3A_498 = arith.mulf %get3A_483, %mul3A_497 : vector<16xf32>
        tpu.vector_store_idx %arg9[%shift_right_logical3A_21, %and3A_44, %add3A_492], %mul3A_498 : memref<8x8x129xf32, #tpu.memory_space<vmem>>[vector<16xi32>, vector<16xi32>, vector<16xi32>], vector<16xf32>,
        %mul3A_499 = arith.constant 8.000000e+00 : f32
        %mul3A_500 = vector.broadcast %mul3A_499 : f32 to vector<16xf32>
        %mul3A_501 = arith.mulf %get3A_486, %mul3A_500 : vector<16xf32>
        tpu.vector_store_idx %arg9[%shift_right_logical3A_27, %and3A_50, %add3A_492], %mul3A_501 : memref<8x8x129xf32, #tpu.memory_space<vmem>>[vector<16xi32>, vector<16xi32>, vector<16xi32>], vector<16xf32>,
        %mul3A_502 = arith.constant 8.000000e+00 : f32
        %mul3A_503 = vector.broadcast %mul3A_502 : f32 to vector<16xf32>
        %mul3A_504 = arith.mulf %get3A_489, %mul3A_503 : vector<16xf32>
        tpu.vector_store_idx %arg9[%shift_right_logical3A_33, %and3A_56, %add3A_492], %mul3A_504 : memref<8x8x129xf32, #tpu.memory_space<vmem>>[vector<16xi32>, vector<16xi32>, vector<16xi32>], vector<16xf32>,
        %mul3A_505 = arith.constant 16 : i32
        %mul3A_506 = arith.muli %mul3A_505, %scan3A_193 : i32
        %add3A_507 = arith.constant 10 : i32
        %add3A_508 = arith.addi %mul3A_506, %add3A_507 : i32
        %get3A_509 = arith.index_cast %add3A_508 : i32 to index
        %get3A_510 = arith.constant 0 : index
        %get3A_511 = tpu.vector_load %arg7[%get3A_509, %get3A_510] {strides = array<i32>} : memref<128x64xf32, #tpu.memory_space<vmem>>, vector<16xf32>,
        %get3A_512 = arith.index_cast %add3A_508 : i32 to index
        %get3A_513 = arith.constant 16 : index
        %get3A_514 = tpu.vector_load %arg7[%get3A_512, %get3A_513] {strides = array<i32>} : memref<128x64xf32, #tpu.memory_space<vmem>>, vector<16xf32>,
        %get3A_515 = arith.index_cast %add3A_508 : i32 to index
        %get3A_516 = arith.constant 32 : index
        %get3A_517 = tpu.vector_load %arg7[%get3A_515, %get3A_516] {strides = array<i32>} : memref<128x64xf32, #tpu.memory_space<vmem>>, vector<16xf32>,
        %get3A_518 = arith.index_cast %add3A_508 : i32 to index
        %get3A_519 = arith.constant 48 : index
        %get3A_520 = tpu.vector_load %arg7[%get3A_518, %get3A_519] {strides = array<i32>} : memref<128x64xf32, #tpu.memory_space<vmem>>, vector<16xf32>,
        %add3A_521 = arith.constant 10 : i32
        %add3A_522 = vector.broadcast %add3A_521 : i32 to vector<16xi32>
        %add3A_523 = arith.addi %broadcast_in_dim3A, %add3A_522 : vector<16xi32>
        %mul3A_524 = arith.constant 8.000000e+00 : f32
        %mul3A_525 = vector.broadcast %mul3A_524 : f32 to vector<16xf32>
        %mul3A_526 = arith.mulf %get3A_511, %mul3A_525 : vector<16xf32>
        tpu.vector_store_idx %arg9[%shift_right_logical3A_15, %and3A_38, %add3A_523], %mul3A_526 : memref<8x8x129xf32, #tpu.memory_space<vmem>>[vector<16xi32>, vector<16xi32>, vector<16xi32>], vector<16xf32>,
        %mul3A_527 = arith.constant 8.000000e+00 : f32
        %mul3A_528 = vector.broadcast %mul3A_527 : f32 to vector<16xf32>
        %mul3A_529 = arith.mulf %get3A_514, %mul3A_528 : vector<16xf32>
        tpu.vector_store_idx %arg9[%shift_right_logical3A_21, %and3A_44, %add3A_523], %mul3A_529 : memref<8x8x129xf32, #tpu.memory_space<vmem>>[vector<16xi32>, vector<16xi32>, vector<16xi32>], vector<16xf32>,
        %mul3A_530 = arith.constant 8.000000e+00 : f32
        %mul3A_531 = vector.broadcast %mul3A_530 : f32 to vector<16xf32>
        %mul3A_532 = arith.mulf %get3A_517, %mul3A_531 : vector<16xf32>
        tpu.vector_store_idx %arg9[%shift_right_logical3A_27, %and3A_50, %add3A_523], %mul3A_532 : memref<8x8x129xf32, #tpu.memory_space<vmem>>[vector<16xi32>, vector<16xi32>, vector<16xi32>], vector<16xf32>,
        %mul3A_533 = arith.constant 8.000000e+00 : f32
        %mul3A_534 = vector.broadcast %mul3A_533 : f32 to vector<16xf32>
        %mul3A_535 = arith.mulf %get3A_520, %mul3A_534 : vector<16xf32>
        tpu.vector_store_idx %arg9[%shift_right_logical3A_33, %and3A_56, %add3A_523], %mul3A_535 : memref<8x8x129xf32, #tpu.memory_space<vmem>>[vector<16xi32>, vector<16xi32>, vector<16xi32>], vector<16xf32>,
        %mul3A_536 = arith.constant 16 : i32
        %mul3A_537 = arith.muli %mul3A_536, %scan3A_193 : i32
        %add3A_538 = arith.constant 11 : i32
        %add3A_539 = arith.addi %mul3A_537, %add3A_538 : i32
        %get3A_540 = arith.index_cast %add3A_539 : i32 to index
        %get3A_541 = arith.constant 0 : index
        %get3A_542 = tpu.vector_load %arg7[%get3A_540, %get3A_541] {strides = array<i32>} : memref<128x64xf32, #tpu.memory_space<vmem>>, vector<16xf32>,
        %get3A_543 = arith.index_cast %add3A_539 : i32 to index
        %get3A_544 = arith.constant 16 : index
        %get3A_545 = tpu.vector_load %arg7[%get3A_543, %get3A_544] {strides = array<i32>} : memref<128x64xf32, #tpu.memory_space<vmem>>, vector<16xf32>,
        %get3A_546 = arith.index_cast %add3A_539 : i32 to index
        %get3A_547 = arith.constant 32 : index
        %get3A_548 = tpu.vector_load %arg7[%get3A_546, %get3A_547] {strides = array<i32>} : memref<128x64xf32, #tpu.memory_space<vmem>>, vector<16xf32>,
        %get3A_549 = arith.index_cast %add3A_539 : i32 to index
        %get3A_550 = arith.constant 48 : index
        %get3A_551 = tpu.vector_load %arg7[%get3A_549, %get3A_550] {strides = array<i32>} : memref<128x64xf32, #tpu.memory_space<vmem>>, vector<16xf32>,
        %add3A_552 = arith.constant 11 : i32
        %add3A_553 = vector.broadcast %add3A_552 : i32 to vector<16xi32>
        %add3A_554 = arith.addi %broadcast_in_dim3A, %add3A_553 : vector<16xi32>
        %mul3A_555 = arith.constant 8.000000e+00 : f32
        %mul3A_556 = vector.broadcast %mul3A_555 : f32 to vector<16xf32>
        %mul3A_557 = arith.mulf %get3A_542, %mul3A_556 : vector<16xf32>
        tpu.vector_store_idx %arg9[%shift_right_logical3A_15, %and3A_38, %add3A_554], %mul3A_557 : memref<8x8x129xf32, #tpu.memory_space<vmem>>[vector<16xi32>, vector<16xi32>, vector<16xi32>], vector<16xf32>,
        %mul3A_558 = arith.constant 8.000000e+00 : f32
        %mul3A_559 = vector.broadcast %mul3A_558 : f32 to vector<16xf32>
        %mul3A_560 = arith.mulf %get3A_545, %mul3A_559 : vector<16xf32>
        tpu.vector_store_idx %arg9[%shift_right_logical3A_21, %and3A_44, %add3A_554], %mul3A_560 : memref<8x8x129xf32, #tpu.memory_space<vmem>>[vector<16xi32>, vector<16xi32>, vector<16xi32>], vector<16xf32>,
        %mul3A_561 = arith.constant 8.000000e+00 : f32
        %mul3A_562 = vector.broadcast %mul3A_561 : f32 to vector<16xf32>
        %mul3A_563 = arith.mulf %get3A_548, %mul3A_562 : vector<16xf32>
        tpu.vector_store_idx %arg9[%shift_right_logical3A_27, %and3A_50, %add3A_554], %mul3A_563 : memref<8x8x129xf32, #tpu.memory_space<vmem>>[vector<16xi32>, vector<16xi32>, vector<16xi32>], vector<16xf32>,
        %mul3A_564 = arith.constant 8.000000e+00 : f32
        %mul3A_565 = vector.broadcast %mul3A_564 : f32 to vector<16xf32>
        %mul3A_566 = arith.mulf %get3A_551, %mul3A_565 : vector<16xf32>
        tpu.vector_store_idx %arg9[%shift_right_logical3A_33, %and3A_56, %add3A_554], %mul3A_566 : memref<8x8x129xf32, #tpu.memory_space<vmem>>[vector<16xi32>, vector<16xi32>, vector<16xi32>], vector<16xf32>,
        %mul3A_567 = arith.constant 16 : i32
        %mul3A_568 = arith.muli %mul3A_567, %scan3A_193 : i32
        %add3A_569 = arith.constant 12 : i32
        %add3A_570 = arith.addi %mul3A_568, %add3A_569 : i32
        %get3A_571 = arith.index_cast %add3A_570 : i32 to index
        %get3A_572 = arith.constant 0 : index
        %get3A_573 = tpu.vector_load %arg7[%get3A_571, %get3A_572] {strides = array<i32>} : memref<128x64xf32, #tpu.memory_space<vmem>>, vector<16xf32>,
        %get3A_574 = arith.index_cast %add3A_570 : i32 to index
        %get3A_575 = arith.constant 16 : index
        %get3A_576 = tpu.vector_load %arg7[%get3A_574, %get3A_575] {strides = array<i32>} : memref<128x64xf32, #tpu.memory_space<vmem>>, vector<16xf32>,
        %get3A_577 = arith.index_cast %add3A_570 : i32 to index
        %get3A_578 = arith.constant 32 : index
        %get3A_579 = tpu.vector_load %arg7[%get3A_577, %get3A_578] {strides = array<i32>} : memref<128x64xf32, #tpu.memory_space<vmem>>, vector<16xf32>,
        %get3A_580 = arith.index_cast %add3A_570 : i32 to index
        %get3A_581 = arith.constant 48 : index
        %get3A_582 = tpu.vector_load %arg7[%get3A_580, %get3A_581] {strides = array<i32>} : memref<128x64xf32, #tpu.memory_space<vmem>>, vector<16xf32>,
        %add3A_583 = arith.constant 12 : i32
        %add3A_584 = vector.broadcast %add3A_583 : i32 to vector<16xi32>
        %add3A_585 = arith.addi %broadcast_in_dim3A, %add3A_584 : vector<16xi32>
        %mul3A_586 = arith.constant 8.000000e+00 : f32
        %mul3A_587 = vector.broadcast %mul3A_586 : f32 to vector<16xf32>
        %mul3A_588 = arith.mulf %get3A_573, %mul3A_587 : vector<16xf32>
        tpu.vector_store_idx %arg9[%shift_right_logical3A_15, %and3A_38, %add3A_585], %mul3A_588 : memref<8x8x129xf32, #tpu.memory_space<vmem>>[vector<16xi32>, vector<16xi32>, vector<16xi32>], vector<16xf32>,
        %mul3A_589 = arith.constant 8.000000e+00 : f32
        %mul3A_590 = vector.broadcast %mul3A_589 : f32 to vector<16xf32>
        %mul3A_591 = arith.mulf %get3A_576, %mul3A_590 : vector<16xf32>
        tpu.vector_store_idx %arg9[%shift_right_logical3A_21, %and3A_44, %add3A_585], %mul3A_591 : memref<8x8x129xf32, #tpu.memory_space<vmem>>[vector<16xi32>, vector<16xi32>, vector<16xi32>], vector<16xf32>,
        %mul3A_592 = arith.constant 8.000000e+00 : f32
        %mul3A_593 = vector.broadcast %mul3A_592 : f32 to vector<16xf32>
        %mul3A_594 = arith.mulf %get3A_579, %mul3A_593 : vector<16xf32>
        tpu.vector_store_idx %arg9[%shift_right_logical3A_27, %and3A_50, %add3A_585], %mul3A_594 : memref<8x8x129xf32, #tpu.memory_space<vmem>>[vector<16xi32>, vector<16xi32>, vector<16xi32>], vector<16xf32>,
        %mul3A_595 = arith.constant 8.000000e+00 : f32
        %mul3A_596 = vector.broadcast %mul3A_595 : f32 to vector<16xf32>
        %mul3A_597 = arith.mulf %get3A_582, %mul3A_596 : vector<16xf32>
        tpu.vector_store_idx %arg9[%shift_right_logical3A_33, %and3A_56, %add3A_585], %mul3A_597 : memref<8x8x129xf32, #tpu.memory_space<vmem>>[vector<16xi32>, vector<16xi32>, vector<16xi32>], vector<16xf32>,
        %mul3A_598 = arith.constant 16 : i32
        %mul3A_599 = arith.muli %mul3A_598, %scan3A_193 : i32
        %add3A_600 = arith.constant 13 : i32
        %add3A_601 = arith.addi %mul3A_599, %add3A_600 : i32
        %get3A_602 = arith.index_cast %add3A_601 : i32 to index
        %get3A_603 = arith.constant 0 : index
        %get3A_604 = tpu.vector_load %arg7[%get3A_602, %get3A_603] {strides = array<i32>} : memref<128x64xf32, #tpu.memory_space<vmem>>, vector<16xf32>,
        %get3A_605 = arith.index_cast %add3A_601 : i32 to index
        %get3A_606 = arith.constant 16 : index
        %get3A_607 = tpu.vector_load %arg7[%get3A_605, %get3A_606] {strides = array<i32>} : memref<128x64xf32, #tpu.memory_space<vmem>>, vector<16xf32>,
        %get3A_608 = arith.index_cast %add3A_601 : i32 to index
        %get3A_609 = arith.constant 32 : index
        %get3A_610 = tpu.vector_load %arg7[%get3A_608, %get3A_609] {strides = array<i32>} : memref<128x64xf32, #tpu.memory_space<vmem>>, vector<16xf32>,
        %get3A_611 = arith.index_cast %add3A_601 : i32 to index
        %get3A_612 = arith.constant 48 : index
        %get3A_613 = tpu.vector_load %arg7[%get3A_611, %get3A_612] {strides = array<i32>} : memref<128x64xf32, #tpu.memory_space<vmem>>, vector<16xf32>,
        %add3A_614 = arith.constant 13 : i32
        %add3A_615 = vector.broadcast %add3A_614 : i32 to vector<16xi32>
        %add3A_616 = arith.addi %broadcast_in_dim3A, %add3A_615 : vector<16xi32>
        %mul3A_617 = arith.constant 8.000000e+00 : f32
        %mul3A_618 = vector.broadcast %mul3A_617 : f32 to vector<16xf32>
        %mul3A_619 = arith.mulf %get3A_604, %mul3A_618 : vector<16xf32>
        tpu.vector_store_idx %arg9[%shift_right_logical3A_15, %and3A_38, %add3A_616], %mul3A_619 : memref<8x8x129xf32, #tpu.memory_space<vmem>>[vector<16xi32>, vector<16xi32>, vector<16xi32>], vector<16xf32>,
        %mul3A_620 = arith.constant 8.000000e+00 : f32
        %mul3A_621 = vector.broadcast %mul3A_620 : f32 to vector<16xf32>
        %mul3A_622 = arith.mulf %get3A_607, %mul3A_621 : vector<16xf32>
        tpu.vector_store_idx %arg9[%shift_right_logical3A_21, %and3A_44, %add3A_616], %mul3A_622 : memref<8x8x129xf32, #tpu.memory_space<vmem>>[vector<16xi32>, vector<16xi32>, vector<16xi32>], vector<16xf32>,
        %mul3A_623 = arith.constant 8.000000e+00 : f32
        %mul3A_624 = vector.broadcast %mul3A_623 : f32 to vector<16xf32>
        %mul3A_625 = arith.mulf %get3A_610, %mul3A_624 : vector<16xf32>
        tpu.vector_store_idx %arg9[%shift_right_logical3A_27, %and3A_50, %add3A_616], %mul3A_625 : memref<8x8x129xf32, #tpu.memory_space<vmem>>[vector<16xi32>, vector<16xi32>, vector<16xi32>], vector<16xf32>,
        %mul3A_626 = arith.constant 8.000000e+00 : f32
        %mul3A_627 = vector.broadcast %mul3A_626 : f32 to vector<16xf32>
        %mul3A_628 = arith.mulf %get3A_613, %mul3A_627 : vector<16xf32>
        tpu.vector_store_idx %arg9[%shift_right_logical3A_33, %and3A_56, %add3A_616], %mul3A_628 : memref<8x8x129xf32, #tpu.memory_space<vmem>>[vector<16xi32>, vector<16xi32>, vector<16xi32>], vector<16xf32>,
        %mul3A_629 = arith.constant 16 : i32
        %mul3A_630 = arith.muli %mul3A_629, %scan3A_193 : i32
        %add3A_631 = arith.constant 14 : i32
        %add3A_632 = arith.addi %mul3A_630, %add3A_631 : i32
        %get3A_633 = arith.index_cast %add3A_632 : i32 to index
        %get3A_634 = arith.constant 0 : index
        %get3A_635 = tpu.vector_load %arg7[%get3A_633, %get3A_634] {strides = array<i32>} : memref<128x64xf32, #tpu.memory_space<vmem>>, vector<16xf32>,
        %get3A_636 = arith.index_cast %add3A_632 : i32 to index
        %get3A_637 = arith.constant 16 : index
        %get3A_638 = tpu.vector_load %arg7[%get3A_636, %get3A_637] {strides = array<i32>} : memref<128x64xf32, #tpu.memory_space<vmem>>, vector<16xf32>,
        %get3A_639 = arith.index_cast %add3A_632 : i32 to index
        %get3A_640 = arith.constant 32 : index
        %get3A_641 = tpu.vector_load %arg7[%get3A_639, %get3A_640] {strides = array<i32>} : memref<128x64xf32, #tpu.memory_space<vmem>>, vector<16xf32>,
        %get3A_642 = arith.index_cast %add3A_632 : i32 to index
        %get3A_643 = arith.constant 48 : index
        %get3A_644 = tpu.vector_load %arg7[%get3A_642, %get3A_643] {strides = array<i32>} : memref<128x64xf32, #tpu.memory_space<vmem>>, vector<16xf32>,
        %add3A_645 = arith.constant 14 : i32
        %add3A_646 = vector.broadcast %add3A_645 : i32 to vector<16xi32>
        %add3A_647 = arith.addi %broadcast_in_dim3A, %add3A_646 : vector<16xi32>
        %mul3A_648 = arith.constant 8.000000e+00 : f32
        %mul3A_649 = vector.broadcast %mul3A_648 : f32 to vector<16xf32>
        %mul3A_650 = arith.mulf %get3A_635, %mul3A_649 : vector<16xf32>
        tpu.vector_store_idx %arg9[%shift_right_logical3A_15, %and3A_38, %add3A_647], %mul3A_650 : memref<8x8x129xf32, #tpu.memory_space<vmem>>[vector<16xi32>, vector<16xi32>, vector<16xi32>], vector<16xf32>,
        %mul3A_651 = arith.constant 8.000000e+00 : f32
        %mul3A_652 = vector.broadcast %mul3A_651 : f32 to vector<16xf32>
        %mul3A_653 = arith.mulf %get3A_638, %mul3A_652 : vector<16xf32>
        tpu.vector_store_idx %arg9[%shift_right_logical3A_21, %and3A_44, %add3A_647], %mul3A_653 : memref<8x8x129xf32, #tpu.memory_space<vmem>>[vector<16xi32>, vector<16xi32>, vector<16xi32>], vector<16xf32>,
        %mul3A_654 = arith.constant 8.000000e+00 : f32
        %mul3A_655 = vector.broadcast %mul3A_654 : f32 to vector<16xf32>
        %mul3A_656 = arith.mulf %get3A_641, %mul3A_655 : vector<16xf32>
        tpu.vector_store_idx %arg9[%shift_right_logical3A_27, %and3A_50, %add3A_647], %mul3A_656 : memref<8x8x129xf32, #tpu.memory_space<vmem>>[vector<16xi32>, vector<16xi32>, vector<16xi32>], vector<16xf32>,
        %mul3A_657 = arith.constant 8.000000e+00 : f32
        %mul3A_658 = vector.broadcast %mul3A_657 : f32 to vector<16xf32>
        %mul3A_659 = arith.mulf %get3A_644, %mul3A_658 : vector<16xf32>
        tpu.vector_store_idx %arg9[%shift_right_logical3A_33, %and3A_56, %add3A_647], %mul3A_659 : memref<8x8x129xf32, #tpu.memory_space<vmem>>[vector<16xi32>, vector<16xi32>, vector<16xi32>], vector<16xf32>,
        %mul3A_660 = arith.constant 16 : i32
        %mul3A_661 = arith.muli %mul3A_660, %scan3A_193 : i32
        %add3A_662 = arith.constant 15 : i32
        %add3A_663 = arith.addi %mul3A_661, %add3A_662 : i32
        %get3A_664 = arith.index_cast %add3A_663 : i32 to index
        %get3A_665 = arith.constant 0 : index
        %get3A_666 = tpu.vector_load %arg7[%get3A_664, %get3A_665] {strides = array<i32>} : memref<128x64xf32, #tpu.memory_space<vmem>>, vector<16xf32>,
        %get3A_667 = arith.index_cast %add3A_663 : i32 to index
        %get3A_668 = arith.constant 16 : index
        %get3A_669 = tpu.vector_load %arg7[%get3A_667, %get3A_668] {strides = array<i32>} : memref<128x64xf32, #tpu.memory_space<vmem>>, vector<16xf32>,
        %get3A_670 = arith.index_cast %add3A_663 : i32 to index
        %get3A_671 = arith.constant 32 : index
        %get3A_672 = tpu.vector_load %arg7[%get3A_670, %get3A_671] {strides = array<i32>} : memref<128x64xf32, #tpu.memory_space<vmem>>, vector<16xf32>,
        %get3A_673 = arith.index_cast %add3A_663 : i32 to index
        %get3A_674 = arith.constant 48 : index
        %get3A_675 = tpu.vector_load %arg7[%get3A_673, %get3A_674] {strides = array<i32>} : memref<128x64xf32, #tpu.memory_space<vmem>>, vector<16xf32>,
        %add3A_676 = arith.constant 15 : i32
        %add3A_677 = vector.broadcast %add3A_676 : i32 to vector<16xi32>
        %add3A_678 = arith.addi %broadcast_in_dim3A, %add3A_677 : vector<16xi32>
        %mul3A_679 = arith.constant 8.000000e+00 : f32
        %mul3A_680 = vector.broadcast %mul3A_679 : f32 to vector<16xf32>
        %mul3A_681 = arith.mulf %get3A_666, %mul3A_680 : vector<16xf32>
        tpu.vector_store_idx %arg9[%shift_right_logical3A_15, %and3A_38, %add3A_678], %mul3A_681 : memref<8x8x129xf32, #tpu.memory_space<vmem>>[vector<16xi32>, vector<16xi32>, vector<16xi32>], vector<16xf32>,
        %mul3A_682 = arith.constant 8.000000e+00 : f32
        %mul3A_683 = vector.broadcast %mul3A_682 : f32 to vector<16xf32>
        %mul3A_684 = arith.mulf %get3A_669, %mul3A_683 : vector<16xf32>
        tpu.vector_store_idx %arg9[%shift_right_logical3A_21, %and3A_44, %add3A_678], %mul3A_684 : memref<8x8x129xf32, #tpu.memory_space<vmem>>[vector<16xi32>, vector<16xi32>, vector<16xi32>], vector<16xf32>,
        %mul3A_685 = arith.constant 8.000000e+00 : f32
        %mul3A_686 = vector.broadcast %mul3A_685 : f32 to vector<16xf32>
        %mul3A_687 = arith.mulf %get3A_672, %mul3A_686 : vector<16xf32>
        tpu.vector_store_idx %arg9[%shift_right_logical3A_27, %and3A_50, %add3A_678], %mul3A_687 : memref<8x8x129xf32, #tpu.memory_space<vmem>>[vector<16xi32>, vector<16xi32>, vector<16xi32>], vector<16xf32>,
        %mul3A_688 = arith.constant 8.000000e+00 : f32
        %mul3A_689 = vector.broadcast %mul3A_688 : f32 to vector<16xf32>
        %mul3A_690 = arith.mulf %get3A_675, %mul3A_689 : vector<16xf32>
        tpu.vector_store_idx %arg9[%shift_right_logical3A_33, %and3A_56, %add3A_678], %mul3A_690 : memref<8x8x129xf32, #tpu.memory_space<vmem>>[vector<16xi32>, vector<16xi32>, vector<16xi32>], vector<16xf32>,
      }
      %scan3A_174 = arith.constant 8 : i32
      %dma_start3A_175 = arith.constant 0 : i32
      %dma_start3A_176 = arith.constant 0 : i32
      %dma_start3A_177 = arith.constant 0 : i32
      %dma_start3A_178 = tpu.memref_slice %arg9[%dma_start3A_175, %dma_start3A_176, %dma_start3A_177] : memref<8x8x129xf32, #tpu.memory_space<vmem>> -> memref<8x8x128xf32, #tpu.memory_space<vmem>>
      %dma_start3A_179 = arith.constant 0 : i32
      %dma_start3A_180 = arith.constant 0 : i32
      %dma_start3A_181 = arith.constant 0 : i32
      %dma_start3A_182 = tpu.memref_slice %arg4[%add3A_113, %dma_start3A_179, %add3A, %dma_start3A_180, %dma_start3A_181] : memref<200x8x32x8x128xf32, #tpu.memory_space<hbm>> -> memref<1x8x1x8x128xf32, #tpu.memory_space<hbm>>
      %dma_start3A_183 = tpu.memref_squeeze %dma_start3A_182 : memref<1x8x1x8x128xf32, #tpu.memory_space<hbm>> -> memref<8x8x128xf32, #tpu.memory_space<hbm>>
      %dma_start3A_184 = arith.constant 0 : i32
      %dma_start3A_185 = arith.constant 0 : i32
      %dma_start3A_186 = arith.constant 0 : i32
      %dma_start3A_187 = tpu.memref_slice %arg4[%add3A_113, %dma_start3A_184, %add3A, %dma_start3A_185, %dma_start3A_186] : memref<200x8x32x8x128xf32, #tpu.memory_space<hbm>> -> memref<1x8x1x8x128xf32, #tpu.memory_space<hbm>>
      %dma_start3A_188 = tpu.memref_squeeze %dma_start3A_187 : memref<1x8x1x8x128xf32, #tpu.memory_space<hbm>> -> memref<8x8x128xf32, #tpu.memory_space<hbm>>
      %dma_start3A_189 = arith.constant 0 : i32
      %dma_start3A_190 = arith.constant 0 : i32
      %dma_start3A_191 = arith.constant 0 : i32
      %dma_start3A_192 = tpu.memref_slice %arg9[%dma_start3A_189, %dma_start3A_190, %dma_start3A_191] : memref<8x8x129xf32, #tpu.memory_space<vmem>> -> memref<8x8x128xf32, #tpu.memory_space<vmem>>
      tpu.enqueue_dma source(%dma_start3A_192 : memref<8x8x128xf32, #tpu.memory_space<vmem>>) target(%dma_start3A_188 : memref<8x8x128xf32, #tpu.memory_space<hbm>>) target_semaphore(%arg14 : memref<!tpu.dma_semaphore, #tpu.memory_space<semaphore_mem>>)
    }
    %scan3A_68 = arith.constant 100 : i32
    %dma_wait3A_69 = arith.constant 0 : i32
    %dma_wait3A_70 = arith.constant 0 : i32
    %dma_wait3A_71 = arith.constant 0 : i32
    %dma_wait3A_72 = arith.constant 0 : i32
    %dma_wait3A_73 = arith.constant 0 : i32
    %dma_wait3A_74 = tpu.memref_slice %arg8[%dma_wait3A_71, %dma_wait3A_72, %dma_wait3A_73] : memref<8x8x129xf32, #tpu.memory_space<vmem>> -> memref<8x8x128xf32, #tpu.memory_space<vmem>>
    %dma_wait3A_75 = arith.constant 0 : i32
    %dma_wait3A_76 = arith.constant 0 : i32
    %dma_wait3A_77 = arith.constant 0 : i32
    %dma_wait3A_78 = tpu.memref_slice %arg4[%dma_wait3A_69, %dma_wait3A_75, %dma_wait3A_70, %dma_wait3A_76, %dma_wait3A_77] : memref<200x8x32x8x128xf32, #tpu.memory_space<hbm>> -> memref<1x8x1x8x128xf32, #tpu.memory_space<hbm>>
    %dma_wait3A_79 = tpu.memref_squeeze %dma_wait3A_78 : memref<1x8x1x8x128xf32, #tpu.memory_space<hbm>> -> memref<8x8x128xf32, #tpu.memory_space<hbm>>
    %dma_wait3A_80 = arith.constant 0 : i32
    %dma_wait3A_81 = arith.constant 0 : i32
    %dma_wait3A_82 = arith.constant 0 : i32
    %dma_wait3A_83 = tpu.memref_slice %arg4[%dma_wait3A_69, %dma_wait3A_80, %dma_wait3A_70, %dma_wait3A_81, %dma_wait3A_82] : memref<200x8x32x8x128xf32, #tpu.memory_space<hbm>> -> memref<1x8x1x8x128xf32, #tpu.memory_space<hbm>>
    %dma_wait3A_84 = tpu.memref_squeeze %dma_wait3A_83 : memref<1x8x1x8x128xf32, #tpu.memory_space<hbm>> -> memref<8x8x128xf32, #tpu.memory_space<hbm>>
    %dma_wait3A_85 = arith.constant 0 : i32
    %dma_wait3A_86 = arith.constant 0 : i32
    %dma_wait3A_87 = arith.constant 0 : i32
    %dma_wait3A_88 = tpu.memref_slice %arg8[%dma_wait3A_85, %dma_wait3A_86, %dma_wait3A_87] : memref<8x8x129xf32, #tpu.memory_space<vmem>> -> memref<8x8x128xf32, #tpu.memory_space<vmem>>
    tpu.wait_dma2 semaphore(%arg13 : memref<!tpu.dma_semaphore, #tpu.memory_space<semaphore_mem>>) src(%dma_wait3A_88 : memref<8x8x128xf32, #tpu.memory_space<vmem>>) dst(%dma_wait3A_84 : memref<8x8x128xf32, #tpu.memory_space<hbm>>)
    %dma_wait3A_89 = arith.constant 0 : i32
    %dma_wait3A_90 = arith.constant 0 : i32
    %dma_wait3A_91 = arith.constant 0 : i32
    %dma_wait3A_92 = arith.constant 0 : i32
    %dma_wait3A_93 = arith.constant 0 : i32
    %dma_wait3A_94 = tpu.memref_slice %arg9[%dma_wait3A_91, %dma_wait3A_92, %dma_wait3A_93] : memref<8x8x129xf32, #tpu.memory_space<vmem>> -> memref<8x8x128xf32, #tpu.memory_space<vmem>>
    %dma_wait3A_95 = arith.constant 0 : i32
    %dma_wait3A_96 = arith.constant 0 : i32
    %dma_wait3A_97 = arith.constant 0 : i32
    %dma_wait3A_98 = tpu.memref_slice %arg4[%dma_wait3A_89, %dma_wait3A_95, %dma_wait3A_90, %dma_wait3A_96, %dma_wait3A_97] : memref<200x8x32x8x128xf32, #tpu.memory_space<hbm>> -> memref<1x8x1x8x128xf32, #tpu.memory_space<hbm>>
    %dma_wait3A_99 = tpu.memref_squeeze %dma_wait3A_98 : memref<1x8x1x8x128xf32, #tpu.memory_space<hbm>> -> memref<8x8x128xf32, #tpu.memory_space<hbm>>
    %dma_wait3A_100 = arith.constant 0 : i32
    %dma_wait3A_101 = arith.constant 0 : i32
    %dma_wait3A_102 = arith.constant 0 : i32
    %dma_wait3A_103 = tpu.memref_slice %arg4[%dma_wait3A_89, %dma_wait3A_100, %dma_wait3A_90, %dma_wait3A_101, %dma_wait3A_102] : memref<200x8x32x8x128xf32, #tpu.memory_space<hbm>> -> memref<1x8x1x8x128xf32, #tpu.memory_space<hbm>>
    %dma_wait3A_104 = tpu.memref_squeeze %dma_wait3A_103 : memref<1x8x1x8x128xf32, #tpu.memory_space<hbm>> -> memref<8x8x128xf32, #tpu.memory_space<hbm>>
    %dma_wait3A_105 = arith.constant 0 : i32
    %dma_wait3A_106 = arith.constant 0 : i32
    %dma_wait3A_107 = arith.constant 0 : i32
    %dma_wait3A_108 = tpu.memref_slice %arg9[%dma_wait3A_105, %dma_wait3A_106, %dma_wait3A_107] : memref<8x8x129xf32, #tpu.memory_space<vmem>> -> memref<8x8x128xf32, #tpu.memory_space<vmem>>
    tpu.wait_dma2 semaphore(%arg14 : memref<!tpu.dma_semaphore, #tpu.memory_space<semaphore_mem>>) src(%dma_wait3A_108 : memref<8x8x128xf32, #tpu.memory_space<vmem>>) dst(%dma_wait3A_104 : memref<8x8x128xf32, #tpu.memory_space<hbm>>)
    return
  }
}

</mosaic_0001>

<sc_bundles>
// kernel: _gather_out.3.cloned.1.call-start
scs
__scs_entry_jumppad:
0x0: {  	(pc) =	sbr.rel $0x88, $3  }
0x1: {  	(tag) =	ssettag $0x0;
	lr =	simm.s32 $0x1  }
0x2: {  	[smem:$0x3F9F] =	sst lr;
	_ =	strace $0xD0000000  }
0x3: {  	_ = 	snop  }
0x4: {  	_ = 	snop  }
0x5: {  	_ = 	snop  }
0x6: {  	_ = 	snop  }
0x7: {  	_ = 	snop  }
__scs_overlays_trampoline_lowered:
0x8: {  	[smem:$0x3FAE] =	sst s0  }
0x9: {  	[smem:$0x3FAF] =	sst s1  }
0xa: {  	[smem:$0x3FB0] =	sst s2  }
0xb: {  	[smem:$0x3FB1] =	sst s3  }
0xc: {  	[smem:$0x3FB2] =	sst s4  }
0xd: {  	[smem:$0x3FB3] =	sst s5  }
0xe: {  	[smem:$0x3FB4] =	sst s6  }
0xf: {  	[smem:$0x3FB5] =	sst s7  }
0x10: {  	[smem:$0x3FB6] =	sst s8  }
0x11: {  	[smem:$0x3FB7] =	sst s9;
	s0 =	simm.s32 @!p0 $0x0  }
0x12: {  	s1 =	sld [smem:$0x3F9D];
	s0 =	simm.s32 @p0 $0x1  }
0x13: {  	[smem:$0x3FB8] =	sst s0;
	s0 =	simm.s32 @!p1 $0x0  }
0x14: {  	s2 =	sld [smem:$0x3F9C];
	s0 =	simm.s32 @p1 $0x1  }
0x15: {  	[smem:$0x3FB9] =	sst s0;
	s0 =	simm.s32 @!p2 $0x0  }
0x16: {  	s3 =	sld [smem:$0x3FDB];
	s0 =	simm.s32 @p2 $0x1  }
0x17: {  	s4 =	simm.s32 $0x1BF5;
	[smem:$0x3FBB] =	sst s0  }
0x18: {  	s0 =	sld [smem:$0x3F9E];
	_ =	swait.ge [sflag:s4], $0x0  }
0x19: {  	s7 =	sld [smem:$0x3F9F]  }
0x1a: {  	s8 =	sadd.s32 $0xFFFFE003, lr  }
0x1b: {  	s9 =	sadd.s32 $0xFFFFFEF7, lr;
	s5 =	simm.s32 $0xFFFFFFFF;
	p2 =	slt.u32 s8, $0xFFFFF086  }
0x1c: {  	p1 =	slt.u32 s9, $0xF7A;
	s5 =	simm.s32 @!p2 $0x0  }
0x1d: {  	s5 =	simm.s32 @p1 $0x1;
	p0 =	seq.s32 s7, s2  }
0x1e: {  	s7 =	smul.u32 @!p0 $0xF7A, s2;
	p2 =	seq.s32 @!p0 s5, $0x0  }
0x1f: {  	s9 =	smul.u32 $0xF7A, s1;
	s8 =	simm.s32 @!p0 $0x1BF5;
	p2 =	por !p2, p0  }
0x20: {  	[sflag:s8] =	ssyncset.s32 @!p0 $0xFFFFF086;
	s6 =	sadd.s32 @!p0 s3, s7;
	s7 =	simm.s32 @!p0 $0x108  }
0x21: {  	s3 =	sadd.s32 s3, s9;
	s6 =	sadd.s32 @!p0 $0x88, s6;
	s7 =	simm.s32 @p2 $0x1082  }
0x22: {  	[simem:s7], [sflag:s8] =	dma.local @!p0 [hbm:s6], $0xF7A  }
0x23: {  	s9 =	sor.u32 $0xD0000000, s2;
	s6 =	simm.s32 $0x108;
	_ =	swait.ge @!p0 [sflag:s8], $0x0  }
0x24: {  	s3 =	sadd.s32 $0x88, s3;
	s6 =	simm.s32 @!p1 $0x1082;
	[sflag:s4] =	ssyncset.s32 $0xFFFFF086  }
0x25: {  	[simem:s6], [sflag:s4] =	dma.local [hbm:s3], $0xF7A  }
0x26: {  	[smem:$0x3F9F] =	sst s1;
	(tag) =	ssettag s2;
	_ =	strace s9  }
0x27: {  	s1 =	sld [smem:$0x3FAF]  }
0x28: {  	s2 =	sld [smem:$0x3FB0]  }
0x29: {  	s4 =	sld [smem:$0x3FB2]  }
0x2a: {  	p0 =	seq.s32 s5, $0x0;
	s5 =	sld [smem:$0x3FB3]  }
0x2b: {  	s6 =	sld [smem:$0x3FB4]  }
0x2c: {  	s7 =	sld [smem:$0x3FB5]  }
0x2d: {  	s3 =	simm.s32 $0x108;
	s8 =	sld [smem:$0x3FB6]  }
0x2e: {  	s3 =	simm.s32 @!p0 $0x1082;
	s9 =	sld [smem:$0x3FB7]  }
0x2f: {  	lr =	sadd.s32 s0, s3;
	s0 =	sld [smem:$0x3FAE]  }
0x30: {  	s3 =	sld [smem:$0x3FB1]  }
0x31: {  	[smem:$0x3FBA] =	sst s10  }
0x32: {  	s10 =	sld [smem:$0x3FB8];
	_ =	sdelay $0x3  }
0x33: {  	p0 =	seq.s32 s10, $0x1;
	s10 =	sld [smem:$0x3FBA];
	_ =	sdelay $0x3  }
0x34: {  	[smem:$0x3FBA] =	sst s10  }
0x35: {  	s10 =	sld [smem:$0x3FB9];
	_ =	sdelay $0x3  }
0x36: {  	p1 =	seq.s32 s10, $0x1;
	s10 =	sld [smem:$0x3FBA];
	_ =	sdelay $0x3  }
0x37: {  	[smem:$0x3FBA] =	sst s10  }
0x38: {  	s10 =	sld [smem:$0x3FBB]  }
0x39: {  	_ = 	snop;
	(pc) =	sbr.ind lr, $3  }
0x3a: {  	_ = 	snop  }
0x3b: {  	_ = 	snop  }
0x3c: {  	p2 =	seq.s32 s10, $0x1;
	s10 =	sld [smem:$0x3FBA]  }
0x3d: {  	_ =	shalt  }
0x3e: {  	_ =	shalt  }
0x3f: {  	_ =	shalt  }
0x40: {  	_ =	shalt  }
0x41: {  	_ =	shalt  }
0x42: {  	_ =	shalt  }
0x43: {  	_ =	shalt  }
0x44: {  	_ =	shalt  }
0x45: {  	_ =	shalt  }
0x46: {  	_ =	shalt  }
0x47: {  	_ =	shalt  }
0x48: {  	_ =	shalt  }
0x49: {  	_ =	shalt  }
0x4a: {  	_ =	shalt  }
0x4b: {  	_ =	shalt  }
0x4c: {  	_ =	shalt  }
0x4d: {  	_ =	shalt  }
0x4e: {  	_ =	shalt  }
0x4f: {  	_ =	shalt  }
0x50: {  	_ =	shalt  }
0x51: {  	_ =	shalt  }
0x52: {  	_ =	shalt  }
0x53: {  	_ =	shalt  }
0x54: {  	_ =	shalt  }
0x55: {  	_ =	shalt  }
0x56: {  	_ =	shalt  }
0x57: {  	_ =	shalt  }
0x58: {  	_ =	shalt  }
0x59: {  	_ =	shalt  }
0x5a: {  	_ =	shalt  }
0x5b: {  	_ =	shalt  }
0x5c: {  	_ =	shalt  }
0x5d: {  	_ =	shalt  }
0x5e: {  	_ =	shalt  }
0x5f: {  	_ =	shalt  }
0x60: {  	_ =	shalt  }
0x61: {  	_ =	shalt  }
0x62: {  	_ =	shalt  }
0x63: {  	_ =	shalt  }
0x64: {  	_ =	shalt  }
0x65: {  	_ =	shalt  }
0x66: {  	_ =	shalt  }
0x67: {  	_ =	shalt  }
0x68: {  	_ =	shalt  }
0x69: {  	_ =	shalt  }
0x6a: {  	_ =	shalt  }
0x6b: {  	_ =	shalt  }
0x6c: {  	_ =	shalt  }
0x6d: {  	_ =	shalt  }
0x6e: {  	_ =	shalt  }
0x6f: {  	_ =	shalt  }
0x70: {  	_ =	shalt  }
0x71: {  	_ =	shalt  }
0x72: {  	_ =	shalt  }
0x73: {  	_ =	shalt  }
0x74: {  	_ =	shalt  }
0x75: {  	_ =	shalt  }
0x76: {  	_ =	shalt  }
0x77: {  	_ =	shalt  }
0x78: {  	_ =	shalt  }
0x79: {  	_ =	shalt  }
0x7a: {  	_ =	shalt  }
0x7b: {  	_ =	shalt  }
0x7c: {  	_ =	shalt  }
0x7d: {  	_ =	shalt  }
0x7e: {  	_ =	shalt  }
0x7f: {  	_ =	shalt  }
0x80: {  	_ =	shalt  }
0x81: {  	_ =	shalt  }
0x82: {  	_ =	shalt  }
0x83: {  	_ =	shalt  }
0x84: {  	_ =	shalt  }
0x85: {  	_ =	shalt  }
0x86: {  	_ =	shalt  }
0x87: {  	_ =	shalt  }
.Lfunc_end0:
.L_simem_size_0:
called_computation_lowered:
.L_overlay_start_0:
0x88: {  	s2 =	sld [smem:$0x3FD9]  }
0x89: {  	s3 =	sld [smem:$0x3FFE];
	_ =	sdelay $0x1  }
0x8a: {  	s1 =	srdreg.scid  }
0x8b: {  	s0 =	sand.u32 $0x1, s1  }
0x8c: {  	s17 =	sshll.u32 s0, $0xA;
	s2 =	sadd.s32 s3, s2  }
0x8d: {  	s2 =	sadd.s32 s2, s17  }
0x8e: {  	[smem:$0x3FC6] =	sst s2  }
0x8f: {  	_ = 	snop  }
0x90: {  	s2 =	sld [smem:$0x3FD0];
	(tm) =	ssettm $0x1  }
0x91: {  	s18 =	sld [smem:$0x3FFB];
	_ =	sdelay $0x3  }
0x92: {  	_ =	strace s18  }
0x93: {  	s3 =	sld [smem:$0x3FFC];
	_ =	sdelay $0x3  }
0x94: {  	_ =	strace s3  }
0x95: {  	s3 =	sld [smem:$0x3FFD];
	_ =	sdelay $0x3  }
0x96: {  	_ =	strace s3  }
0x97: {  	_ =	strace $0x8FFFFFFF  }
0x98: {  	s19 =	sld [smem:$0x3FDB];
	_ =	sdelay $0x1  }
0x99: {  	s4 =	simm.s32 $_scs_section_size  }
0x9a: {  	s5 =	simm.s32 $_size__tile_overlayer_lowered;
	s6 =	simm.s32 $_tile_overlayer_lowered  }
0x9b: {  	s22 =	simm.s32 $0x1BFF;
	s21 =	sshll.u32 s6, $0x1;
	s3 =	sadd.s32 s4, s19  }
0x9c: {  	s7 =	simm.s32 $0x0;
	s20 =	sshll.u32 s5, $0x1;
	s5 =	sadd.s32 s21, s3  }
0x9d: {  	[timem:s7], [sflag:s22] =	dma.local [hbm:s5], s20  }
0x9e: {  	_ =	swait.ge [sflag:s22], s20  }
0x9f: {  	s4 =	ssub.s32 $0x0, s20;
	[sflag:s22] =	ssyncset.done $0x0  }
0xa0: {  	[sflag:s22] =	ssyncadd.s32 s4;
	_ =	sdelay $0x1  }
0xa1: {  	s23 =	simm.s32 $0x1B8B  }
0xa2: {  	_ =	swait.ge [sflag:s23], $0x1  }
0xa3: {  	[sflag:s23] =	ssyncset.done $0x0  }
0xa4: {  	s25 =	simm.s32 $0x1B8E;
	s24 =	sld [smem:$0x3FFE];
	[sflag:s23] =	ssyncadd.s32 $0xFFFFFFFF  }
0xa5: {  	s26 =	simm.s32 $execute0_lowered;
	[smem:$0x3FD2] =	sst s25  }
0xa6: {  	s5 =	sshll.u32 s26, $0x1;
	_ =	strace $0x80000046;
	[dreg:$0x1] =	wrdreg $0xFFFFFFFF  }
0xa7: {  	s28 =	simm.s32 $_size_execute0_lowered;
	s3 =	sadd.s32 s3, s5;
	[dreg:$0x0] =	wrdreg $0x0  }
0xa8: {  	s5 =	sshll.u32 s28, $0x1;
	[dreg:$0x2] =	wrdreg s3  }
0xa9: {  	[dreg:$0x3] =	wrdreg s5  }
0xaa: {  	[dreg:$0x4] =	wrdreg $0xC0  }
0xab: {  	_ =	task [dreg:s7], $0x5FFFF  }
0xac: {  	[dreg:$0x1] =	wrdreg $0xFFFFFFFF  }
0xad: {  	[dreg:$0x0] =	wrdreg $0x60  }
0xae: {  	[dreg:$0x2] =	wrdreg s24  }
0xaf: {  	[dreg:$0x3] =	wrdreg s2  }
0xb0: {  	[dreg:$0x4] =	wrdreg $0x9  }
0xb1: {  	_ =	task.clear_ibuf [dreg:s7], $0x5FFFF;
	_ =	strace $0x90000046  }
0xb2: {  	s29 =	simm.s32 $0x9;
	_ =	strace $0x80000048  }
0xb3: {  	_ =	swait.ge [sflag:s29], $0x1  }
0xb4: {  	[sflag:s29] =	ssyncadd.s32 $0xFFFFFFFF  }
0xb5: {  	_ =	strace $0x90000048  }
0xb6: {  	_ =	sfence  }
0xb7: {  	s30 =	sld [smem:$0x0];
	_ =	sdelay $0x2  }
0xb8: {  	s31 =	sshll.u32 s1, $0xD;
	s1 =	sshrl.u32 s1, $0x2  }
0xb9: {  	s3 =	sand.u32 $0x4000, s31;
	s1 =	sadd.s32 s1, s30  }
0xba: {  	s0 =	sor.u32 s3, s0;
	s1 =	sshll.u32 s1, $0x11  }
0xbb: {  	s0 =	sor.u32 s1, s0  }
0xbc: {  	s0 =	sadd.s32 $0x8F2B, s0  }
0xbd: {  	[sflag:s0] =	ssyncadd.remote.s32 $0x1  }
0xbe: {  	_ =	sfence.sel $0xFFFF  }
0xbf: {  	[dreg:$0x0] =	wrdreg $0xFFFFFFFF;
	(pc) =	sbr.abs _section_cstart, $3  }
0xc0: {  	[dreg:$0x1] =	wrdreg $0xFFFFFFFF  }
0xc1: {  	_ =	task.clear_ibuf [dreg:s7], $0x2FFFF;
	_ =	strace $0x9FFFFFFF  }
0xc2: {  	(tm) =	ssettm $0x7FFFFFFF  }
0xc3: {  	_ =	shalt  }
tec
execute0_lowered:
.L_overlay_start_1:
0x0: {  	(tag) =	ssettag $0x1  }
0x1: {  	v0 =	vlaneseq.u32;
	s5 =	rddreg [dreg:$0x0]  }
0x2: {  	s1 =	rddreg [dreg:$0x1];
	s3 =	simm.s32 $0x0;
	v9 =	vmul.u32 $0x88, v0  }
0x3: {  	[smem:$0x7FF] =	sst s3  }
0x4: {  	s0 =	rddreg [dreg:$0x2];
	_ =	strace $0x80000047;
	v0 =	vadd.s32 $0x110F, v9;
	[tilespmem:$0x1FFC0] =	vst v9  }
0x5: {  	v1 =	vor.u32 $0x1, v9;
	[tilespmem:$0x1FC00] =	vst v0  }
0x6: {  	v16 =	vadd.s32 $0x881, v9;
	[tilespmem:$0x1FC20] =	vst v1  }
0x7: {  	v17 =	vadd.s32 $0x1101, v9;
	[tilespmem:$0x1FC30] =	vst v16  }
0x8: {  	v18 =	vadd.s32 $0x1981, v9;
	[tilespmem:$0x1FC40] =	vst v17  }
0x9: {  	v19 =	vor.u32 $0x2, v9;
	[tilespmem:$0x1FC50] =	vst v18  }
0xa: {  	v20 =	vadd.s32 $0x882, v9;
	[tilespmem:$0x1FC60] =	vst v19  }
0xb: {  	v21 =	vadd.s32 $0x1102, v9;
	[tilespmem:$0x1FC70] =	vst v20  }
0xc: {  	v22 =	vadd.s32 $0x1982, v9;
	[tilespmem:$0x1FC80] =	vst v21  }
0xd: {  	v23 =	vor.u32 $0x3, v9;
	[tilespmem:$0x1FC90] =	vst v22  }
0xe: {  	v24 =	vadd.s32 $0x883, v9;
	[tilespmem:$0x1FCA0] =	vst v23  }
0xf: {  	v26 =	vadd.s32 $0x1103, v9;
	[tilespmem:$0x1FCB0] =	vst v24  }
0x10: {  	v27 =	vadd.s32 $0x1983, v9;
	[tilespmem:$0x1FCC0] =	vst v26  }
0x11: {  	v28 =	vor.u32 $0x4, v9;
	[tilespmem:$0x1FCD0] =	vst v27  }
0x12: {  	v29 =	vadd.s32 $0x884, v9;
	[tilespmem:$0x1FCE0] =	vst v28  }
0x13: {  	v30 =	vadd.s32 $0x1104, v9;
	[tilespmem:$0x1FCF0] =	vst v29  }
0x14: {  	v31 =	vadd.s32 $0x1984, v9;
	[tilespmem:$0x1FD00] =	vst v30  }
0x15: {  	v32 =	vor.u32 $0x5, v9;
	[tilespmem:$0x1FD10] =	vst v31  }
0x16: {  	v33 =	vadd.s32 $0x885, v9;
	[tilespmem:$0x1FD20] =	vst v32  }
0x17: {  	v34 =	vadd.s32 $0x1105, v9;
	[tilespmem:$0x1FD30] =	vst v33  }
0x18: {  	v35 =	vadd.s32 $0x1985, v9;
	[tilespmem:$0x1FD40] =	vst v34  }
0x19: {  	v36 =	vor.u32 $0x6, v9;
	[tilespmem:$0x1FD50] =	vst v35  }
0x1a: {  	v37 =	vadd.s32 $0x886, v9;
	[tilespmem:$0x1FD60] =	vst v36  }
0x1b: {  	v38 =	vadd.s32 $0x1106, v9;
	[tilespmem:$0x1FD70] =	vst v37  }
0x1c: {  	v39 =	vadd.s32 $0x1986, v9;
	[tilespmem:$0x1FD80] =	vst v38  }
0x1d: {  	v40 =	vor.u32 $0x7, v9;
	[tilespmem:$0x1FD90] =	vst v39  }
0x1e: {  	v41 =	vadd.s32 $0x887, v9;
	[tilespmem:$0x1FDA0] =	vst v40  }
0x1f: {  	v42 =	vadd.s32 $0x1107, v9;
	[tilespmem:$0x1FDB0] =	vst v41  }
0x20: {  	v43 =	vadd.s32 $0x1987, v9;
	[tilespmem:$0x1FDC0] =	vst v42  }
0x21: {  	v44 =	vadd.s32 $0x8, v9;
	[tilespmem:$0x1FDD0] =	vst v43  }
0x22: {  	v45 =	vadd.s32 $0x888, v9;
	[tilespmem:$0x1FDE0] =	vst v44  }
0x23: {  	v46 =	vadd.s32 $0x1108, v9;
	[tilespmem:$0x1FDF0] =	vst v45  }
0x24: {  	v47 =	vadd.s32 $0x1988, v9;
	[tilespmem:$0x1FE00] =	vst v46  }
0x25: {  	v25 =	vadd.s32 $0x9, v9;
	[tilespmem:$0x1FE10] =	vst v47  }
0x26: {  	v49 =	vadd.s32 $0x889, v9;
	[tilespmem:$0x1FE20] =	vst v25  }
0x27: {  	v50 =	vadd.s32 $0x1109, v9;
	[tilespmem:$0x1FE30] =	vst v49  }
0x28: {  	v51 =	vadd.s32 $0x1989, v9;
	[tilespmem:$0x1FE40] =	vst v50  }
0x29: {  	v52 =	vadd.s32 $0xA, v9;
	[tilespmem:$0x1FE50] =	vst v51  }
0x2a: {  	v53 =	vadd.s32 $0x88A, v9;
	[tilespmem:$0x1FE60] =	vst v52  }
0x2b: {  	v54 =	vadd.s32 $0x110A, v9;
	[tilespmem:$0x1FE70] =	vst v53  }
0x2c: {  	v55 =	vadd.s32 $0x198A, v9;
	[tilespmem:$0x1FE80] =	vst v54  }
0x2d: {  	v56 =	vadd.s32 $0xB, v9;
	[tilespmem:$0x1FE90] =	vst v55  }
0x2e: {  	v57 =	vadd.s32 $0x88B, v9;
	[tilespmem:$0x1FEA0] =	vst v56  }
0x2f: {  	v58 =	vadd.s32 $0x110B, v9;
	[tilespmem:$0x1FEB0] =	vst v57  }
0x30: {  	v59 =	vadd.s32 $0x198B, v9;
	[tilespmem:$0x1FEC0] =	vst v58  }
0x31: {  	v60 =	vadd.s32 $0xC, v9;
	[tilespmem:$0x1FED0] =	vst v59  }
0x32: {  	v61 =	vadd.s32 $0x88C, v9;
	[tilespmem:$0x1FEE0] =	vst v60  }
0x33: {  	v62 =	vadd.s32 $0x110C, v9;
	[tilespmem:$0x1FEF0] =	vst v61  }
0x34: {  	v63 =	vadd.s32 $0x198C, v9;
	[tilespmem:$0x1FF00] =	vst v62  }
0x35: {  	v2 =	vadd.s32 $0xD, v9;
	[tilespmem:$0x1FF10] =	vst v63  }
0x36: {  	v3 =	vadd.s32 $0x88D, v9;
	[tilespmem:$0x1FF20] =	vst v2  }
0x37: {  	v4 =	vadd.s32 $0x110D, v9;
	[tilespmem:$0x1FF30] =	vst v3  }
0x38: {  	v5 =	vadd.s32 $0x198D, v9;
	[tilespmem:$0x1FF40] =	vst v4  }
0x39: {  	v6 =	vadd.s32 $0xE, v9;
	[tilespmem:$0x1FF50] =	vst v5  }
0x3a: {  	v7 =	vadd.s32 $0x88E, v9;
	[tilespmem:$0x1FF60] =	vst v6  }
0x3b: {  	s4 =	srdreg.scid;
	s2 =	stileid.u32;
	v8 =	vadd.s32 $0x110E, v9;
	[tilespmem:$0x1FF70] =	vst v7  }
0x3c: {  	s10 =	simm.s32 $0x1;
	s11 =	simm.s32 $0x6400;
	s12 =	simm.s32 $0x2;
	v10 =	vadd.s32 $0x198E, v9;
	[tilespmem:$0x1FF80] =	vst v8  }
0x3d: {  	s13 =	simm.s32 $0x8400;
	s14 =	simm.s32 $0xA400;
	s15 =	simm.s32 $0x3;
	v12 =	vadd.s32 $0xF, v9;
	[tilespmem:$0x1FF90] =	vst v10  }
0x3e: {  	s16 =	simm.s32 $0xC600;
	s17 =	simm.s32 $0x4;
	s18 =	simm.s32 $0x5;
	v14 =	vadd.s32 $0x88F, v9;
	[tilespmem:$0x1FFA0] =	vst v12  }
0x3f: {  	s19 =	simm.s32 $0x0;
	s4 =	sand.u32 $0x1, s4;
	s6 =	sshll.u32 s2, $0x1;
	v11 =	vadd.s32 $0x880, v9;
	[tilespmem:$0x1FFB0] =	vst v14  }
0x40: {  	s6 =	sor.u32 s4, s6;
	s7 =	ssub.s32 $0x2, s4;
	s4 =	sadd.s32 $0xF42A00, s5;
	v13 =	vadd.s32 $0x1100, v9;
	[tilespmem:$0x1FFD0] =	vst v11  }
0x41: {  	v15 =	vadd.s32 $0x1980, v9;
	s8 =	sshll.u32 s6, $0x4;
	s9 =	sshrl.u32 s7, $0x1;
	s6 =	sshll.u32 s6, $0xA;
	[tilespmem:$0x1FFE0] =	vst v13  }
0x42: {  	s5 =	sadd.s32 s8, s5;
	s7 =	ssub.s32 s7, s9;
	s8 =	simm.s32 $0x80;
	v0 =	vadd.s32 $0x198F, v9;
	[tilespmem:$0x1FFF0] =	vst v15  }
0x43: {  	s9 =	simm.s32 $0x1000;
	s5 =	sadd.s32 $0x600, s5;
	s7 =	smax.u32 s7, $0x1;
	[tilespmem:$0x1FC10] =	vst v0  }
.LBB2_1:
0x44: {  	[tilespmem:s3], [sflag:$0x1] =	stream.strided.gather [hbm4b:s5+s8], $0x6400, s9, s8, $0x38;
	[tilespmem:$0xE800] =	vst v63  }
0x45: {  	_ =	swait.ge [sflag:s10], $0x6400  }
0x46: {  	[sflag:s10] =	ssyncset.done $0x0  }
0x47: {  	s20 =	simm.s32 $0x0;
	[sflag:s10] =	ssyncadd.s32 $0xFFFF9C00  }
0x48: {  	[tilespmem:s11], [sflag:$0x2] =	stream.indirect.gather [hbm4b:s4+s8], $0x40, s3, s8, $0xb8;
	[tilespmem:$0xE800] =	vst v63  }
.LBB2_2:
0x49: {  	s21 =	sshllo.u32 s20, $0x1;
	_ =	swait.ge [sflag:s12], $0x2000  }
0x4a: {  	[sflag:s12] =	ssyncset.done $0x0;
	s22 =	sshll.u32 s21, $0x7  }
0x4b: {  	p0 =	seq.s32 s20, $0x0;
	[sflag:s12] =	ssyncadd.s32 $0xFFFFE000;
	s22 =	sand.u32 $0x3FFFFF80, s22  }
0x4c: {  	[tilespmem:s13], [sflag:$0x3] =	stream.indirect.gather [hbm4b:s4+s8], $0x40, s22, s8, $0xb8;
	[tilespmem:$0xE800] =	vst v63  }
0x4d: {  	s22 =	simm.s32 @!p0 $0x4  }
0x4e: {  	_ =	swait.ge @!p0 [sflag:s22], $0x2000  }
0x4f: {  	[sflag:s22] =	ssyncset.done @!p0 $0x0  }
0x50: {  	[sflag:s22] =	ssyncadd.s32 @!p0 $0xFFFFE000;
	s22 =	simm.s32 $0x6600  }
0x51: {  	v0 =	vld [tilespmem:s22+$0xFFFFFE10];
	_ =	sdelay $0x4  }
0x52: {  	[tilespmem:$0x1FB60] =	vst v0;
	v0 =	vld [tilespmem:s22+$0xFFFFFE20];
	_ =	sdelay $0x4  }
0x53: {  	[tilespmem:$0x1FB70] =	vst v0;
	v0 =	vld [tilespmem:s22+$0xFFFFFE30];
	_ =	sdelay $0x1  }
0x54: {  	v25 =	vmovc v23;
	v23 =	vmovc v21;
	v21 =	vmov v19;
	v19 =	vmov v17;
	v17 =	vmov v1;
	v1 =	vld [tilespmem:s22+$0xFFFFFE00]  }
0x55: {  	s24 =	simm.s32 $0x0  }
0x56: {  	v48 =	vadd.s32 s24, v9  }
0x57: {  	[tilespmem:$0x1FB90] =	vst v0;
	v0 =	vadd.s32 s24, v11  }
0x58: {  	[tilespmem:$0x1FB80] =	vst v0;
	v0 =	vadd.s32 s24, v13  }
0x59: {  	[tilespmem:$0x1FBA0] =	vst v0;
	v0 =	vmul.f32 $8.000000000e+00, v1;
	_ =	sdelay $0x1  }
0x5a: {  	v1 =	vadd.s32 s24, v15;
	[tilespmem:v48+s14+$0x0] =	vst.idx.msk $0xffff, v0;
	v48 =	vld [tilespmem:$0x1FB80]  }
0x5b: {  	[tilespmem:$0x1FBB0] =	vst v1;
	v1 =	vld [tilespmem:$0x1FB60];
	_ =	sdelay $0x4  }
0x5c: {  	v1 =	vmul.f32 $8.000000000e+00, v1;
	_ =	sdelay $0x1  }
0x5d: {  	[tilespmem:v48+s14+$0x0] =	vst.idx.msk $0xffff, v1;
	v48 =	vmov v47;
	v47 =	vmov v46  }
0x5e: {  	v46 =	vmovc v45;
	v45 =	vmovc v44;
	v44 =	vmov v43;
	v43 =	vmov v42;
	v42 =	vmov v41  }
0x5f: {  	v41 =	vmovc v40;
	v40 =	vmovc v39;
	v39 =	vmov v38;
	v38 =	vmov v37;
	v37 =	vmov v36  }
0x60: {  	v36 =	vmovc v24;
	v24 =	vmovc v22;
	v22 =	vmov v20;
	v20 =	vmov v18;
	v18 =	vmov v16;
	v16 =	vld [tilespmem:$0x1FBA0]  }
0x61: {  	v0 =	vld [tilespmem:$0x1FB70];
	_ =	sdelay $0x4  }
0x62: {  	v0 =	vmul.f32 $8.000000000e+00, v0;
	_ =	sdelay $0x1  }
0x63: {  	[tilespmem:v16+s14+$0x0] =	vst.idx.msk $0xffff, v0;
	v0 =	vld [tilespmem:$0x1FBB0]  }
0x64: {  	v1 =	vld [tilespmem:$0x1FB90];
	_ =	sdelay $0x4  }
0x65: {  	v1 =	vmul.f32 $8.000000000e+00, v1;
	_ =	sdelay $0x1  }
0x66: {  	[tilespmem:v0+s14+$0x0] =	vst.idx.msk $0xffff, v1  }
0x67: {  	v1 =	vld [tilespmem:s22+$0xFFFFFE50];
	_ =	sdelay $0x4  }
0x68: {  	[tilespmem:$0x1FBC0] =	vst v1;
	v1 =	vld [tilespmem:s22+$0xFFFFFE60];
	_ =	sdelay $0x4  }
0x69: {  	[tilespmem:$0x1FBE0] =	vst v1;
	v1 =	vadd.s32 s24, v17  }
0x6a: {  	[tilespmem:$0x1FBD0] =	vst v1  }
0x6b: {  	v1 =	vadd.s32 s24, v18;
	v18 =	vld [tilespmem:$0x1FBD0]  }
0x6c: {  	v0 =	vld [tilespmem:s22+$0xFFFFFE40];
	_ =	sdelay $0x4  }
0x6d: {  	v0 =	vmul.f32 $8.000000000e+00, v0  }
0x6e: {  	v16 =	vld [tilespmem:s22+$0xFFFFFE70];
	[tilespmem:$0x1FBF0] =	vst v1  }
0x6f: {  	[tilespmem:v18+s14+$0x0] =	vst.idx.msk $0xffff, v0;
	v18 =	vld [tilespmem:$0x1FBF0]  }
0x70: {  	v1 =	vld [tilespmem:$0x1FBC0]  }
0x71: {  	v0 =	vld [tilespmem:$0x1FBE0];
	_ =	sdelay $0x1  }
0x72: {  	v17 =	vadd.s32 s24, v19  }
0x73: {  	v19 =	vadd.s32 s24, v20  }
0x74: {  	v1 =	vmul.f32 $8.000000000e+00, v1  }
0x75: {  	v0 =	vmul.f32 $8.000000000e+00, v0  }
0x76: {  	[tilespmem:v18+s14+$0x0] =	vst.idx.msk $0xffff, v1;
	v1 =	vmul.f32 $8.000000000e+00, v16  }
0x77: {  	[tilespmem:v17+s14+$0x0] =	vst.idx.msk $0xffff, v0  }
0x78: {  	[tilespmem:v19+s14+$0x0] =	vst.idx.msk $0xffff, v1  }
0x79: {  	v0 =	vld [tilespmem:s22+$0xFFFFFE80]  }
0x7a: {  	v1 =	vld [tilespmem:s22+$0xFFFFFE90]  }
0x7b: {  	v19 =	vadd.s32 s24, v21;
	v16 =	vld [tilespmem:s22+$0xFFFFFEA0]  }
0x7c: {  	v20 =	vadd.s32 s24, v22;
	v17 =	vld [tilespmem:s22+$0xFFFFFEB0]  }
0x7d: {  	v18 =	vadd.s32 s24, v23  }
0x7e: {  	v21 =	vadd.s32 s24, v24;
	v0 =	vmul.f32 $8.000000000e+00, v0  }
0x7f: {  	v1 =	vmul.f32 $8.000000000e+00, v1  }
0x80: {  	[tilespmem:v19+s14+$0x0] =	vst.idx.msk $0xffff, v0;
	v0 =	vmul.f32 $8.000000000e+00, v16  }
0x81: {  	[tilespmem:v20+s14+$0x0] =	vst.idx.msk $0xffff, v1;
	v1 =	vmul.f32 $8.000000000e+00, v17  }
0x82: {  	[tilespmem:v18+s14+$0x0] =	vst.idx.msk $0xffff, v0  }
0x83: {  	[tilespmem:v21+s14+$0x0] =	vst.idx.msk $0xffff, v1  }
0x84: {  	v0 =	vld [tilespmem:s22+$0xFFFFFEC0]  }
0x85: {  	v1 =	vld [tilespmem:s22+$0xFFFFFED0]  }
0x86: {  	v19 =	vadd.s32 s24, v25;
	v16 =	vld [tilespmem:s22+$0xFFFFFEE0]  }
0x87: {  	v20 =	vadd.s32 s24, v36;
	v17 =	vld [tilespmem:s22+$0xFFFFFEF0]  }
0x88: {  	v18 =	vadd.s32 s24, v26  }
0x89: {  	v21 =	vadd.s32 s24, v27;
	v0 =	vmul.f32 $8.000000000e+00, v0  }
0x8a: {  	v1 =	vmul.f32 $8.000000000e+00, v1  }
0x8b: {  	[tilespmem:v19+s14+$0x0] =	vst.idx.msk $0xffff, v0;
	v0 =	vmul.f32 $8.000000000e+00, v16  }
0x8c: {  	[tilespmem:v20+s14+$0x0] =	vst.idx.msk $0xffff, v1;
	v1 =	vmul.f32 $8.000000000e+00, v17  }
0x8d: {  	[tilespmem:v18+s14+$0x0] =	vst.idx.msk $0xffff, v0  }
0x8e: {  	[tilespmem:v21+s14+$0x0] =	vst.idx.msk $0xffff, v1  }
0x8f: {  	v0 =	vld [tilespmem:s22+$0xFFFFFF00]  }
0x90: {  	v1 =	vld [tilespmem:s22+$0xFFFFFF10]  }
0x91: {  	v19 =	vadd.s32 s24, v28;
	v16 =	vld [tilespmem:s22+$0xFFFFFF20]  }
0x92: {  	v20 =	vadd.s32 s24, v29;
	v17 =	vld [tilespmem:s22+$0xFFFFFF30]  }
0x93: {  	v18 =	vadd.s32 s24, v30  }
0x94: {  	v21 =	vadd.s32 s24, v31;
	v0 =	vmul.f32 $8.000000000e+00, v0  }
0x95: {  	v1 =	vmul.f32 $8.000000000e+00, v1  }
0x96: {  	[tilespmem:v19+s14+$0x0] =	vst.idx.msk $0xffff, v0;
	v0 =	vmul.f32 $8.000000000e+00, v16  }
0x97: {  	[tilespmem:v20+s14+$0x0] =	vst.idx.msk $0xffff, v1;
	v1 =	vmul.f32 $8.000000000e+00, v17  }
0x98: {  	[tilespmem:v18+s14+$0x0] =	vst.idx.msk $0xffff, v0  }
0x99: {  	[tilespmem:v21+s14+$0x0] =	vst.idx.msk $0xffff, v1  }
0x9a: {  	v0 =	vld [tilespmem:s22+$0xFFFFFF40]  }
0x9b: {  	v1 =	vld [tilespmem:s22+$0xFFFFFF50]  }
0x9c: {  	v19 =	vadd.s32 s24, v32;
	v16 =	vld [tilespmem:s22+$0xFFFFFF60]  }
0x9d: {  	v20 =	vadd.s32 s24, v33;
	v17 =	vld [tilespmem:s22+$0xFFFFFF70]  }
0x9e: {  	v18 =	vadd.s32 s24, v34  }
0x9f: {  	v21 =	vadd.s32 s24, v35;
	v0 =	vmul.f32 $8.000000000e+00, v0  }
0xa0: {  	v1 =	vmul.f32 $8.000000000e+00, v1  }
0xa1: {  	[tilespmem:v19+s14+$0x0] =	vst.idx.msk $0xffff, v0;
	v0 =	vmul.f32 $8.000000000e+00, v16  }
0xa2: {  	[tilespmem:v20+s14+$0x0] =	vst.idx.msk $0xffff, v1;
	v1 =	vmul.f32 $8.000000000e+00, v17  }
0xa3: {  	[tilespmem:v18+s14+$0x0] =	vst.idx.msk $0xffff, v0  }
0xa4: {  	[tilespmem:v21+s14+$0x0] =	vst.idx.msk $0xffff, v1  }
0xa5: {  	v0 =	vld [tilespmem:s22+$0xFFFFFF80]  }
0xa6: {  	v1 =	vld [tilespmem:s22+$0xFFFFFF90]  }
0xa7: {  	v19 =	vadd.s32 s24, v37;
	v16 =	vld [tilespmem:s22+$0xFFFFFFA0]  }
0xa8: {  	v20 =	vadd.s32 s24, v38;
	v17 =	vld [tilespmem:s22+$0xFFFFFFB0]  }
0xa9: {  	v18 =	vadd.s32 s24, v39  }
0xaa: {  	v21 =	vadd.s32 s24, v40;
	v0 =	vmul.f32 $8.000000000e+00, v0  }
0xab: {  	v1 =	vmul.f32 $8.000000000e+00, v1  }
0xac: {  	[tilespmem:v19+s14+$0x0] =	vst.idx.msk $0xffff, v0;
	v0 =	vmul.f32 $8.000000000e+00, v16  }
0xad: {  	[tilespmem:v20+s14+$0x0] =	vst.idx.msk $0xffff, v1;
	v1 =	vmul.f32 $8.000000000e+00, v17  }
0xae: {  	[tilespmem:v18+s14+$0x0] =	vst.idx.msk $0xffff, v0  }
0xaf: {  	[tilespmem:v21+s14+$0x0] =	vst.idx.msk $0xffff, v1  }
0xb0: {  	v0 =	vld [tilespmem:s22+$0xFFFFFFC0]  }
0xb1: {  	v1 =	vld [tilespmem:s22+$0xFFFFFFD0]  }
0xb2: {  	v19 =	vadd.s32 s24, v41;
	v16 =	vld [tilespmem:s22+$0xFFFFFFE0]  }
0xb3: {  	v20 =	vadd.s32 s24, v42;
	v17 =	vld [tilespmem:s22+$0xFFFFFFF0]  }
0xb4: {  	v18 =	vadd.s32 s24, v43  }
0xb5: {  	v21 =	vadd.s32 s24, v44;
	v0 =	vmul.f32 $8.000000000e+00, v0  }
0xb6: {  	v1 =	vmul.f32 $8.000000000e+00, v1  }
0xb7: {  	[tilespmem:v19+s14+$0x0] =	vst.idx.msk $0xffff, v0;
	v0 =	vmul.f32 $8.000000000e+00, v16  }
0xb8: {  	[tilespmem:v20+s14+$0x0] =	vst.idx.msk $0xffff, v1;
	v1 =	vmul.f32 $8.000000000e+00, v17  }
0xb9: {  	[tilespmem:v18+s14+$0x0] =	vst.idx.msk $0xffff, v0  }
0xba: {  	[tilespmem:v21+s14+$0x0] =	vst.idx.msk $0xffff, v1  }
0xbb: {  	v0 =	vld [tilespmem:s22+$0x0]  }
0xbc: {  	v1 =	vld [tilespmem:s22+$0x10]  }
0xbd: {  	v19 =	vadd.s32 s24, v45;
	v16 =	vld [tilespmem:s22+$0x20]  }
0xbe: {  	v20 =	vadd.s32 s24, v46;
	v17 =	vld [tilespmem:s22+$0x30]  }
0xbf: {  	v18 =	vadd.s32 s24, v47  }
0xc0: {  	v21 =	vadd.s32 s24, v48;
	v0 =	vmul.f32 $8.000000000e+00, v0  }
0xc1: {  	v36 =	vmovc v37;
	v37 =	vmovc v38;
	v38 =	vmov v39;
	v39 =	vmov v40;
	v1 =	vmul.f32 $8.000000000e+00, v1  }
0xc2: {  	v40 =	vmovc v41;
	v41 =	vmovc v42;
	v42 =	vmov v43;
	v43 =	vmov v44;
	[tilespmem:v19+s14+$0x0] =	vst.idx.msk $0xffff, v0;
	v0 =	vmul.f32 $8.000000000e+00, v16  }
0xc3: {  	v44 =	vmovc v45;
	v45 =	vmovc v46;
	v46 =	vmov v47;
	v47 =	vmov v48;
	v48 =	vld [tilespmem:$0x1FE20];
	[tilespmem:v20+s14+$0x0] =	vst.idx.msk $0xffff, v1;
	v1 =	vmul.f32 $8.000000000e+00, v17  }
0xc4: {  	[tilespmem:v18+s14+$0x0] =	vst.idx.msk $0xffff, v0  }
0xc5: {  	[tilespmem:v21+s14+$0x0] =	vst.idx.msk $0xffff, v1  }
0xc6: {  	v0 =	vld [tilespmem:s22+$0x40]  }
0xc7: {  	v1 =	vld [tilespmem:s22+$0x50]  }
0xc8: {  	v19 =	vadd.s32 s24, v48;
	v16 =	vld [tilespmem:s22+$0x60]  }
0xc9: {  	v20 =	vadd.s32 s24, v49;
	v17 =	vld [tilespmem:s22+$0x70]  }
0xca: {  	v18 =	vadd.s32 s24, v50  }
0xcb: {  	v21 =	vadd.s32 s24, v51;
	v0 =	vmul.f32 $8.000000000e+00, v0  }
0xcc: {  	v1 =	vmul.f32 $8.000000000e+00, v1  }
0xcd: {  	[tilespmem:v19+s14+$0x0] =	vst.idx.msk $0xffff, v0;
	v0 =	vmul.f32 $8.000000000e+00, v16  }
0xce: {  	[tilespmem:v20+s14+$0x0] =	vst.idx.msk $0xffff, v1;
	v1 =	vmul.f32 $8.000000000e+00, v17  }
0xcf: {  	[tilespmem:v18+s14+$0x0] =	vst.idx.msk $0xffff, v0  }
0xd0: {  	[tilespmem:v21+s14+$0x0] =	vst.idx.msk $0xffff, v1  }
0xd1: {  	v0 =	vld [tilespmem:s22+$0x80]  }
0xd2: {  	v1 =	vld [tilespmem:s22+$0x90]  }
0xd3: {  	v19 =	vadd.s32 s24, v52;
	v16 =	vld [tilespmem:s22+$0xA0]  }
0xd4: {  	v20 =	vadd.s32 s24, v53;
	v17 =	vld [tilespmem:s22+$0xB0]  }
0xd5: {  	v18 =	vadd.s32 s24, v54  }
0xd6: {  	v21 =	vadd.s32 s24, v55;
	v0 =	vmul.f32 $8.000000000e+00, v0  }
0xd7: {  	v1 =	vmul.f32 $8.000000000e+00, v1  }
0xd8: {  	[tilespmem:v19+s14+$0x0] =	vst.idx.msk $0xffff, v0;
	v0 =	vmul.f32 $8.000000000e+00, v16  }
0xd9: {  	[tilespmem:v20+s14+$0x0] =	vst.idx.msk $0xffff, v1;
	v1 =	vmul.f32 $8.000000000e+00, v17  }
0xda: {  	[tilespmem:v18+s14+$0x0] =	vst.idx.msk $0xffff, v0  }
0xdb: {  	[tilespmem:v21+s14+$0x0] =	vst.idx.msk $0xffff, v1  }
0xdc: {  	v0 =	vld [tilespmem:s22+$0xC0]  }
0xdd: {  	v1 =	vld [tilespmem:s22+$0xD0]  }
0xde: {  	v19 =	vadd.s32 s24, v56;
	v16 =	vld [tilespmem:s22+$0xE0]  }
0xdf: {  	v20 =	vadd.s32 s24, v57;
	v17 =	vld [tilespmem:s22+$0xF0]  }
0xe0: {  	v18 =	vadd.s32 s24, v58  }
0xe1: {  	v21 =	vadd.s32 s24, v59;
	v0 =	vmul.f32 $8.000000000e+00, v0  }
0xe2: {  	v1 =	vmul.f32 $8.000000000e+00, v1  }
0xe3: {  	[tilespmem:v19+s14+$0x0] =	vst.idx.msk $0xffff, v0;
	v0 =	vmul.f32 $8.000000000e+00, v16  }
0xe4: {  	[tilespmem:v20+s14+$0x0] =	vst.idx.msk $0xffff, v1;
	v1 =	vmul.f32 $8.000000000e+00, v17  }
0xe5: {  	[tilespmem:v18+s14+$0x0] =	vst.idx.msk $0xffff, v0  }
0xe6: {  	[tilespmem:v21+s14+$0x0] =	vst.idx.msk $0xffff, v1  }
0xe7: {  	v0 =	vld [tilespmem:s22+$0x100]  }
0xe8: {  	v1 =	vld [tilespmem:s22+$0x110]  }
0xe9: {  	v19 =	vadd.s32 s24, v60;
	v16 =	vld [tilespmem:s22+$0x120]  }
0xea: {  	v20 =	vadd.s32 s24, v61;
	v17 =	vld [tilespmem:s22+$0x130]  }
0xeb: {  	v18 =	vadd.s32 s24, v62  }
0xec: {  	v21 =	vadd.s32 s24, v63;
	v0 =	vmul.f32 $8.000000000e+00, v0  }
0xed: {  	v1 =	vmul.f32 $8.000000000e+00, v1  }
0xee: {  	[tilespmem:v19+s14+$0x0] =	vst.idx.msk $0xffff, v0;
	v0 =	vmul.f32 $8.000000000e+00, v16  }
0xef: {  	[tilespmem:v20+s14+$0x0] =	vst.idx.msk $0xffff, v1;
	v1 =	vmul.f32 $8.000000000e+00, v17  }
0xf0: {  	[tilespmem:v18+s14+$0x0] =	vst.idx.msk $0xffff, v0  }
0xf1: {  	[tilespmem:v21+s14+$0x0] =	vst.idx.msk $0xffff, v1  }
0xf2: {  	v0 =	vld [tilespmem:s22+$0x140]  }
0xf3: {  	v1 =	vld [tilespmem:s22+$0x150]  }
0xf4: {  	v19 =	vadd.s32 s24, v2;
	v16 =	vld [tilespmem:s22+$0x160]  }
0xf5: {  	v20 =	vadd.s32 s24, v3;
	v17 =	vld [tilespmem:s22+$0x170]  }
0xf6: {  	v18 =	vadd.s32 s24, v4  }
0xf7: {  	v21 =	vadd.s32 s24, v5;
	v0 =	vmul.f32 $8.000000000e+00, v0  }
0xf8: {  	v1 =	vmul.f32 $8.000000000e+00, v1  }
0xf9: {  	[tilespmem:v19+s14+$0x0] =	vst.idx.msk $0xffff, v0;
	v0 =	vmul.f32 $8.000000000e+00, v16  }
0xfa: {  	[tilespmem:v20+s14+$0x0] =	vst.idx.msk $0xffff, v1;
	v1 =	vmul.f32 $8.000000000e+00, v17  }
0xfb: {  	[tilespmem:v18+s14+$0x0] =	vst.idx.msk $0xffff, v0  }
0xfc: {  	[tilespmem:v21+s14+$0x0] =	vst.idx.msk $0xffff, v1  }
0xfd: {  	v0 =	vld [tilespmem:s22+$0x180]  }
0xfe: {  	v1 =	vld [tilespmem:s22+$0x190]  }
0xff: {  	v19 =	vadd.s32 s24, v6;
	v16 =	vld [tilespmem:s22+$0x1A0]  }
0x100: {  	v20 =	vadd.s32 s24, v7;
	v17 =	vld [tilespmem:s22+$0x1B0]  }
0x101: {  	v18 =	vadd.s32 s24, v8  }
0x102: {  	v21 =	vadd.s32 s24, v10;
	v0 =	vmul.f32 $8.000000000e+00, v0  }
0x103: {  	v1 =	vmul.f32 $8.000000000e+00, v1  }
0x104: {  	[tilespmem:v19+s14+$0x0] =	vst.idx.msk $0xffff, v0;
	v0 =	vmul.f32 $8.000000000e+00, v16  }
0x105: {  	[tilespmem:v20+s14+$0x0] =	vst.idx.msk $0xffff, v1;
	v1 =	vmul.f32 $8.000000000e+00, v17  }
0x106: {  	[tilespmem:v18+s14+$0x0] =	vst.idx.msk $0xffff, v0  }
0x107: {  	v0 =	vld [tilespmem:$0x1FC00];
	[tilespmem:v21+s14+$0x0] =	vst.idx.msk $0xffff, v1  }
0x108: {  	v1 =	vld [tilespmem:s22+$0x1C0]  }
0x109: {  	v18 =	vld [tilespmem:s22+$0x1D0]  }
0x10a: {  	v20 =	vadd.s32 s24, v12;
	v17 =	vld [tilespmem:s22+$0x1E0]  }
0x10b: {  	v19 =	vadd.s32 s24, v14  }
0x10c: {  	v21 =	vadd.s32 s24, v0  }
0x10d: {  	v0 =	vmul.f32 $8.000000000e+00, v1  }
0x10e: {  	v1 =	vmul.f32 $8.000000000e+00, v18  }
0x10f: {  	v16 =	vld [tilespmem:s22+$0x1F0];
	[tilespmem:v20+s14+$0x0] =	vst.idx.msk $0xffff, v0;
	v0 =	vmul.f32 $8.000000000e+00, v17  }
0x110: {  	[tilespmem:v19+s14+$0x0] =	vst.idx.msk $0xffff, v1  }
0x111: {  	[tilespmem:v21+s14+$0x0] =	vst.idx.msk $0xffff, v0;
	v0 =	vld [tilespmem:$0x1FC10];
	_ =	sdelay $0x2  }
0x112: {  	v22 =	vmov v8;
	v23 =	vmov v10  }
0x113: {  	v24 =	vmovc v12;
	v25 =	vmovc v14;
	v18 =	vmov v4;
	v17 =	vmov v3;
	v20 =	vmov v6  }
0x114: {  	s23 =	simm.s32 $0x10;
	v1 =	vmul.f32 $8.000000000e+00, v16;
	v16 =	vmovc v2;
	v19 =	vmovc v5;
	v21 =	vmov v7;
	v0 =	vadd.s32 s24, v0  }
.LBB2_3:
0x115: {  	_ =	sdelay $0x3  }
0x116: {  	s22 =	sadd.s32 $0x400, s22;
	[tilespmem:v0+s14+$0x0] =	vst.idx.msk $0xffff, v1  }
0x117: {  	v0 =	vld [tilespmem:s22+$0xFFFFFE00]  }
0x118: {  	s24 =	smov.u32 s23;
	v1 =	vld [tilespmem:s22+$0xFFFFFE10]  }
0x119: {  	v3 =	vadd.s32 s24, v9;
	v2 =	vld [tilespmem:s22+$0xFFFFFE20]  }
0x11a: {  	v5 =	vadd.s32 s24, v11;
	v4 =	vld [tilespmem:s22+$0xFFFFFE30]  }
0x11b: {  	v6 =	vadd.s32 s24, v13  }
0x11c: {  	v7 =	vadd.s32 s24, v15;
	v0 =	vmul.f32 $8.000000000e+00, v0  }
0x11d: {  	v1 =	vmul.f32 $8.000000000e+00, v1  }
0x11e: {  	[tilespmem:v3+s14+$0x0] =	vst.idx.msk $0xffff, v0;
	v0 =	vmul.f32 $8.000000000e+00, v2;
	v3 =	vld [tilespmem:$0x1FC20]  }
0x11f: {  	[tilespmem:v5+s14+$0x0] =	vst.idx.msk $0xffff, v1;
	v1 =	vmul.f32 $8.000000000e+00, v4;
	v5 =	vld [tilespmem:$0x1FC30]  }
0x120: {  	[tilespmem:v6+s14+$0x0] =	vst.idx.msk $0xffff, v0;
	v6 =	vld [tilespmem:$0x1FC40]  }
0x121: {  	[tilespmem:v7+s14+$0x0] =	vst.idx.msk $0xffff, v1;
	v7 =	vld [tilespmem:$0x1FC50]  }
0x122: {  	v0 =	vld [tilespmem:s22+$0xFFFFFE40]  }
0x123: {  	v1 =	vld [tilespmem:s22+$0xFFFFFE50]  }
0x124: {  	v2 =	vld [tilespmem:s22+$0xFFFFFE60];
	v3 =	vadd.s32 s24, v3  }
0x125: {  	v4 =	vld [tilespmem:s22+$0xFFFFFE70];
	v5 =	vadd.s32 s24, v5  }
0x126: {  	v6 =	vadd.s32 s24, v6  }
0x127: {  	v7 =	vadd.s32 s24, v7;
	v0 =	vmul.f32 $8.000000000e+00, v0  }
0x128: {  	v1 =	vmul.f32 $8.000000000e+00, v1  }
0x129: {  	[tilespmem:v3+s14+$0x0] =	vst.idx.msk $0xffff, v0;
	v0 =	vmul.f32 $8.000000000e+00, v2;
	v3 =	vld [tilespmem:$0x1FC60]  }
0x12a: {  	[tilespmem:v5+s14+$0x0] =	vst.idx.msk $0xffff, v1;
	v1 =	vmul.f32 $8.000000000e+00, v4;
	v5 =	vld [tilespmem:$0x1FC70]  }
0x12b: {  	[tilespmem:v6+s14+$0x0] =	vst.idx.msk $0xffff, v0;
	v6 =	vld [tilespmem:$0x1FC80]  }
0x12c: {  	[tilespmem:v7+s14+$0x0] =	vst.idx.msk $0xffff, v1;
	v7 =	vld [tilespmem:$0x1FC90]  }
0x12d: {  	v0 =	vld [tilespmem:s22+$0xFFFFFE80]  }
0x12e: {  	v1 =	vld [tilespmem:s22+$0xFFFFFE90]  }
0x12f: {  	v2 =	vld [tilespmem:s22+$0xFFFFFEA0];
	v3 =	vadd.s32 s24, v3  }
0x130: {  	v4 =	vld [tilespmem:s22+$0xFFFFFEB0];
	v5 =	vadd.s32 s24, v5  }
0x131: {  	v6 =	vadd.s32 s24, v6  }
0x132: {  	v7 =	vadd.s32 s24, v7;
	v0 =	vmul.f32 $8.000000000e+00, v0  }
0x133: {  	v1 =	vmul.f32 $8.000000000e+00, v1  }
0x134: {  	[tilespmem:v3+s14+$0x0] =	vst.idx.msk $0xffff, v0;
	v0 =	vmul.f32 $8.000000000e+00, v2  }
0x135: {  	v3 =	vld [tilespmem:$0x1FCA0];
	[tilespmem:v5+s14+$0x0] =	vst.idx.msk $0xffff, v1;
	v1 =	vmul.f32 $8.000000000e+00, v4  }
0x136: {  	v5 =	vld [tilespmem:$0x1FCB0];
	[tilespmem:v6+s14+$0x0] =	vst.idx.msk $0xffff, v0  }
0x137: {  	[tilespmem:v7+s14+$0x0] =	vst.idx.msk $0xffff, v1  }
0x138: {  	v0 =	vld [tilespmem:s22+$0xFFFFFEC0]  }
0x139: {  	v1 =	vld [tilespmem:s22+$0xFFFFFED0]  }
0x13a: {  	v2 =	vld [tilespmem:s22+$0xFFFFFEE0];
	v3 =	vadd.s32 s24, v3  }
0x13b: {  	v4 =	vld [tilespmem:s22+$0xFFFFFEF0];
	v5 =	vadd.s32 s24, v5  }
0x13c: {  	v6 =	vadd.s32 s24, v26  }
0x13d: {  	v7 =	vadd.s32 s24, v27;
	v0 =	vmul.f32 $8.000000000e+00, v0  }
0x13e: {  	v1 =	vmul.f32 $8.000000000e+00, v1  }
0x13f: {  	[tilespmem:v3+s14+$0x0] =	vst.idx.msk $0xffff, v0;
	v0 =	vmul.f32 $8.000000000e+00, v2  }
0x140: {  	[tilespmem:v5+s14+$0x0] =	vst.idx.msk $0xffff, v1;
	v1 =	vmul.f32 $8.000000000e+00, v4  }
0x141: {  	[tilespmem:v6+s14+$0x0] =	vst.idx.msk $0xffff, v0  }
0x142: {  	[tilespmem:v7+s14+$0x0] =	vst.idx.msk $0xffff, v1  }
0x143: {  	v0 =	vld [tilespmem:s22+$0xFFFFFF00]  }
0x144: {  	v1 =	vld [tilespmem:s22+$0xFFFFFF10]  }
0x145: {  	v3 =	vadd.s32 s24, v28;
	v2 =	vld [tilespmem:s22+$0xFFFFFF20]  }
0x146: {  	v5 =	vadd.s32 s24, v29;
	v4 =	vld [tilespmem:s22+$0xFFFFFF30]  }
0x147: {  	v6 =	vadd.s32 s24, v30  }
0x148: {  	v7 =	vadd.s32 s24, v31;
	v0 =	vmul.f32 $8.000000000e+00, v0  }
0x149: {  	v1 =	vmul.f32 $8.000000000e+00, v1  }
0x14a: {  	[tilespmem:v3+s14+$0x0] =	vst.idx.msk $0xffff, v0;
	v0 =	vmul.f32 $8.000000000e+00, v2  }
0x14b: {  	[tilespmem:v5+s14+$0x0] =	vst.idx.msk $0xffff, v1;
	v1 =	vmul.f32 $8.000000000e+00, v4  }
0x14c: {  	[tilespmem:v6+s14+$0x0] =	vst.idx.msk $0xffff, v0  }
0x14d: {  	[tilespmem:v7+s14+$0x0] =	vst.idx.msk $0xffff, v1  }
0x14e: {  	v0 =	vld [tilespmem:s22+$0xFFFFFF40]  }
0x14f: {  	v1 =	vld [tilespmem:s22+$0xFFFFFF50]  }
0x150: {  	v3 =	vadd.s32 s24, v32;
	v2 =	vld [tilespmem:s22+$0xFFFFFF60]  }
0x151: {  	v5 =	vadd.s32 s24, v33;
	v4 =	vld [tilespmem:s22+$0xFFFFFF70]  }
0x152: {  	v6 =	vadd.s32 s24, v34  }
0x153: {  	v7 =	vadd.s32 s24, v35;
	v0 =	vmul.f32 $8.000000000e+00, v0  }
0x154: {  	v1 =	vmul.f32 $8.000000000e+00, v1  }
0x155: {  	[tilespmem:v3+s14+$0x0] =	vst.idx.msk $0xffff, v0;
	v0 =	vmul.f32 $8.000000000e+00, v2  }
0x156: {  	[tilespmem:v5+s14+$0x0] =	vst.idx.msk $0xffff, v1;
	v1 =	vmul.f32 $8.000000000e+00, v4  }
0x157: {  	[tilespmem:v6+s14+$0x0] =	vst.idx.msk $0xffff, v0  }
0x158: {  	[tilespmem:v7+s14+$0x0] =	vst.idx.msk $0xffff, v1  }
0x159: {  	v0 =	vld [tilespmem:s22+$0xFFFFFF80]  }
0x15a: {  	v1 =	vld [tilespmem:s22+$0xFFFFFF90]  }
0x15b: {  	v3 =	vadd.s32 s24, v36;
	v2 =	vld [tilespmem:s22+$0xFFFFFFA0]  }
0x15c: {  	v5 =	vadd.s32 s24, v37;
	v4 =	vld [tilespmem:s22+$0xFFFFFFB0]  }
0x15d: {  	v6 =	vadd.s32 s24, v38  }
0x15e: {  	v7 =	vadd.s32 s24, v39;
	v0 =	vmul.f32 $8.000000000e+00, v0  }
0x15f: {  	v1 =	vmul.f32 $8.000000000e+00, v1  }
0x160: {  	[tilespmem:v3+s14+$0x0] =	vst.idx.msk $0xffff, v0;
	v0 =	vmul.f32 $8.000000000e+00, v2  }
0x161: {  	[tilespmem:v5+s14+$0x0] =	vst.idx.msk $0xffff, v1;
	v1 =	vmul.f32 $8.000000000e+00, v4  }
0x162: {  	[tilespmem:v6+s14+$0x0] =	vst.idx.msk $0xffff, v0  }
0x163: {  	[tilespmem:v7+s14+$0x0] =	vst.idx.msk $0xffff, v1  }
0x164: {  	v0 =	vld [tilespmem:s22+$0xFFFFFFC0]  }
0x165: {  	v1 =	vld [tilespmem:s22+$0xFFFFFFD0]  }
0x166: {  	v3 =	vadd.s32 s24, v40;
	v2 =	vld [tilespmem:s22+$0xFFFFFFE0]  }
0x167: {  	v5 =	vadd.s32 s24, v41;
	v4 =	vld [tilespmem:s22+$0xFFFFFFF0]  }
0x168: {  	v6 =	vadd.s32 s24, v42  }
0x169: {  	v7 =	vadd.s32 s24, v43;
	v0 =	vmul.f32 $8.000000000e+00, v0  }
0x16a: {  	v1 =	vmul.f32 $8.000000000e+00, v1  }
0x16b: {  	[tilespmem:v3+s14+$0x0] =	vst.idx.msk $0xffff, v0;
	v0 =	vmul.f32 $8.000000000e+00, v2  }
0x16c: {  	[tilespmem:v5+s14+$0x0] =	vst.idx.msk $0xffff, v1;
	v1 =	vmul.f32 $8.000000000e+00, v4  }
0x16d: {  	[tilespmem:v6+s14+$0x0] =	vst.idx.msk $0xffff, v0  }
0x16e: {  	[tilespmem:v7+s14+$0x0] =	vst.idx.msk $0xffff, v1  }
0x16f: {  	v0 =	vld [tilespmem:s22+$0x0]  }
0x170: {  	v1 =	vld [tilespmem:s22+$0x10]  }
0x171: {  	v3 =	vadd.s32 s24, v44;
	v2 =	vld [tilespmem:s22+$0x20]  }
0x172: {  	v5 =	vadd.s32 s24, v45;
	v4 =	vld [tilespmem:s22+$0x30]  }
0x173: {  	v6 =	vadd.s32 s24, v46  }
0x174: {  	v7 =	vadd.s32 s24, v47;
	v0 =	vmul.f32 $8.000000000e+00, v0  }
0x175: {  	v1 =	vmul.f32 $8.000000000e+00, v1  }
0x176: {  	[tilespmem:v3+s14+$0x0] =	vst.idx.msk $0xffff, v0;
	v0 =	vmul.f32 $8.000000000e+00, v2  }
0x177: {  	[tilespmem:v5+s14+$0x0] =	vst.idx.msk $0xffff, v1;
	v1 =	vmul.f32 $8.000000000e+00, v4  }
0x178: {  	[tilespmem:v6+s14+$0x0] =	vst.idx.msk $0xffff, v0  }
0x179: {  	[tilespmem:v7+s14+$0x0] =	vst.idx.msk $0xffff, v1  }
0x17a: {  	v0 =	vld [tilespmem:s22+$0x40]  }
0x17b: {  	v1 =	vld [tilespmem:s22+$0x50]  }
0x17c: {  	v3 =	vadd.s32 s24, v48;
	v2 =	vld [tilespmem:s22+$0x60]  }
0x17d: {  	v5 =	vadd.s32 s24, v49;
	v4 =	vld [tilespmem:s22+$0x70]  }
0x17e: {  	v6 =	vadd.s32 s24, v50  }
0x17f: {  	v7 =	vadd.s32 s24, v51;
	v0 =	vmul.f32 $8.000000000e+00, v0  }
0x180: {  	v1 =	vmul.f32 $8.000000000e+00, v1  }
0x181: {  	[tilespmem:v3+s14+$0x0] =	vst.idx.msk $0xffff, v0;
	v0 =	vmul.f32 $8.000000000e+00, v2  }
0x182: {  	[tilespmem:v5+s14+$0x0] =	vst.idx.msk $0xffff, v1;
	v1 =	vmul.f32 $8.000000000e+00, v4  }
0x183: {  	[tilespmem:v6+s14+$0x0] =	vst.idx.msk $0xffff, v0  }
0x184: {  	[tilespmem:v7+s14+$0x0] =	vst.idx.msk $0xffff, v1  }
0x185: {  	v0 =	vld [tilespmem:s22+$0x80]  }
0x186: {  	v1 =	vld [tilespmem:s22+$0x90]  }
0x187: {  	v3 =	vadd.s32 s24, v52;
	v2 =	vld [tilespmem:s22+$0xA0]  }
0x188: {  	v5 =	vadd.s32 s24, v53;
	v4 =	vld [tilespmem:s22+$0xB0]  }
0x189: {  	v6 =	vadd.s32 s24, v54  }
0x18a: {  	v7 =	vadd.s32 s24, v55;
	v0 =	vmul.f32 $8.000000000e+00, v0  }
0x18b: {  	v1 =	vmul.f32 $8.000000000e+00, v1  }
0x18c: {  	[tilespmem:v3+s14+$0x0] =	vst.idx.msk $0xffff, v0;
	v0 =	vmul.f32 $8.000000000e+00, v2  }
0x18d: {  	[tilespmem:v5+s14+$0x0] =	vst.idx.msk $0xffff, v1;
	v1 =	vmul.f32 $8.000000000e+00, v4  }
0x18e: {  	[tilespmem:v6+s14+$0x0] =	vst.idx.msk $0xffff, v0  }
0x18f: {  	[tilespmem:v7+s14+$0x0] =	vst.idx.msk $0xffff, v1  }
0x190: {  	v0 =	vld [tilespmem:s22+$0xC0]  }
0x191: {  	v1 =	vld [tilespmem:s22+$0xD0]  }
0x192: {  	v3 =	vadd.s32 s24, v56;
	v2 =	vld [tilespmem:s22+$0xE0]  }
0x193: {  	v5 =	vadd.s32 s24, v57;
	v4 =	vld [tilespmem:s22+$0xF0]  }
0x194: {  	v6 =	vadd.s32 s24, v58  }
0x195: {  	v7 =	vadd.s32 s24, v59;
	v0 =	vmul.f32 $8.000000000e+00, v0  }
0x196: {  	v1 =	vmul.f32 $8.000000000e+00, v1  }
0x197: {  	[tilespmem:v3+s14+$0x0] =	vst.idx.msk $0xffff, v0;
	v0 =	vmul.f32 $8.000000000e+00, v2  }
0x198: {  	[tilespmem:v5+s14+$0x0] =	vst.idx.msk $0xffff, v1;
	v1 =	vmul.f32 $8.000000000e+00, v4  }
0x199: {  	[tilespmem:v6+s14+$0x0] =	vst.idx.msk $0xffff, v0  }
0x19a: {  	[tilespmem:v7+s14+$0x0] =	vst.idx.msk $0xffff, v1  }
0x19b: {  	v0 =	vld [tilespmem:s22+$0x100]  }
0x19c: {  	v1 =	vld [tilespmem:s22+$0x110]  }
0x19d: {  	v3 =	vadd.s32 s24, v60;
	v2 =	vld [tilespmem:s22+$0x120]  }
0x19e: {  	v5 =	vadd.s32 s24, v61;
	v4 =	vld [tilespmem:s22+$0x130]  }
0x19f: {  	v6 =	vadd.s32 s24, v62  }
0x1a0: {  	v7 =	vadd.s32 s24, v63;
	v0 =	vmul.f32 $8.000000000e+00, v0  }
0x1a1: {  	v1 =	vmul.f32 $8.000000000e+00, v1  }
0x1a2: {  	[tilespmem:v3+s14+$0x0] =	vst.idx.msk $0xffff, v0;
	v0 =	vmul.f32 $8.000000000e+00, v2  }
0x1a3: {  	[tilespmem:v5+s14+$0x0] =	vst.idx.msk $0xffff, v1;
	v1 =	vmul.f32 $8.000000000e+00, v4  }
0x1a4: {  	[tilespmem:v6+s14+$0x0] =	vst.idx.msk $0xffff, v0  }
0x1a5: {  	[tilespmem:v7+s14+$0x0] =	vst.idx.msk $0xffff, v1  }
0x1a6: {  	v0 =	vld [tilespmem:s22+$0x140]  }
0x1a7: {  	v1 =	vld [tilespmem:s22+$0x150]  }
0x1a8: {  	v3 =	vadd.s32 s24, v16;
	v2 =	vld [tilespmem:s22+$0x160]  }
0x1a9: {  	v5 =	vadd.s32 s24, v17;
	v4 =	vld [tilespmem:s22+$0x170]  }
0x1aa: {  	v6 =	vadd.s32 s24, v18  }
0x1ab: {  	v7 =	vadd.s32 s24, v19;
	v0 =	vmul.f32 $8.000000000e+00, v0  }
0x1ac: {  	v1 =	vmul.f32 $8.000000000e+00, v1  }
0x1ad: {  	[tilespmem:v3+s14+$0x0] =	vst.idx.msk $0xffff, v0;
	v0 =	vmul.f32 $8.000000000e+00, v2  }
0x1ae: {  	[tilespmem:v5+s14+$0x0] =	vst.idx.msk $0xffff, v1;
	v1 =	vmul.f32 $8.000000000e+00, v4  }
0x1af: {  	[tilespmem:v6+s14+$0x0] =	vst.idx.msk $0xffff, v0  }
0x1b0: {  	[tilespmem:v7+s14+$0x0] =	vst.idx.msk $0xffff, v1  }
0x1b1: {  	v0 =	vld [tilespmem:s22+$0x180]  }
0x1b2: {  	v1 =	vld [tilespmem:s22+$0x190]  }
0x1b3: {  	v3 =	vadd.s32 s24, v20;
	v2 =	vld [tilespmem:s22+$0x1A0]  }
0x1b4: {  	v5 =	vadd.s32 s24, v21;
	v4 =	vld [tilespmem:s22+$0x1B0]  }
0x1b5: {  	v6 =	vadd.s32 s24, v22  }
0x1b6: {  	v7 =	vadd.s32 s24, v23;
	v0 =	vmul.f32 $8.000000000e+00, v0  }
0x1b7: {  	v1 =	vmul.f32 $8.000000000e+00, v1  }
0x1b8: {  	[tilespmem:v3+s14+$0x0] =	vst.idx.msk $0xffff, v0;
	v0 =	vmul.f32 $8.000000000e+00, v2  }
0x1b9: {  	[tilespmem:v5+s14+$0x0] =	vst.idx.msk $0xffff, v1;
	v1 =	vmul.f32 $8.000000000e+00, v4  }
0x1ba: {  	[tilespmem:v6+s14+$0x0] =	vst.idx.msk $0xffff, v0  }
0x1bb: {  	v6 =	vld [tilespmem:$0x1FC00];
	[tilespmem:v7+s14+$0x0] =	vst.idx.msk $0xffff, v1  }
0x1bc: {  	v0 =	vld [tilespmem:s22+$0x1C0];
	_ =	sdelay $0x1  }
0x1bd: {  	v1 =	vld [tilespmem:s22+$0x1D0]  }
0x1be: {  	v3 =	vadd.s32 s24, v24;
	v2 =	vld [tilespmem:s22+$0x1E0]  }
0x1bf: {  	v5 =	vadd.s32 s24, v25;
	v4 =	vld [tilespmem:s22+$0x1F0]  }
0x1c0: {  	p0 =	sne.s32 s23, $0x70;
	v6 =	vadd.s32 s24, v6;
	v7 =	vmul.f32 $8.000000000e+00, v0;
	v0 =	vld [tilespmem:$0x1FC10]  }
.Ltmp0:
0x1c1: {  	_ = 	snop;
	(pc) =	sbr.rel @p0 .LBB2_3-.Ltmp0, $4  }
0x1c2: {  	v1 =	vmul.f32 $8.000000000e+00, v1  }
0x1c3: {  	v2 =	vmul.f32 $8.000000000e+00, v2;
	[tilespmem:v3+s14+$0x0] =	vst.idx.msk $0xffff, v7  }
0x1c4: {  	[tilespmem:v5+s14+$0x0] =	vst.idx.msk $0xffff, v1  }
0x1c5: {  	s23 =	sadd.s32 $0x10, s23;
	v1 =	vmul.f32 $8.000000000e+00, v4;
	[tilespmem:v6+s14+$0x0] =	vst.idx.msk $0xffff, v2;
	v0 =	vadd.s32 s24, v0  }
0x1c6: {  	_ = 	snop  }
0x1c7: {  	s22 =	sshll.u32 s20, $0x13  }
0x1c8: {  	s22 =	sor.u32 s6, s22  }
0x1c9: {  	s22 =	sshrl.u32 s22, $0x3  }
0x1ca: {  	s25 =	simm.s32 $0xA400;
	[tilespmem:v0+s14+$0x0] =	vst.idx.msk $0xffff, v1;
	s23 =	sadd.s32 s1, s22  }
0x1cb: {  	[hbm4b:s23+s3] =	stream.linear.scatter [tilespmem:s25], [sflag:$0x4], $0x80, $0x38;
	[tilespmem:$0xE800] =	vst v63  }
0x1cc: {  	s26 =	simm.s32 $0xA488;
	s24 =	sadd.s32 $0x10, s23  }
0x1cd: {  	[hbm4b:s24+s3] =	stream.linear.scatter [tilespmem:s26], [sflag:$0x4], $0x80, $0x38;
	[tilespmem:$0xE800] =	vst v63  }
0x1ce: {  	s28 =	simm.s32 $0xA510;
	s30 =	simm.s32 $0xA598;
	s29 =	sadd.s32 $0x20, s23  }
0x1cf: {  	[hbm4b:s29+s3] =	stream.linear.scatter [tilespmem:s28], [sflag:$0x4], $0x80, $0x38;
	[tilespmem:$0xE800] =	vst v63  }
0x1d0: {  	s22 =	simm.s32 $0x440;
	s31 =	sadd.s32 $0x30, s23;
	s25 =	simm.s32 $0xA620  }
0x1d1: {  	[hbm4b:s31+s3] =	stream.linear.scatter [tilespmem:s30], [sflag:$0x4], $0x80, $0x38;
	[tilespmem:$0xE800] =	vst v63  }
0x1d2: {  	s26 =	sadd.s32 $0x40, s23;
	s24 =	simm.s32 $0x2200;
	s28 =	simm.s32 $0xA6A8  }
0x1d3: {  	[hbm4b:s26+s3] =	stream.linear.scatter [tilespmem:s25], [sflag:$0x4], $0x80, $0x38;
	[tilespmem:$0xE800] =	vst v63  }
0x1d4: {  	s29 =	sadd.s32 $0x50, s23;
	s30 =	simm.s32 $0xA730;
	s31 =	sadd.s32 $0x60, s23  }
0x1d5: {  	[hbm4b:s29+s3] =	stream.linear.scatter [tilespmem:s28], [sflag:$0x4], $0x80, $0x38;
	[tilespmem:$0xE800] =	vst v63  }
0x1d6: {  	s25 =	simm.s32 $0xA7B8;
	s26 =	sadd.s32 $0x70, s23;
	s23 =	sadd.s32 $0x1000, s23  }
0x1d7: {  	v8 =	vmovc v9;
	v10 =	vmov v11;
	v12 =	vmov v13;
	v14 =	vmov v15;
	[hbm4b:s31+s3] =	stream.linear.scatter [tilespmem:s30], [sflag:$0x4], $0x80, $0x38;
	[tilespmem:$0xE800] =	vst v63  }
.LBB2_5:
0x1d8: {  	[hbm4b:s26+s3] =	stream.linear.scatter [tilespmem:s25], [sflag:$0x4], $0x80, $0x38;
	[tilespmem:$0xE800] =	vst v63  }
0x1d9: {  	s25 =	smov.u32 s22;
	s22 =	smov.u32 s24  }
0x1da: {  	s28 =	sadd.s32 $0x1100, s24;
	s22 =	sshra.s32 s22, $0x2;
	s26 =	sadd.s32 $0xA400, s25  }
0x1db: {  	[hbm4b:s23+s3] =	stream.linear.scatter [tilespmem:s26], [sflag:$0x4], $0x80, $0x38;
	[tilespmem:$0xE800] =	vst v63  }
0x1dc: {  	p0 =	sne.s32 s24, $0x7700;
	s24 =	sadd.s32 $0xA488, s25;
	s26 =	sadd.s32 $0x10, s23  }
0x1dd: {  	[hbm4b:s26+s3] =	stream.linear.scatter [tilespmem:s24], [sflag:$0x4], $0x80, $0x38;
	[tilespmem:$0xE800] =	vst v63  }
0x1de: {  	s24 =	sadd.s32 $0xA510, s25;
	s26 =	sadd.s32 $0x20, s23  }
0x1df: {  	[hbm4b:s26+s3] =	stream.linear.scatter [tilespmem:s24], [sflag:$0x4], $0x80, $0x38;
	[tilespmem:$0xE800] =	vst v63  }
0x1e0: {  	s24 =	sadd.s32 $0xA598, s25;
	s26 =	sadd.s32 $0x30, s23  }
0x1e1: {  	[hbm4b:s26+s3] =	stream.linear.scatter [tilespmem:s24], [sflag:$0x4], $0x80, $0x38;
	[tilespmem:$0xE800] =	vst v63  }
0x1e2: {  	s24 =	sadd.s32 $0xA620, s25;
	s26 =	sadd.s32 $0x40, s23  }
0x1e3: {  	[hbm4b:s26+s3] =	stream.linear.scatter [tilespmem:s24], [sflag:$0x4], $0x80, $0x38;
	[tilespmem:$0xE800] =	vst v63  }
.Ltmp1:
0x1e4: {  	s24 =	sadd.s32 $0xA6A8, s25;
	s26 =	sadd.s32 $0x50, s23;
	(pc) =	sbr.rel @p0 .LBB2_5-.Ltmp1, $4  }
0x1e5: {  	[hbm4b:s26+s3] =	stream.linear.scatter [tilespmem:s24], [sflag:$0x4], $0x80, $0x38;
	[tilespmem:$0xE800] =	vst v63  }
0x1e6: {  	s24 =	sadd.s32 $0xA730, s25;
	s26 =	sadd.s32 $0x60, s23;
	s25 =	sadd.s32 $0xA7B8, s25  }
0x1e7: {  	[hbm4b:s26+s3] =	stream.linear.scatter [tilespmem:s24], [sflag:$0x4], $0x80, $0x38;
	[tilespmem:$0xE800] =	vst v63  }
0x1e8: {  	s26 =	sadd.s32 $0x70, s23;
	s23 =	sadd.s32 $0x1000, s23;
	s24 =	smov.u32 s28  }
0x1e9: {  	[hbm4b:s26+s3] =	stream.linear.scatter [tilespmem:s25], [sflag:$0x4], $0x80, $0x38;
	[tilespmem:$0xE800] =	vst v63  }
0x1ea: {  	s24 =	sadd.s32 $0xA400, s22  }
0x1eb: {  	[hbm4b:s23+s3] =	stream.linear.scatter [tilespmem:s24], [sflag:$0x4], $0x80, $0x38;
	[tilespmem:$0xE800] =	vst v63  }
0x1ec: {  	s28 =	sadd.s32 $0xA488, s22;
	s29 =	sadd.s32 $0x10, s23  }
0x1ed: {  	[hbm4b:s29+s3] =	stream.linear.scatter [tilespmem:s28], [sflag:$0x4], $0x80, $0x38;
	[tilespmem:$0xE800] =	vst v63  }
0x1ee: {  	s30 =	sadd.s32 $0xA510, s22;
	s31 =	sadd.s32 $0x20, s23  }
0x1ef: {  	[hbm4b:s31+s3] =	stream.linear.scatter [tilespmem:s30], [sflag:$0x4], $0x80, $0x38;
	[tilespmem:$0xE800] =	vst v63  }
0x1f0: {  	s25 =	sadd.s32 $0xA598, s22;
	s26 =	sadd.s32 $0x30, s23  }
0x1f1: {  	[hbm4b:s26+s3] =	stream.linear.scatter [tilespmem:s25], [sflag:$0x4], $0x80, $0x38;
	[tilespmem:$0xE800] =	vst v63  }
0x1f2: {  	s28 =	sadd.s32 $0xA620, s22;
	s29 =	sadd.s32 $0x40, s23  }
0x1f3: {  	[hbm4b:s29+s3] =	stream.linear.scatter [tilespmem:s28], [sflag:$0x4], $0x80, $0x38;
	[tilespmem:$0xE800] =	vst v63  }
0x1f4: {  	s30 =	sadd.s32 $0xA6A8, s22;
	s31 =	sadd.s32 $0x50, s23  }
0x1f5: {  	[hbm4b:s31+s3] =	stream.linear.scatter [tilespmem:s30], [sflag:$0x4], $0x80, $0x38;
	[tilespmem:$0xE800] =	vst v63  }
0x1f6: {  	s26 =	sadd.s32 $0xA730, s22;
	s28 =	sadd.s32 $0x60, s23  }
0x1f7: {  	[hbm4b:s28+s3] =	stream.linear.scatter [tilespmem:s26], [sflag:$0x4], $0x80, $0x38;
	[tilespmem:$0xE800] =	vst v63  }
0x1f8: {  	p0 =	seq.s32 s20, $0x63;
	s29 =	sadd.s32 $0xA7B8, s22;
	s30 =	sadd.s32 $0x70, s23  }
0x1f9: {  	[hbm4b:s30+s3] =	stream.linear.scatter [tilespmem:s29], [sflag:$0x4], $0x80, $0x38;
	[tilespmem:$0xE800] =	vst v63  }
0x1fa: {  	p1 =	seq.s32 @!p0 s20, $0x0;
	s22 =	sshll.u32 @!p0 s20, $0x8;
	_ =	swait.ge [sflag:s15], $0x2000  }
0x1fb: {  	s24 =	simm.s32 @!p0 $0x6400;
	s22 =	sand.u32 @!p0 $0x3FFFFF00, s22;
	[sflag:s15] =	ssyncset.done $0x0  }
0x1fc: {  	s22 =	sadd.s32 @!p0 $0x100, s22;
	s23 =	simm.s32 @!p0 $0x80;
	[sflag:s15] =	ssyncadd.s32 $0xFFFFE000  }
0x1fd: {  	[tilespmem:s24], [sflag:$0x2] =	stream.indirect.gather @!p0 [hbm4b:s4+s23], $0x40, s22, s23, $0xb8;
	[tilespmem:$0xE800] =	vst v63  }
0x1fe: {  	p0 =	por p0, !p1  }
0x1ff: {  	_ =	swait.ge @p0 [sflag:s18], $0x2000  }
0x200: {  	[sflag:s18] =	ssyncset.done @p0 $0x0  }
0x201: {  	s22 =	simm.s32 $0x8600;
	[sflag:s18] =	ssyncadd.s32 @p0 $0xFFFFE000  }
0x202: {  	v0 =	vld [tilespmem:s22+$0xFFFFFE00]  }
0x203: {  	s31 =	simm.s32 $0x0;
	v1 =	vld [tilespmem:s22+$0xFFFFFE10]  }
0x204: {  	v3 =	vadd.s32 s31, v9;
	v2 =	vld [tilespmem:s22+$0xFFFFFE20]  }
0x205: {  	v5 =	vadd.s32 s31, v11;
	v4 =	vld [tilespmem:s22+$0xFFFFFE30]  }
0x206: {  	v6 =	vadd.s32 s31, v13  }
0x207: {  	v7 =	vadd.s32 s31, v15;
	v0 =	vmul.f32 $8.000000000e+00, v0  }
0x208: {  	v1 =	vmul.f32 $8.000000000e+00, v1  }
0x209: {  	v43 =	vld [tilespmem:$0x1FC30];
	[tilespmem:v3+s16+$0x0] =	vst.idx.msk $0xffff, v0;
	v0 =	vmul.f32 $8.000000000e+00, v2  }
0x20a: {  	v3 =	vld [tilespmem:$0x1FC20];
	[tilespmem:v5+s16+$0x0] =	vst.idx.msk $0xffff, v1;
	v1 =	vmul.f32 $8.000000000e+00, v4  }
0x20b: {  	[tilespmem:v6+s16+$0x0] =	vst.idx.msk $0xffff, v0;
	v6 =	vld [tilespmem:$0x1FC40]  }
0x20c: {  	[tilespmem:v7+s16+$0x0] =	vst.idx.msk $0xffff, v1;
	v7 =	vld [tilespmem:$0x1FC50]  }
0x20d: {  	v0 =	vld [tilespmem:s22+$0xFFFFFE40]  }
0x20e: {  	v1 =	vld [tilespmem:s22+$0xFFFFFE50]  }
0x20f: {  	v2 =	vld [tilespmem:s22+$0xFFFFFE60];
	v3 =	vadd.s32 s31, v3  }
0x210: {  	v5 =	vadd.s32 s31, v43;
	v42 =	vld [tilespmem:s22+$0xFFFFFE70]  }
0x211: {  	v6 =	vadd.s32 s31, v6  }
0x212: {  	v7 =	vadd.s32 s31, v7;
	v0 =	vmul.f32 $8.000000000e+00, v0  }
0x213: {  	v1 =	vmul.f32 $8.000000000e+00, v1  }
0x214: {  	v45 =	vld [tilespmem:$0x1FC70];
	[tilespmem:v3+s16+$0x0] =	vst.idx.msk $0xffff, v0;
	v0 =	vmul.f32 $8.000000000e+00, v2  }
0x215: {  	v3 =	vld [tilespmem:$0x1FC60];
	[tilespmem:v5+s16+$0x0] =	vst.idx.msk $0xffff, v1;
	v1 =	vmul.f32 $8.000000000e+00, v42  }
0x216: {  	[tilespmem:v6+s16+$0x0] =	vst.idx.msk $0xffff, v0;
	v6 =	vld [tilespmem:$0x1FC80]  }
0x217: {  	[tilespmem:v7+s16+$0x0] =	vst.idx.msk $0xffff, v1;
	v7 =	vld [tilespmem:$0x1FC90]  }
0x218: {  	v0 =	vld [tilespmem:s22+$0xFFFFFE80]  }
0x219: {  	v1 =	vld [tilespmem:s22+$0xFFFFFE90]  }
0x21a: {  	v2 =	vld [tilespmem:s22+$0xFFFFFEA0];
	v3 =	vadd.s32 s31, v3  }
0x21b: {  	v5 =	vadd.s32 s31, v45;
	v44 =	vld [tilespmem:s22+$0xFFFFFEB0]  }
0x21c: {  	v6 =	vadd.s32 s31, v6  }
0x21d: {  	v7 =	vadd.s32 s31, v7;
	v0 =	vmul.f32 $8.000000000e+00, v0  }
0x21e: {  	v1 =	vmul.f32 $8.000000000e+00, v1  }
0x21f: {  	v24 =	vld [tilespmem:$0x1FCA0];
	[tilespmem:v3+s16+$0x0] =	vst.idx.msk $0xffff, v0;
	v0 =	vmul.f32 $8.000000000e+00, v2  }
0x220: {  	v25 =	vld [tilespmem:$0x1FCB0];
	[tilespmem:v5+s16+$0x0] =	vst.idx.msk $0xffff, v1;
	v1 =	vmul.f32 $8.000000000e+00, v44  }
0x221: {  	v26 =	vld [tilespmem:$0x1FCC0];
	[tilespmem:v6+s16+$0x0] =	vst.idx.msk $0xffff, v0  }
0x222: {  	v27 =	vld [tilespmem:$0x1FCD0];
	[tilespmem:v7+s16+$0x0] =	vst.idx.msk $0xffff, v1  }
0x223: {  	v0 =	vld [tilespmem:s22+$0xFFFFFEC0]  }
0x224: {  	v1 =	vld [tilespmem:s22+$0xFFFFFED0]  }
0x225: {  	v3 =	vadd.s32 s31, v24;
	v2 =	vld [tilespmem:s22+$0xFFFFFEE0]  }
0x226: {  	v47 =	vadd.s32 s31, v25;
	v46 =	vld [tilespmem:s22+$0xFFFFFEF0]  }
0x227: {  	v6 =	vadd.s32 s31, v26  }
0x228: {  	v7 =	vadd.s32 s31, v27;
	v0 =	vmul.f32 $8.000000000e+00, v0  }
0x229: {  	v1 =	vmul.f32 $8.000000000e+00, v1  }
0x22a: {  	v28 =	vld [tilespmem:$0x1FCE0];
	[tilespmem:v3+s16+$0x0] =	vst.idx.msk $0xffff, v0;
	v0 =	vmul.f32 $8.000000000e+00, v2  }
0x22b: {  	v29 =	vld [tilespmem:$0x1FCF0];
	[tilespmem:v47+s16+$0x0] =	vst.idx.msk $0xffff, v1;
	v1 =	vmul.f32 $8.000000000e+00, v46  }
0x22c: {  	v30 =	vld [tilespmem:$0x1FD00];
	[tilespmem:v6+s16+$0x0] =	vst.idx.msk $0xffff, v0  }
0x22d: {  	v31 =	vld [tilespmem:$0x1FD10];
	[tilespmem:v7+s16+$0x0] =	vst.idx.msk $0xffff, v1  }
0x22e: {  	v0 =	vld [tilespmem:s22+$0xFFFFFF00]  }
0x22f: {  	v1 =	vld [tilespmem:s22+$0xFFFFFF10]  }
0x230: {  	v3 =	vadd.s32 s31, v28;
	v2 =	vld [tilespmem:s22+$0xFFFFFF20]  }
0x231: {  	v49 =	vadd.s32 s31, v29;
	v48 =	vld [tilespmem:s22+$0xFFFFFF30]  }
0x232: {  	v6 =	vadd.s32 s31, v30  }
0x233: {  	v7 =	vadd.s32 s31, v31;
	v0 =	vmul.f32 $8.000000000e+00, v0  }
0x234: {  	v1 =	vmul.f32 $8.000000000e+00, v1  }
0x235: {  	v32 =	vld [tilespmem:$0x1FD20];
	[tilespmem:v3+s16+$0x0] =	vst.idx.msk $0xffff, v0;
	v0 =	vmul.f32 $8.000000000e+00, v2  }
0x236: {  	v33 =	vld [tilespmem:$0x1FD30];
	[tilespmem:v49+s16+$0x0] =	vst.idx.msk $0xffff, v1;
	v1 =	vmul.f32 $8.000000000e+00, v48  }
0x237: {  	v34 =	vld [tilespmem:$0x1FD40];
	[tilespmem:v6+s16+$0x0] =	vst.idx.msk $0xffff, v0  }
0x238: {  	v35 =	vld [tilespmem:$0x1FD50];
	[tilespmem:v7+s16+$0x0] =	vst.idx.msk $0xffff, v1  }
0x239: {  	v0 =	vld [tilespmem:s22+$0xFFFFFF40]  }
0x23a: {  	v1 =	vld [tilespmem:s22+$0xFFFFFF50]  }
0x23b: {  	v3 =	vadd.s32 s31, v32;
	v2 =	vld [tilespmem:s22+$0xFFFFFF60]  }
0x23c: {  	v51 =	vadd.s32 s31, v33;
	v50 =	vld [tilespmem:s22+$0xFFFFFF70]  }
0x23d: {  	v6 =	vadd.s32 s31, v34  }
0x23e: {  	v7 =	vadd.s32 s31, v35;
	v0 =	vmul.f32 $8.000000000e+00, v0  }
0x23f: {  	v1 =	vmul.f32 $8.000000000e+00, v1  }
0x240: {  	v36 =	vld [tilespmem:$0x1FD60];
	[tilespmem:v3+s16+$0x0] =	vst.idx.msk $0xffff, v0;
	v0 =	vmul.f32 $8.000000000e+00, v2  }
0x241: {  	v37 =	vld [tilespmem:$0x1FD70];
	[tilespmem:v51+s16+$0x0] =	vst.idx.msk $0xffff, v1;
	v1 =	vmul.f32 $8.000000000e+00, v50  }
0x242: {  	v38 =	vld [tilespmem:$0x1FD80];
	[tilespmem:v6+s16+$0x0] =	vst.idx.msk $0xffff, v0  }
0x243: {  	v39 =	vld [tilespmem:$0x1FD90];
	[tilespmem:v7+s16+$0x0] =	vst.idx.msk $0xffff, v1  }
0x244: {  	v0 =	vld [tilespmem:s22+$0xFFFFFF80]  }
0x245: {  	v1 =	vld [tilespmem:s22+$0xFFFFFF90]  }
0x246: {  	v3 =	vadd.s32 s31, v36;
	v2 =	vld [tilespmem:s22+$0xFFFFFFA0]  }
0x247: {  	v53 =	vadd.s32 s31, v37;
	v52 =	vld [tilespmem:s22+$0xFFFFFFB0]  }
0x248: {  	v6 =	vadd.s32 s31, v38  }
0x249: {  	v7 =	vadd.s32 s31, v39;
	v0 =	vmul.f32 $8.000000000e+00, v0  }
0x24a: {  	v1 =	vmul.f32 $8.000000000e+00, v1  }
0x24b: {  	v40 =	vld [tilespmem:$0x1FDA0];
	[tilespmem:v3+s16+$0x0] =	vst.idx.msk $0xffff, v0;
	v0 =	vmul.f32 $8.000000000e+00, v2  }
0x24c: {  	v41 =	vld [tilespmem:$0x1FDB0];
	[tilespmem:v53+s16+$0x0] =	vst.idx.msk $0xffff, v1;
	v1 =	vmul.f32 $8.000000000e+00, v52  }
0x24d: {  	v43 =	vld [tilespmem:$0x1FDD0];
	[tilespmem:v6+s16+$0x0] =	vst.idx.msk $0xffff, v0  }
0x24e: {  	v42 =	vld [tilespmem:$0x1FDC0];
	[tilespmem:v7+s16+$0x0] =	vst.idx.msk $0xffff, v1  }
0x24f: {  	v0 =	vld [tilespmem:s22+$0xFFFFFFC0]  }
0x250: {  	v1 =	vld [tilespmem:s22+$0xFFFFFFD0]  }
0x251: {  	v3 =	vadd.s32 s31, v40;
	v2 =	vld [tilespmem:s22+$0xFFFFFFE0]  }
0x252: {  	v55 =	vadd.s32 s31, v41;
	v54 =	vld [tilespmem:s22+$0xFFFFFFF0]  }
0x253: {  	v6 =	vadd.s32 s31, v42  }
0x254: {  	v7 =	vadd.s32 s31, v43;
	v0 =	vmul.f32 $8.000000000e+00, v0  }
0x255: {  	v1 =	vmul.f32 $8.000000000e+00, v1  }
0x256: {  	v45 =	vld [tilespmem:$0x1FDF0];
	[tilespmem:v3+s16+$0x0] =	vst.idx.msk $0xffff, v0;
	v0 =	vmul.f32 $8.000000000e+00, v2  }
0x257: {  	v44 =	vld [tilespmem:$0x1FDE0];
	[tilespmem:v55+s16+$0x0] =	vst.idx.msk $0xffff, v1;
	v1 =	vmul.f32 $8.000000000e+00, v54  }
0x258: {  	v46 =	vld [tilespmem:$0x1FE00];
	[tilespmem:v6+s16+$0x0] =	vst.idx.msk $0xffff, v0  }
0x259: {  	v47 =	vld [tilespmem:$0x1FE10];
	[tilespmem:v7+s16+$0x0] =	vst.idx.msk $0xffff, v1  }
0x25a: {  	v0 =	vld [tilespmem:s22+$0x0]  }
0x25b: {  	v1 =	vld [tilespmem:s22+$0x10]  }
0x25c: {  	v3 =	vadd.s32 s31, v44;
	v2 =	vld [tilespmem:s22+$0x20]  }
0x25d: {  	v57 =	vadd.s32 s31, v45;
	v56 =	vld [tilespmem:s22+$0x30]  }
0x25e: {  	v6 =	vadd.s32 s31, v46  }
0x25f: {  	v7 =	vadd.s32 s31, v47;
	v0 =	vmul.f32 $8.000000000e+00, v0  }
0x260: {  	v1 =	vmul.f32 $8.000000000e+00, v1  }
0x261: {  	v48 =	vld [tilespmem:$0x1FE20];
	[tilespmem:v3+s16+$0x0] =	vst.idx.msk $0xffff, v0;
	v0 =	vmul.f32 $8.000000000e+00, v2  }
0x262: {  	v49 =	vld [tilespmem:$0x1FE30];
	[tilespmem:v57+s16+$0x0] =	vst.idx.msk $0xffff, v1;
	v1 =	vmul.f32 $8.000000000e+00, v56  }
0x263: {  	v50 =	vld [tilespmem:$0x1FE40];
	[tilespmem:v6+s16+$0x0] =	vst.idx.msk $0xffff, v0  }
0x264: {  	v51 =	vld [tilespmem:$0x1FE50];
	[tilespmem:v7+s16+$0x0] =	vst.idx.msk $0xffff, v1  }
0x265: {  	v0 =	vld [tilespmem:s22+$0x40]  }
0x266: {  	v1 =	vld [tilespmem:s22+$0x50]  }
0x267: {  	v3 =	vadd.s32 s31, v48;
	v2 =	vld [tilespmem:s22+$0x60]  }
0x268: {  	v59 =	vadd.s32 s31, v49;
	v58 =	vld [tilespmem:s22+$0x70]  }
0x269: {  	v6 =	vadd.s32 s31, v50  }
0x26a: {  	v7 =	vadd.s32 s31, v51;
	v0 =	vmul.f32 $8.000000000e+00, v0  }
0x26b: {  	v1 =	vmul.f32 $8.000000000e+00, v1  }
0x26c: {  	v52 =	vld [tilespmem:$0x1FE60];
	[tilespmem:v3+s16+$0x0] =	vst.idx.msk $0xffff, v0;
	v0 =	vmul.f32 $8.000000000e+00, v2  }
0x26d: {  	v53 =	vld [tilespmem:$0x1FE70];
	[tilespmem:v59+s16+$0x0] =	vst.idx.msk $0xffff, v1;
	v1 =	vmul.f32 $8.000000000e+00, v58  }
0x26e: {  	v54 =	vld [tilespmem:$0x1FE80];
	[tilespmem:v6+s16+$0x0] =	vst.idx.msk $0xffff, v0  }
0x26f: {  	v55 =	vld [tilespmem:$0x1FE90];
	[tilespmem:v7+s16+$0x0] =	vst.idx.msk $0xffff, v1  }
0x270: {  	v0 =	vld [tilespmem:s22+$0x80]  }
0x271: {  	v1 =	vld [tilespmem:s22+$0x90]  }
0x272: {  	v3 =	vadd.s32 s31, v52;
	v2 =	vld [tilespmem:s22+$0xA0]  }
0x273: {  	v61 =	vadd.s32 s31, v53;
	v60 =	vld [tilespmem:s22+$0xB0]  }
0x274: {  	v6 =	vadd.s32 s31, v54  }
0x275: {  	v7 =	vadd.s32 s31, v55;
	v0 =	vmul.f32 $8.000000000e+00, v0  }
0x276: {  	v1 =	vmul.f32 $8.000000000e+00, v1  }
0x277: {  	v56 =	vld [tilespmem:$0x1FEA0];
	[tilespmem:v3+s16+$0x0] =	vst.idx.msk $0xffff, v0;
	v0 =	vmul.f32 $8.000000000e+00, v2  }
0x278: {  	v57 =	vld [tilespmem:$0x1FEB0];
	[tilespmem:v61+s16+$0x0] =	vst.idx.msk $0xffff, v1;
	v1 =	vmul.f32 $8.000000000e+00, v60  }
0x279: {  	v58 =	vld [tilespmem:$0x1FEC0];
	[tilespmem:v6+s16+$0x0] =	vst.idx.msk $0xffff, v0  }
0x27a: {  	v59 =	vld [tilespmem:$0x1FED0];
	[tilespmem:v7+s16+$0x0] =	vst.idx.msk $0xffff, v1  }
0x27b: {  	v0 =	vld [tilespmem:s22+$0xC0]  }
0x27c: {  	v1 =	vld [tilespmem:s22+$0xD0]  }
0x27d: {  	v3 =	vadd.s32 s31, v56;
	v2 =	vld [tilespmem:s22+$0xE0]  }
0x27e: {  	v63 =	vadd.s32 s31, v57;
	v62 =	vld [tilespmem:s22+$0xF0]  }
0x27f: {  	v6 =	vadd.s32 s31, v58  }
0x280: {  	v7 =	vadd.s32 s31, v59;
	v0 =	vmul.f32 $8.000000000e+00, v0  }
0x281: {  	v1 =	vmul.f32 $8.000000000e+00, v1  }
0x282: {  	v60 =	vld [tilespmem:$0x1FEE0];
	[tilespmem:v3+s16+$0x0] =	vst.idx.msk $0xffff, v0;
	v0 =	vmul.f32 $8.000000000e+00, v2  }
0x283: {  	v61 =	vld [tilespmem:$0x1FEF0];
	[tilespmem:v63+s16+$0x0] =	vst.idx.msk $0xffff, v1;
	v1 =	vmul.f32 $8.000000000e+00, v62  }
0x284: {  	v62 =	vld [tilespmem:$0x1FF00];
	[tilespmem:v6+s16+$0x0] =	vst.idx.msk $0xffff, v0  }
0x285: {  	v63 =	vld [tilespmem:$0x1FF10];
	[tilespmem:v7+s16+$0x0] =	vst.idx.msk $0xffff, v1  }
0x286: {  	v0 =	vld [tilespmem:s22+$0x100]  }
0x287: {  	v1 =	vld [tilespmem:s22+$0x110]  }
0x288: {  	v3 =	vadd.s32 s31, v60;
	v2 =	vld [tilespmem:s22+$0x120]  }
0x289: {  	v5 =	vadd.s32 s31, v61;
	v4 =	vld [tilespmem:s22+$0x130]  }
0x28a: {  	v6 =	vadd.s32 s31, v62  }
0x28b: {  	v7 =	vadd.s32 s31, v63;
	v0 =	vmul.f32 $8.000000000e+00, v0  }
0x28c: {  	v1 =	vmul.f32 $8.000000000e+00, v1  }
0x28d: {  	v16 =	vld [tilespmem:$0x1FF20];
	[tilespmem:v3+s16+$0x0] =	vst.idx.msk $0xffff, v0;
	v0 =	vmul.f32 $8.000000000e+00, v2  }
0x28e: {  	v9 =	vld [tilespmem:$0x1FF30];
	[tilespmem:v5+s16+$0x0] =	vst.idx.msk $0xffff, v1;
	v1 =	vmul.f32 $8.000000000e+00, v4  }
0x28f: {  	v11 =	vld [tilespmem:$0x1FF40];
	[tilespmem:v6+s16+$0x0] =	vst.idx.msk $0xffff, v0  }
0x290: {  	v13 =	vld [tilespmem:$0x1FF50];
	[tilespmem:v7+s16+$0x0] =	vst.idx.msk $0xffff, v1  }
0x291: {  	v0 =	vld [tilespmem:s22+$0x140]  }
0x292: {  	v1 =	vld [tilespmem:s22+$0x150]  }
0x293: {  	v3 =	vadd.s32 s31, v16;
	v2 =	vld [tilespmem:s22+$0x160]  }
0x294: {  	v5 =	vadd.s32 s31, v9;
	v4 =	vld [tilespmem:s22+$0x170]  }
0x295: {  	v6 =	vadd.s32 s31, v11  }
0x296: {  	v7 =	vadd.s32 s31, v13;
	v0 =	vmul.f32 $8.000000000e+00, v0  }
0x297: {  	v1 =	vmul.f32 $8.000000000e+00, v1  }
0x298: {  	v15 =	vld [tilespmem:$0x1FF60];
	[tilespmem:v3+s16+$0x0] =	vst.idx.msk $0xffff, v0;
	v0 =	vmul.f32 $8.000000000e+00, v2  }
0x299: {  	v17 =	vld [tilespmem:$0x1FF70];
	[tilespmem:v5+s16+$0x0] =	vst.idx.msk $0xffff, v1;
	v1 =	vmul.f32 $8.000000000e+00, v4  }
0x29a: {  	v18 =	vld [tilespmem:$0x1FF80];
	[tilespmem:v6+s16+$0x0] =	vst.idx.msk $0xffff, v0  }
0x29b: {  	v19 =	vld [tilespmem:$0x1FF90];
	[tilespmem:v7+s16+$0x0] =	vst.idx.msk $0xffff, v1  }
0x29c: {  	v0 =	vld [tilespmem:s22+$0x180]  }
0x29d: {  	v1 =	vld [tilespmem:s22+$0x190]  }
0x29e: {  	v3 =	vadd.s32 s31, v15;
	v2 =	vld [tilespmem:s22+$0x1A0]  }
0x29f: {  	v5 =	vadd.s32 s31, v17;
	v4 =	vld [tilespmem:s22+$0x1B0]  }
0x2a0: {  	v6 =	vadd.s32 s31, v18  }
0x2a1: {  	v7 =	vadd.s32 s31, v19;
	v0 =	vmul.f32 $8.000000000e+00, v0  }
0x2a2: {  	v1 =	vmul.f32 $8.000000000e+00, v1  }
0x2a3: {  	[tilespmem:v3+s16+$0x0] =	vst.idx.msk $0xffff, v0;
	v0 =	vmul.f32 $8.000000000e+00, v2  }
0x2a4: {  	v20 =	vld [tilespmem:$0x1FFA0];
	[tilespmem:v5+s16+$0x0] =	vst.idx.msk $0xffff, v1;
	v1 =	vmul.f32 $8.000000000e+00, v4  }
0x2a5: {  	v21 =	vld [tilespmem:$0x1FFB0];
	[tilespmem:v6+s16+$0x0] =	vst.idx.msk $0xffff, v0  }
0x2a6: {  	v22 =	vld [tilespmem:$0x1FC00];
	[tilespmem:v7+s16+$0x0] =	vst.idx.msk $0xffff, v1  }
0x2a7: {  	v0 =	vld [tilespmem:s22+$0x1C0]  }
0x2a8: {  	v1 =	vld [tilespmem:s22+$0x1D0]  }
0x2a9: {  	v3 =	vadd.s32 s31, v20;
	v2 =	vld [tilespmem:s22+$0x1E0]  }
0x2aa: {  	v23 =	vld [tilespmem:$0x1FC10];
	v4 =	vadd.s32 s31, v21  }
0x2ab: {  	v6 =	vadd.s32 s31, v22;
	v5 =	vld [tilespmem:s22+$0x1F0]  }
0x2ac: {  	v0 =	vmul.f32 $8.000000000e+00, v0  }
0x2ad: {  	v1 =	vmul.f32 $8.000000000e+00, v1  }
0x2ae: {  	[tilespmem:v3+s16+$0x0] =	vst.idx.msk $0xffff, v0;
	v0 =	vmul.f32 $8.000000000e+00, v2  }
0x2af: {  	[tilespmem:v4+s16+$0x0] =	vst.idx.msk $0xffff, v1  }
0x2b0: {  	s23 =	simm.s32 $0x10;
	v1 =	vmul.f32 $8.000000000e+00, v5;
	[tilespmem:v6+s16+$0x0] =	vst.idx.msk $0xffff, v0;
	v0 =	vadd.s32 s31, v23  }
.LBB2_7:
0x2b1: {  	_ = 	snop  }
0x2b2: {  	v3 =	vld [tilespmem:$0x1FFC0]  }
0x2b3: {  	v5 =	vld [tilespmem:$0x1FFD0]  }
0x2b4: {  	v6 =	vld [tilespmem:$0x1FFE0]  }
0x2b5: {  	s22 =	sadd.s32 $0x400, s22;
	v7 =	vld [tilespmem:$0x1FFF0];
	[tilespmem:v0+s16+$0x0] =	vst.idx.msk $0xffff, v1  }
0x2b6: {  	v0 =	vld [tilespmem:s22+$0xFFFFFE00]  }
0x2b7: {  	s24 =	smov.u32 s23;
	v1 =	vld [tilespmem:s22+$0xFFFFFE10]  }
0x2b8: {  	v2 =	vld [tilespmem:s22+$0xFFFFFE20];
	v3 =	vadd.s32 s24, v3  }
0x2b9: {  	v4 =	vld [tilespmem:s22+$0xFFFFFE30];
	v5 =	vadd.s32 s24, v5  }
0x2ba: {  	v6 =	vadd.s32 s24, v6  }
0x2bb: {  	v7 =	vadd.s32 s24, v7;
	v0 =	vmul.f32 $8.000000000e+00, v0  }
0x2bc: {  	v1 =	vmul.f32 $8.000000000e+00, v1  }
0x2bd: {  	[tilespmem:v3+s16+$0x0] =	vst.idx.msk $0xffff, v0;
	v0 =	vmul.f32 $8.000000000e+00, v2;
	v3 =	vld [tilespmem:$0x1FC20]  }
0x2be: {  	[tilespmem:v5+s16+$0x0] =	vst.idx.msk $0xffff, v1;
	v1 =	vmul.f32 $8.000000000e+00, v4;
	v5 =	vld [tilespmem:$0x1FC30]  }
0x2bf: {  	[tilespmem:v6+s16+$0x0] =	vst.idx.msk $0xffff, v0;
	v6 =	vld [tilespmem:$0x1FC40]  }
0x2c0: {  	[tilespmem:v7+s16+$0x0] =	vst.idx.msk $0xffff, v1;
	v7 =	vld [tilespmem:$0x1FC50]  }
0x2c1: {  	v0 =	vld [tilespmem:s22+$0xFFFFFE40]  }
0x2c2: {  	v1 =	vld [tilespmem:s22+$0xFFFFFE50]  }
0x2c3: {  	v2 =	vld [tilespmem:s22+$0xFFFFFE60];
	v3 =	vadd.s32 s24, v3  }
0x2c4: {  	v4 =	vld [tilespmem:s22+$0xFFFFFE70];
	v5 =	vadd.s32 s24, v5  }
0x2c5: {  	v6 =	vadd.s32 s24, v6  }
0x2c6: {  	v7 =	vadd.s32 s24, v7;
	v0 =	vmul.f32 $8.000000000e+00, v0  }
0x2c7: {  	v1 =	vmul.f32 $8.000000000e+00, v1  }
0x2c8: {  	[tilespmem:v3+s16+$0x0] =	vst.idx.msk $0xffff, v0;
	v0 =	vmul.f32 $8.000000000e+00, v2;
	v3 =	vld [tilespmem:$0x1FC60]  }
0x2c9: {  	[tilespmem:v5+s16+$0x0] =	vst.idx.msk $0xffff, v1;
	v1 =	vmul.f32 $8.000000000e+00, v4;
	v5 =	vld [tilespmem:$0x1FC70]  }
0x2ca: {  	[tilespmem:v6+s16+$0x0] =	vst.idx.msk $0xffff, v0;
	v6 =	vld [tilespmem:$0x1FC80]  }
0x2cb: {  	[tilespmem:v7+s16+$0x0] =	vst.idx.msk $0xffff, v1;
	v7 =	vld [tilespmem:$0x1FC90]  }
0x2cc: {  	v0 =	vld [tilespmem:s22+$0xFFFFFE80]  }
0x2cd: {  	v1 =	vld [tilespmem:s22+$0xFFFFFE90]  }
0x2ce: {  	v2 =	vld [tilespmem:s22+$0xFFFFFEA0];
	v3 =	vadd.s32 s24, v3  }
0x2cf: {  	v4 =	vld [tilespmem:s22+$0xFFFFFEB0];
	v5 =	vadd.s32 s24, v5  }
0x2d0: {  	v6 =	vadd.s32 s24, v6  }
0x2d1: {  	v7 =	vadd.s32 s24, v7;
	v0 =	vmul.f32 $8.000000000e+00, v0  }
0x2d2: {  	v1 =	vmul.f32 $8.000000000e+00, v1  }
0x2d3: {  	[tilespmem:v3+s16+$0x0] =	vst.idx.msk $0xffff, v0;
	v0 =	vmul.f32 $8.000000000e+00, v2  }
0x2d4: {  	[tilespmem:v5+s16+$0x0] =	vst.idx.msk $0xffff, v1;
	v1 =	vmul.f32 $8.000000000e+00, v4  }
0x2d5: {  	[tilespmem:v6+s16+$0x0] =	vst.idx.msk $0xffff, v0  }
0x2d6: {  	[tilespmem:v7+s16+$0x0] =	vst.idx.msk $0xffff, v1  }
0x2d7: {  	v0 =	vld [tilespmem:s22+$0xFFFFFEC0]  }
0x2d8: {  	v1 =	vld [tilespmem:s22+$0xFFFFFED0]  }
0x2d9: {  	v3 =	vadd.s32 s24, v24;
	v2 =	vld [tilespmem:s22+$0xFFFFFEE0]  }
0x2da: {  	v5 =	vadd.s32 s24, v25;
	v4 =	vld [tilespmem:s22+$0xFFFFFEF0]  }
0x2db: {  	v6 =	vadd.s32 s24, v26  }
0x2dc: {  	v7 =	vadd.s32 s24, v27;
	v0 =	vmul.f32 $8.000000000e+00, v0  }
0x2dd: {  	v1 =	vmul.f32 $8.000000000e+00, v1  }
0x2de: {  	[tilespmem:v3+s16+$0x0] =	vst.idx.msk $0xffff, v0;
	v0 =	vmul.f32 $8.000000000e+00, v2  }
0x2df: {  	[tilespmem:v5+s16+$0x0] =	vst.idx.msk $0xffff, v1;
	v1 =	vmul.f32 $8.000000000e+00, v4  }
0x2e0: {  	[tilespmem:v6+s16+$0x0] =	vst.idx.msk $0xffff, v0  }
0x2e1: {  	[tilespmem:v7+s16+$0x0] =	vst.idx.msk $0xffff, v1  }
0x2e2: {  	v0 =	vld [tilespmem:s22+$0xFFFFFF00]  }
0x2e3: {  	v1 =	vld [tilespmem:s22+$0xFFFFFF10]  }
0x2e4: {  	v3 =	vadd.s32 s24, v28;
	v2 =	vld [tilespmem:s22+$0xFFFFFF20]  }
0x2e5: {  	v5 =	vadd.s32 s24, v29;
	v4 =	vld [tilespmem:s22+$0xFFFFFF30]  }
0x2e6: {  	v6 =	vadd.s32 s24, v30  }
0x2e7: {  	v7 =	vadd.s32 s24, v31;
	v0 =	vmul.f32 $8.000000000e+00, v0  }
0x2e8: {  	v1 =	vmul.f32 $8.000000000e+00, v1  }
0x2e9: {  	[tilespmem:v3+s16+$0x0] =	vst.idx.msk $0xffff, v0;
	v0 =	vmul.f32 $8.000000000e+00, v2  }
0x2ea: {  	[tilespmem:v5+s16+$0x0] =	vst.idx.msk $0xffff, v1;
	v1 =	vmul.f32 $8.000000000e+00, v4  }
0x2eb: {  	[tilespmem:v6+s16+$0x0] =	vst.idx.msk $0xffff, v0  }
0x2ec: {  	[tilespmem:v7+s16+$0x0] =	vst.idx.msk $0xffff, v1  }
0x2ed: {  	v0 =	vld [tilespmem:s22+$0xFFFFFF40]  }
0x2ee: {  	v1 =	vld [tilespmem:s22+$0xFFFFFF50]  }
0x2ef: {  	v3 =	vadd.s32 s24, v32;
	v2 =	vld [tilespmem:s22+$0xFFFFFF60]  }
0x2f0: {  	v5 =	vadd.s32 s24, v33;
	v4 =	vld [tilespmem:s22+$0xFFFFFF70]  }
0x2f1: {  	v6 =	vadd.s32 s24, v34  }
0x2f2: {  	v7 =	vadd.s32 s24, v35;
	v0 =	vmul.f32 $8.000000000e+00, v0  }
0x2f3: {  	v1 =	vmul.f32 $8.000000000e+00, v1  }
0x2f4: {  	[tilespmem:v3+s16+$0x0] =	vst.idx.msk $0xffff, v0;
	v0 =	vmul.f32 $8.000000000e+00, v2  }
0x2f5: {  	[tilespmem:v5+s16+$0x0] =	vst.idx.msk $0xffff, v1;
	v1 =	vmul.f32 $8.000000000e+00, v4  }
0x2f6: {  	[tilespmem:v6+s16+$0x0] =	vst.idx.msk $0xffff, v0  }
0x2f7: {  	[tilespmem:v7+s16+$0x0] =	vst.idx.msk $0xffff, v1  }
0x2f8: {  	v0 =	vld [tilespmem:s22+$0xFFFFFF80]  }
0x2f9: {  	v1 =	vld [tilespmem:s22+$0xFFFFFF90]  }
0x2fa: {  	v3 =	vadd.s32 s24, v36;
	v2 =	vld [tilespmem:s22+$0xFFFFFFA0]  }
0x2fb: {  	v5 =	vadd.s32 s24, v37;
	v4 =	vld [tilespmem:s22+$0xFFFFFFB0]  }
0x2fc: {  	v6 =	vadd.s32 s24, v38  }
0x2fd: {  	v7 =	vadd.s32 s24, v39;
	v0 =	vmul.f32 $8.000000000e+00, v0  }
0x2fe: {  	v1 =	vmul.f32 $8.000000000e+00, v1  }
0x2ff: {  	[tilespmem:v3+s16+$0x0] =	vst.idx.msk $0xffff, v0;
	v0 =	vmul.f32 $8.000000000e+00, v2  }
0x300: {  	[tilespmem:v5+s16+$0x0] =	vst.idx.msk $0xffff, v1;
	v1 =	vmul.f32 $8.000000000e+00, v4  }
0x301: {  	[tilespmem:v6+s16+$0x0] =	vst.idx.msk $0xffff, v0  }
0x302: {  	[tilespmem:v7+s16+$0x0] =	vst.idx.msk $0xffff, v1  }
0x303: {  	v0 =	vld [tilespmem:s22+$0xFFFFFFC0]  }
0x304: {  	v1 =	vld [tilespmem:s22+$0xFFFFFFD0]  }
0x305: {  	v3 =	vadd.s32 s24, v40;
	v2 =	vld [tilespmem:s22+$0xFFFFFFE0]  }
0x306: {  	v5 =	vadd.s32 s24, v41;
	v4 =	vld [tilespmem:s22+$0xFFFFFFF0]  }
0x307: {  	v6 =	vadd.s32 s24, v42  }
0x308: {  	v7 =	vadd.s32 s24, v43;
	v0 =	vmul.f32 $8.000000000e+00, v0  }
0x309: {  	v1 =	vmul.f32 $8.000000000e+00, v1  }
0x30a: {  	[tilespmem:v3+s16+$0x0] =	vst.idx.msk $0xffff, v0;
	v0 =	vmul.f32 $8.000000000e+00, v2  }
0x30b: {  	[tilespmem:v5+s16+$0x0] =	vst.idx.msk $0xffff, v1;
	v1 =	vmul.f32 $8.000000000e+00, v4  }
0x30c: {  	[tilespmem:v6+s16+$0x0] =	vst.idx.msk $0xffff, v0  }
0x30d: {  	[tilespmem:v7+s16+$0x0] =	vst.idx.msk $0xffff, v1  }
0x30e: {  	v0 =	vld [tilespmem:s22+$0x0]  }
0x30f: {  	v1 =	vld [tilespmem:s22+$0x10]  }
0x310: {  	v3 =	vadd.s32 s24, v44;
	v2 =	vld [tilespmem:s22+$0x20]  }
0x311: {  	v5 =	vadd.s32 s24, v45;
	v4 =	vld [tilespmem:s22+$0x30]  }
0x312: {  	v6 =	vadd.s32 s24, v46  }
0x313: {  	v7 =	vadd.s32 s24, v47;
	v0 =	vmul.f32 $8.000000000e+00, v0  }
0x314: {  	v1 =	vmul.f32 $8.000000000e+00, v1  }
0x315: {  	[tilespmem:v3+s16+$0x0] =	vst.idx.msk $0xffff, v0;
	v0 =	vmul.f32 $8.000000000e+00, v2  }
0x316: {  	[tilespmem:v5+s16+$0x0] =	vst.idx.msk $0xffff, v1;
	v1 =	vmul.f32 $8.000000000e+00, v4  }
0x317: {  	[tilespmem:v6+s16+$0x0] =	vst.idx.msk $0xffff, v0  }
0x318: {  	[tilespmem:v7+s16+$0x0] =	vst.idx.msk $0xffff, v1  }
0x319: {  	v0 =	vld [tilespmem:s22+$0x40]  }
0x31a: {  	v1 =	vld [tilespmem:s22+$0x50]  }
0x31b: {  	v3 =	vadd.s32 s24, v48;
	v2 =	vld [tilespmem:s22+$0x60]  }
0x31c: {  	v5 =	vadd.s32 s24, v49;
	v4 =	vld [tilespmem:s22+$0x70]  }
0x31d: {  	v6 =	vadd.s32 s24, v50  }
0x31e: {  	v7 =	vadd.s32 s24, v51;
	v0 =	vmul.f32 $8.000000000e+00, v0  }
0x31f: {  	v1 =	vmul.f32 $8.000000000e+00, v1  }
0x320: {  	[tilespmem:v3+s16+$0x0] =	vst.idx.msk $0xffff, v0;
	v0 =	vmul.f32 $8.000000000e+00, v2  }
0x321: {  	[tilespmem:v5+s16+$0x0] =	vst.idx.msk $0xffff, v1;
	v1 =	vmul.f32 $8.000000000e+00, v4  }
0x322: {  	[tilespmem:v6+s16+$0x0] =	vst.idx.msk $0xffff, v0  }
0x323: {  	[tilespmem:v7+s16+$0x0] =	vst.idx.msk $0xffff, v1  }
0x324: {  	v0 =	vld [tilespmem:s22+$0x80]  }
0x325: {  	v1 =	vld [tilespmem:s22+$0x90]  }
0x326: {  	v3 =	vadd.s32 s24, v52;
	v2 =	vld [tilespmem:s22+$0xA0]  }
0x327: {  	v5 =	vadd.s32 s24, v53;
	v4 =	vld [tilespmem:s22+$0xB0]  }
0x328: {  	v6 =	vadd.s32 s24, v54  }
0x329: {  	v7 =	vadd.s32 s24, v55;
	v0 =	vmul.f32 $8.000000000e+00, v0  }
0x32a: {  	v1 =	vmul.f32 $8.000000000e+00, v1  }
0x32b: {  	[tilespmem:v3+s16+$0x0] =	vst.idx.msk $0xffff, v0;
	v0 =	vmul.f32 $8.000000000e+00, v2  }
0x32c: {  	[tilespmem:v5+s16+$0x0] =	vst.idx.msk $0xffff, v1;
	v1 =	vmul.f32 $8.000000000e+00, v4  }
0x32d: {  	[tilespmem:v6+s16+$0x0] =	vst.idx.msk $0xffff, v0  }
0x32e: {  	[tilespmem:v7+s16+$0x0] =	vst.idx.msk $0xffff, v1  }
0x32f: {  	v0 =	vld [tilespmem:s22+$0xC0]  }
0x330: {  	v1 =	vld [tilespmem:s22+$0xD0]  }
0x331: {  	v3 =	vadd.s32 s24, v56;
	v2 =	vld [tilespmem:s22+$0xE0]  }
0x332: {  	v5 =	vadd.s32 s24, v57;
	v4 =	vld [tilespmem:s22+$0xF0]  }
0x333: {  	v6 =	vadd.s32 s24, v58  }
0x334: {  	v7 =	vadd.s32 s24, v59;
	v0 =	vmul.f32 $8.000000000e+00, v0  }
0x335: {  	v1 =	vmul.f32 $8.000000000e+00, v1  }
0x336: {  	[tilespmem:v3+s16+$0x0] =	vst.idx.msk $0xffff, v0;
	v0 =	vmul.f32 $8.000000000e+00, v2  }
0x337: {  	[tilespmem:v5+s16+$0x0] =	vst.idx.msk $0xffff, v1;
	v1 =	vmul.f32 $8.000000000e+00, v4  }
0x338: {  	[tilespmem:v6+s16+$0x0] =	vst.idx.msk $0xffff, v0  }
0x339: {  	[tilespmem:v7+s16+$0x0] =	vst.idx.msk $0xffff, v1  }
0x33a: {  	v0 =	vld [tilespmem:s22+$0x100]  }
0x33b: {  	v1 =	vld [tilespmem:s22+$0x110]  }
0x33c: {  	v3 =	vadd.s32 s24, v60;
	v2 =	vld [tilespmem:s22+$0x120]  }
0x33d: {  	v5 =	vadd.s32 s24, v61;
	v4 =	vld [tilespmem:s22+$0x130]  }
0x33e: {  	v6 =	vadd.s32 s24, v62  }
0x33f: {  	v7 =	vadd.s32 s24, v63;
	v0 =	vmul.f32 $8.000000000e+00, v0  }
0x340: {  	v1 =	vmul.f32 $8.000000000e+00, v1  }
0x341: {  	[tilespmem:v3+s16+$0x0] =	vst.idx.msk $0xffff, v0;
	v0 =	vmul.f32 $8.000000000e+00, v2  }
0x342: {  	[tilespmem:v5+s16+$0x0] =	vst.idx.msk $0xffff, v1;
	v1 =	vmul.f32 $8.000000000e+00, v4  }
0x343: {  	[tilespmem:v6+s16+$0x0] =	vst.idx.msk $0xffff, v0  }
0x344: {  	[tilespmem:v7+s16+$0x0] =	vst.idx.msk $0xffff, v1  }
0x345: {  	v0 =	vld [tilespmem:s22+$0x140]  }
0x346: {  	v1 =	vld [tilespmem:s22+$0x150]  }
0x347: {  	v3 =	vadd.s32 s24, v16;
	v2 =	vld [tilespmem:s22+$0x160]  }
0x348: {  	v5 =	vadd.s32 s24, v9;
	v4 =	vld [tilespmem:s22+$0x170]  }
0x349: {  	v6 =	vadd.s32 s24, v11  }
0x34a: {  	v7 =	vadd.s32 s24, v13;
	v0 =	vmul.f32 $8.000000000e+00, v0  }
0x34b: {  	v1 =	vmul.f32 $8.000000000e+00, v1  }
0x34c: {  	[tilespmem:v3+s16+$0x0] =	vst.idx.msk $0xffff, v0;
	v0 =	vmul.f32 $8.000000000e+00, v2  }
0x34d: {  	[tilespmem:v5+s16+$0x0] =	vst.idx.msk $0xffff, v1;
	v1 =	vmul.f32 $8.000000000e+00, v4  }
0x34e: {  	[tilespmem:v6+s16+$0x0] =	vst.idx.msk $0xffff, v0  }
0x34f: {  	[tilespmem:v7+s16+$0x0] =	vst.idx.msk $0xffff, v1  }
0x350: {  	v0 =	vld [tilespmem:s22+$0x180]  }
0x351: {  	v1 =	vld [tilespmem:s22+$0x190]  }
0x352: {  	v3 =	vadd.s32 s24, v15;
	v2 =	vld [tilespmem:s22+$0x1A0]  }
0x353: {  	v5 =	vadd.s32 s24, v17;
	v4 =	vld [tilespmem:s22+$0x1B0]  }
0x354: {  	v6 =	vadd.s32 s24, v18  }
0x355: {  	v7 =	vadd.s32 s24, v19;
	v0 =	vmul.f32 $8.000000000e+00, v0  }
0x356: {  	v1 =	vmul.f32 $8.000000000e+00, v1  }
0x357: {  	[tilespmem:v3+s16+$0x0] =	vst.idx.msk $0xffff, v0;
	v0 =	vmul.f32 $8.000000000e+00, v2  }
0x358: {  	[tilespmem:v5+s16+$0x0] =	vst.idx.msk $0xffff, v1;
	v1 =	vmul.f32 $8.000000000e+00, v4  }
0x359: {  	[tilespmem:v6+s16+$0x0] =	vst.idx.msk $0xffff, v0  }
0x35a: {  	[tilespmem:v7+s16+$0x0] =	vst.idx.msk $0xffff, v1  }
0x35b: {  	v0 =	vld [tilespmem:s22+$0x1C0]  }
0x35c: {  	v1 =	vld [tilespmem:s22+$0x1D0]  }
0x35d: {  	v3 =	vadd.s32 s24, v20;
	v2 =	vld [tilespmem:s22+$0x1E0]  }
0x35e: {  	v5 =	vadd.s32 s24, v21  }
0x35f: {  	p0 =	sne.s32 s23, $0x70;
	v6 =	vadd.s32 s24, v22;
	v4 =	vld [tilespmem:s22+$0x1F0]  }
.Ltmp2:
0x360: {  	v7 =	vmul.f32 $8.000000000e+00, v0;
	(pc) =	sbr.rel @p0 .LBB2_7-.Ltmp2, $4  }
0x361: {  	v1 =	vmul.f32 $8.000000000e+00, v1  }
0x362: {  	v2 =	vmul.f32 $8.000000000e+00, v2;
	[tilespmem:v3+s16+$0x0] =	vst.idx.msk $0xffff, v7  }
0x363: {  	[tilespmem:v5+s16+$0x0] =	vst.idx.msk $0xffff, v1  }
0x364: {  	s23 =	sadd.s32 $0x10, s23;
	v0 =	vadd.s32 s24, v23;
	v1 =	vmul.f32 $8.000000000e+00, v4;
	[tilespmem:v6+s16+$0x0] =	vst.idx.msk $0xffff, v2  }
0x365: {  	_ = 	snop  }
0x366: {  	s21 =	sshll.u32 s21, $0x12  }
0x367: {  	s21 =	sor.u32 s6, s21  }
0x368: {  	s21 =	sshrl.u32 s21, $0x3  }
0x369: {  	s28 =	simm.s32 $0xC600;
	[tilespmem:v0+s16+$0x0] =	vst.idx.msk $0xffff, v1;
	s22 =	sadd.s32 s1, s21  }
0x36a: {  	[hbm4b:s22+s3] =	stream.linear.scatter [tilespmem:s28], [sflag:$0x5], $0x80, $0x38;
	[tilespmem:$0xE800] =	vst v63  }
0x36b: {  	s29 =	simm.s32 $0xC688;
	s23 =	sadd.s32 $0x10, s22  }
0x36c: {  	[hbm4b:s23+s3] =	stream.linear.scatter [tilespmem:s29], [sflag:$0x5], $0x80, $0x38;
	[tilespmem:$0xE800] =	vst v63  }
0x36d: {  	s30 =	simm.s32 $0xC710;
	s25 =	simm.s32 $0xC820;
	s31 =	sadd.s32 $0x20, s22  }
0x36e: {  	[hbm4b:s31+s3] =	stream.linear.scatter [tilespmem:s30], [sflag:$0x5], $0x80, $0x38;
	[tilespmem:$0xE800] =	vst v63  }
0x36f: {  	s21 =	simm.s32 $0x440;
	s24 =	sadd.s32 $0x30, s22;
	s23 =	simm.s32 $0xC798  }
0x370: {  	[hbm4b:s24+s3] =	stream.linear.scatter [tilespmem:s23], [sflag:$0x5], $0x80, $0x38;
	[tilespmem:$0xE800] =	vst v63  }
0x371: {  	s26 =	sadd.s32 $0x40, s22;
	s28 =	simm.s32 $0xC8A8;
	s29 =	sadd.s32 $0x50, s22  }
0x372: {  	[hbm4b:s26+s3] =	stream.linear.scatter [tilespmem:s25], [sflag:$0x5], $0x80, $0x38;
	[tilespmem:$0xE800] =	vst v63  }
0x373: {  	s30 =	simm.s32 $0xC930;
	s31 =	sadd.s32 $0x60, s22;
	s23 =	simm.s32 $0x2200  }
0x374: {  	[hbm4b:s29+s3] =	stream.linear.scatter [tilespmem:s28], [sflag:$0x5], $0x80, $0x38;
	[tilespmem:$0xE800] =	vst v63  }
0x375: {  	s24 =	simm.s32 $0xC9B8;
	s25 =	sadd.s32 $0x70, s22;
	s22 =	sadd.s32 $0x1000, s22  }
0x376: {  	[hbm4b:s31+s3] =	stream.linear.scatter [tilespmem:s30], [sflag:$0x5], $0x80, $0x38;
	[tilespmem:$0xE800] =	vst v63  }
.LBB2_9:
0x377: {  	[hbm4b:s25+s3] =	stream.linear.scatter [tilespmem:s24], [sflag:$0x5], $0x80, $0x38;
	[tilespmem:$0xE800] =	vst v63  }
0x378: {  	s24 =	smov.u32 s21;
	s21 =	smov.u32 s23  }
0x379: {  	s26 =	sadd.s32 $0x1100, s23;
	s21 =	sshra.s32 s21, $0x2;
	s25 =	sadd.s32 $0xC600, s24  }
0x37a: {  	[hbm4b:s22+s3] =	stream.linear.scatter [tilespmem:s25], [sflag:$0x5], $0x80, $0x38;
	[tilespmem:$0xE800] =	vst v63  }
0x37b: {  	p0 =	sne.s32 s23, $0x7700;
	s23 =	sadd.s32 $0xC688, s24;
	s25 =	sadd.s32 $0x10, s22  }
0x37c: {  	[hbm4b:s25+s3] =	stream.linear.scatter [tilespmem:s23], [sflag:$0x5], $0x80, $0x38;
	[tilespmem:$0xE800] =	vst v63  }
0x37d: {  	s23 =	sadd.s32 $0xC710, s24;
	s25 =	sadd.s32 $0x20, s22  }
0x37e: {  	[hbm4b:s25+s3] =	stream.linear.scatter [tilespmem:s23], [sflag:$0x5], $0x80, $0x38;
	[tilespmem:$0xE800] =	vst v63  }
0x37f: {  	s23 =	sadd.s32 $0xC798, s24;
	s25 =	sadd.s32 $0x30, s22  }
0x380: {  	[hbm4b:s25+s3] =	stream.linear.scatter [tilespmem:s23], [sflag:$0x5], $0x80, $0x38;
	[tilespmem:$0xE800] =	vst v63  }
0x381: {  	s23 =	sadd.s32 $0xC820, s24;
	s25 =	sadd.s32 $0x40, s22  }
0x382: {  	[hbm4b:s25+s3] =	stream.linear.scatter [tilespmem:s23], [sflag:$0x5], $0x80, $0x38;
	[tilespmem:$0xE800] =	vst v63  }
.Ltmp3:
0x383: {  	s23 =	sadd.s32 $0xC8A8, s24;
	s25 =	sadd.s32 $0x50, s22;
	(pc) =	sbr.rel @p0 .LBB2_9-.Ltmp3, $4  }
0x384: {  	[hbm4b:s25+s3] =	stream.linear.scatter [tilespmem:s23], [sflag:$0x5], $0x80, $0x38;
	[tilespmem:$0xE800] =	vst v63  }
0x385: {  	s23 =	sadd.s32 $0xC930, s24;
	s25 =	sadd.s32 $0x60, s22;
	s24 =	sadd.s32 $0xC9B8, s24  }
0x386: {  	[hbm4b:s25+s3] =	stream.linear.scatter [tilespmem:s23], [sflag:$0x5], $0x80, $0x38;
	[tilespmem:$0xE800] =	vst v63  }
0x387: {  	s25 =	sadd.s32 $0x70, s22;
	s22 =	sadd.s32 $0x1000, s22;
	s23 =	smov.u32 s26  }
0x388: {  	v1 =	vld [tilespmem:$0x1FC20]  }
0x389: {  	v16 =	vld [tilespmem:$0x1FC30]  }
0x38a: {  	v17 =	vld [tilespmem:$0x1FC40]  }
0x38b: {  	v18 =	vld [tilespmem:$0x1FC50]  }
0x38c: {  	v19 =	vld [tilespmem:$0x1FC60]  }
0x38d: {  	v20 =	vld [tilespmem:$0x1FC70]  }
0x38e: {  	v21 =	vld [tilespmem:$0x1FC80]  }
0x38f: {  	v22 =	vld [tilespmem:$0x1FC90]  }
0x390: {  	v23 =	vld [tilespmem:$0x1FCA0]  }
0x391: {  	v24 =	vld [tilespmem:$0x1FCB0]  }
0x392: {  	v26 =	vld [tilespmem:$0x1FCC0]  }
0x393: {  	v27 =	vld [tilespmem:$0x1FCD0]  }
0x394: {  	v28 =	vld [tilespmem:$0x1FCE0]  }
0x395: {  	v29 =	vld [tilespmem:$0x1FCF0]  }
0x396: {  	v30 =	vld [tilespmem:$0x1FD00]  }
0x397: {  	v31 =	vld [tilespmem:$0x1FD10]  }
0x398: {  	v32 =	vld [tilespmem:$0x1FD20]  }
0x399: {  	v33 =	vld [tilespmem:$0x1FD30]  }
0x39a: {  	v34 =	vld [tilespmem:$0x1FD40]  }
0x39b: {  	v35 =	vld [tilespmem:$0x1FD50]  }
0x39c: {  	v36 =	vld [tilespmem:$0x1FD60]  }
0x39d: {  	v37 =	vld [tilespmem:$0x1FD70]  }
0x39e: {  	v38 =	vld [tilespmem:$0x1FD80]  }
0x39f: {  	v39 =	vld [tilespmem:$0x1FD90]  }
0x3a0: {  	v40 =	vld [tilespmem:$0x1FDA0]  }
0x3a1: {  	v41 =	vld [tilespmem:$0x1FDB0]  }
0x3a2: {  	v42 =	vld [tilespmem:$0x1FDC0]  }
0x3a3: {  	v43 =	vld [tilespmem:$0x1FDD0]  }
0x3a4: {  	v44 =	vld [tilespmem:$0x1FDE0]  }
0x3a5: {  	v45 =	vld [tilespmem:$0x1FDF0]  }
0x3a6: {  	v46 =	vld [tilespmem:$0x1FE00]  }
0x3a7: {  	v47 =	vld [tilespmem:$0x1FE10]  }
0x3a8: {  	v49 =	vld [tilespmem:$0x1FE30]  }
0x3a9: {  	v50 =	vld [tilespmem:$0x1FE40]  }
0x3aa: {  	v51 =	vld [tilespmem:$0x1FE50]  }
0x3ab: {  	v52 =	vld [tilespmem:$0x1FE60]  }
0x3ac: {  	v53 =	vld [tilespmem:$0x1FE70]  }
0x3ad: {  	v54 =	vld [tilespmem:$0x1FE80]  }
0x3ae: {  	v55 =	vld [tilespmem:$0x1FE90]  }
0x3af: {  	[hbm4b:s25+s3] =	stream.linear.scatter [tilespmem:s24], [sflag:$0x5], $0x80, $0x38;
	v56 =	vld [tilespmem:$0x1FEA0]  }
0x3b0: {  	s23 =	sadd.s32 $0xC600, s21;
	v57 =	vld [tilespmem:$0x1FEB0]  }
0x3b1: {  	v58 =	vld [tilespmem:$0x1FEC0];
	[hbm4b:s22+s3] =	stream.linear.scatter [tilespmem:s23], [sflag:$0x5], $0x80, $0x38  }
0x3b2: {  	s30 =	sadd.s32 $0xC688, s21;
	s31 =	sadd.s32 $0x10, s22;
	v59 =	vld [tilespmem:$0x1FED0]  }
0x3b3: {  	v60 =	vld [tilespmem:$0x1FEE0];
	[hbm4b:s31+s3] =	stream.linear.scatter [tilespmem:s30], [sflag:$0x5], $0x80, $0x38  }
0x3b4: {  	s25 =	sadd.s32 $0xC710, s21;
	s26 =	sadd.s32 $0x20, s22;
	v61 =	vld [tilespmem:$0x1FEF0]  }
0x3b5: {  	v62 =	vld [tilespmem:$0x1FF00];
	[hbm4b:s26+s3] =	stream.linear.scatter [tilespmem:s25], [sflag:$0x5], $0x80, $0x38  }
0x3b6: {  	s28 =	sadd.s32 $0xC798, s21;
	s29 =	sadd.s32 $0x30, s22;
	v63 =	vld [tilespmem:$0x1FF10]  }
0x3b7: {  	v2 =	vld [tilespmem:$0x1FF20];
	[hbm4b:s29+s3] =	stream.linear.scatter [tilespmem:s28], [sflag:$0x5], $0x80, $0x38  }
0x3b8: {  	s20 =	sadd.s32 $0x1, s20;
	v3 =	vld [tilespmem:$0x1FF30];
	s30 =	sadd.s32 $0xC820, s21;
	s31 =	sadd.s32 $0x40, s22  }
0x3b9: {  	v4 =	vld [tilespmem:$0x1FF40];
	[hbm4b:s31+s3] =	stream.linear.scatter [tilespmem:s30], [sflag:$0x5], $0x80, $0x38  }
0x3ba: {  	v5 =	vld [tilespmem:$0x1FF50];
	p0 =	sne.s32 s20, $0x64;
	s25 =	sadd.s32 $0xC8A8, s21;
	s26 =	sadd.s32 $0x50, s22  }
0x3bb: {  	v6 =	vld [tilespmem:$0x1FF60];
	[hbm4b:s26+s3] =	stream.linear.scatter [tilespmem:s25], [sflag:$0x5], $0x80, $0x38  }
.Ltmp4:
0x3bc: {  	v7 =	vld [tilespmem:$0x1FF70];
	(pc) =	sbr.rel @p0 .LBB2_2-.Ltmp4, $4  }
0x3bd: {  	v9 =	vmov v8;
	v8 =	vld [tilespmem:$0x1FF80];
	s28 =	sadd.s32 $0xC930, s21;
	s29 =	sadd.s32 $0x60, s22  }
0x3be: {  	v11 =	vmov v10;
	v10 =	vld [tilespmem:$0x1FF90];
	[hbm4b:s29+s3] =	stream.linear.scatter [tilespmem:s28], [sflag:$0x5], $0x80, $0x38  }
0x3bf: {  	v13 =	vmov v12;
	v12 =	vld [tilespmem:$0x1FFA0];
	s30 =	sadd.s32 $0xC9B8, s21;
	s31 =	sadd.s32 $0x70, s22  }
0x3c0: {  	v15 =	vmov v14;
	v14 =	vld [tilespmem:$0x1FFB0];
	[hbm4b:s31+s3] =	stream.linear.scatter [tilespmem:s30], [sflag:$0x5], $0x80, $0x38  }
0x3c1: {  	s19 =	sadd.s32 $0x1, s19  }
0x3c2: {  	_ =	swait.ge [sflag:s17], $0x2000;
	p0 =	sne.s32 s19, s7  }
.Ltmp5:
0x3c3: {  	[sflag:s17] =	ssyncset.done $0x0;
	(pc) =	sbr.rel @p0 .LBB2_1-.Ltmp5, $4  }
0x3c4: {  	[sflag:s17] =	ssyncadd.s32 $0xFFFFE000  }
0x3c5: {  	_ =	swait.ge [sflag:s18], $0x2000  }
0x3c6: {  	[sflag:s18] =	ssyncset.done $0x0  }
0x3c7: {  	[sflag:s18] =	ssyncadd.s32 $0xFFFFE000  }
0x3c8: {  	_ =	sfence.sel $0x180000  }
0x3c9: {  	[bflag:$0x0] =	sbarrier.arrive $0xFFFF  }
0x3ca: {  	p0 =	sne.s32 s2, $0x0;
	_ =	strace $0x90000047  }
0x3cb: {  	s0 =	sadd.s32 @!p0 $0x100000, s0;
	[bflag:$0x2] =	sbarrier.arrive $0xFFFF  }
0x3cc: {  	[sflag:s0] =	ssyncadd.tile.s32 @!p0 $0x1;
	_ =	shalt  }
.Lfunc_end2:
_tile_overlayer_lowered:
.L_overlay_start_2:
0x3cd: {  	(tag) =	ssettag $0x2  }
0x3ce: {  	s0 =	rddreg [dreg:$0x0];
	s2 =	stileid.u32  }
0x3cf: {  	s1 =	rddreg [dreg:$0x1];
	p0 =	sne.s32 s2, $0x0  }
0x3d0: {  	s3 =	rddreg [dreg:$0x2];
	[bflag:$0x3] =	sbarrier.arrive $0xFFFF;
	s2 =	simm.s32 @!p0 $0x1C06  }
0x3d1: {  	[timem:s3], [sflag:s2] =	dma.local @!p0 [hbm:s0], s1  }
0x3d2: {  	s0 =	simm.s32 @!p0 $0x6  }
0x3d3: {  	_ =	swait.ge @!p0 [sflag:s0], s1  }
0x3d4: {  	s1 =	ssub.s32 @!p0 $0x0, s1;
	[sflag:s0] =	ssyncset.done @!p0 $0x0  }
0x3d5: {  	[sflag:s0] =	ssyncadd.s32 @!p0 s1  }
0x3d6: {  	[bflag:$0x3] =	sbarrier.arrive $0xFFFF  }
0x3d7: {  	_ =	shalt  }

</sc_bundles>
